<compile_context>
chip_gen: v7x
topology: tpu7x:2x2x1
jax: 0.10.2.dev20260603
libtpu: 0.0.44.dev20260713+nightly
codegen_flags: <defaults>
</compile_context>

<pallas_src>
import functools

import jax
import jax.numpy as jnp
from jax import lax
from jax.experimental import pallas as pl
from jax.experimental.pallas import tpu as pltpu
from jax.experimental.pallas import tpu_sc as plsc

B, S, H = 4, 8192, 768
E, K = 64, 8
T = B * S
P = T * K
BLK = 256
NB = P // BLK + E
PADDED = NB * BLK
BT = 512

NC, NS = 2, 16
NW = NC * NS
ROWS_PER_W = PADDED // NW
GCH = 64
TPW = T // NW
CT = 8



def _router_body(x_ref, gw_ref, gb_ref, logits_ref, topw_ref, topi_ref):
    x = x_ref[...]
    logits = lax.dot_general(x, gw_ref[...], (((1,), (1,)), ((), ())),
                             preferred_element_type=jnp.float32) + gb_ref[...]
    logits_ref[...] = logits
    cur = logits
    iota = lax.broadcasted_iota(jnp.int32, (BT, E), 1)
    ws, ids = [], []
    for _ in range(K):
        m = jnp.max(cur, axis=1, keepdims=True)
        idx = jnp.min(jnp.where(cur == m, iota, E), axis=1, keepdims=True)
        ws.append(m)
        ids.append(idx)
        cur = jnp.where(iota == idx, -1e30, cur)
    l8 = jnp.concatenate(ws, axis=1)
    e8 = jnp.exp(l8 - l8[:, 0:1])
    topw_ref[...] = e8 / jnp.sum(e8, axis=1, keepdims=True)
    topi_ref[...] = jnp.concatenate(ids, axis=1)


def _router(hs, gate_w, gate_b2):
    return pl.pallas_call(
        _router_body,
        grid=(T // BT,),
        in_specs=[
            pl.BlockSpec((BT, H), lambda i: (i, 0)),
            pl.BlockSpec((E, H), lambda i: (0, 0)),
            pl.BlockSpec((1, E), lambda i: (0, 0)),
        ],
        out_specs=[
            pl.BlockSpec((BT, E), lambda i: (i, 0)),
            pl.BlockSpec((BT, K), lambda i: (i, 0)),
            pl.BlockSpec((BT, K), lambda i: (i, 0)),
        ],
        out_shape=[
            jax.ShapeDtypeStruct((T, E), jnp.float32),
            jax.ShapeDtypeStruct((T, K), jnp.float32),
            jax.ShapeDtypeStruct((T, K), jnp.int32),
        ],
    )(hs, gate_w, gate_b2)




def _gmm_body(beid_ref, x_ref, w_ref, b_ref, wp_ref, out_ref):
    del beid_ref
    x16 = x_ref[...].astype(jnp.bfloat16)
    w16 = w_ref[0].astype(jnp.bfloat16)
    acc = lax.dot_general(x16, w16, (((1,), (1,)), ((), ())),
                          preferred_element_type=jnp.float32)
    out_ref[...] = (acc + b_ref[0]) * wp_ref[...]


def _grouped_matmul(block_eid, xs, expert_w, expert_b, wp):
    grid_spec = pltpu.PrefetchScalarGridSpec(
        num_scalar_prefetch=1,
        grid=(NB,),
        in_specs=[
            pl.BlockSpec((BLK, H), lambda i, beid: (i, 0)),
            pl.BlockSpec((1, H, H), lambda i, beid: (beid[i], 0, 0)),
            pl.BlockSpec((1, 1, H), lambda i, beid: (beid[i], 0, 0)),
            pl.BlockSpec((BLK, 1), lambda i, beid: (i, 0)),
        ],
        out_specs=pl.BlockSpec((BLK, H), lambda i, beid: (i, 0)),
    )
    return pl.pallas_call(
        _gmm_body,
        grid_spec=grid_spec,
        out_shape=jax.ShapeDtypeStruct((PADDED, H), jnp.float32),
    )(block_eid, xs, expert_w, expert_b, wp)




def _make_sc_mesh():
    return plsc.VectorSubcoreMesh(core_axis_name="c", subcore_axis_name="s",
                                  num_cores=NC, num_subcores=NS)


DCT = 32


def _sc_dispatch(hs, dest_kt, w_kt):
    @functools.partial(
        pl.kernel,
        out_type=(jax.ShapeDtypeStruct((PADDED, H), jnp.float32),
                  jax.ShapeDtypeStruct((PADDED,), jnp.float32)),
        mesh=_make_sc_mesh(),
        scratch_types=[
            pltpu.VMEM((K, DCT), jnp.int32),
            pltpu.VMEM((K, DCT), jnp.float32),
            pltpu.VMEM((DCT, H), jnp.float32),
            pltpu.SemaphoreType.DMA,
        ],
    )
    def k(hs_hbm, dest_hbm, w_hbm, out_hbm, ws_hbm, idx_v, wv, tok_v, sem):
        wid = lax.axis_index("s") * NC + lax.axis_index("c")
        tbase = wid * TPW

        def body(i, carry):
            t0 = tbase + i * DCT
            pltpu.sync_copy(hs_hbm.at[pl.ds(t0, DCT)], tok_v)
            for kk in range(K):
                pltpu.sync_copy(dest_hbm.at[pl.ds(kk * T + t0, DCT)],
                                idx_v.at[kk])
                pltpu.sync_copy(w_hbm.at[pl.ds(kk * T + t0, DCT)], wv.at[kk])
            for kk in range(K):
                pltpu.async_copy(tok_v, out_hbm.at[idx_v.at[kk]], sem)
                pltpu.async_copy(wv.at[kk], ws_hbm.at[idx_v.at[kk]], sem)
            for kk in range(K):
                pltpu.make_async_copy(tok_v, out_hbm.at[idx_v.at[kk]], sem).wait()
                pltpu.make_async_copy(wv.at[kk], ws_hbm.at[idx_v.at[kk]], sem).wait()
            return carry

        lax.fori_loop(0, TPW // DCT, body, 0)

    return k(hs, dest_kt, w_kt)




def _sc_combine(out_rows, pos):
    @functools.partial(
        pl.kernel,
        out_type=jax.ShapeDtypeStruct((T, H), jnp.float32),
        mesh=_make_sc_mesh(),
        scratch_types=[
            pltpu.VMEM((CT * K,), jnp.int32),
            pltpu.VMEM((CT * K, H), jnp.float32),
            pltpu.VMEM((CT, H), jnp.float32),
            pltpu.SemaphoreType.DMA,
        ],
    )
    def k(rows_hbm, pos_hbm, out_hbm, idx_v, rows_v, acc_v, sem):
        wid = lax.axis_index("s") * NC + lax.axis_index("c")
        tbase = wid * TPW

        def body(i, carry):
            t0 = tbase + i * CT
            pltpu.sync_copy(pos_hbm.at[pl.ds(t0 * K, CT * K)], idx_v)
            pltpu.async_copy(rows_hbm.at[idx_v], rows_v, sem).wait()

            def jbody(j, c2):
                jj = pl.ds(pl.multiple_of(j * 16, 16), 16)
                for t in range(CT):
                    acc = rows_v[t * K, jj]
                    for r in range(1, K):
                        acc = acc + rows_v[t * K + r, jj]
                    acc_v[t, jj] = acc
                return c2

            lax.fori_loop(0, H // 16, jbody, 0)
            pltpu.sync_copy(acc_v, out_hbm.at[pl.ds(t0, CT)])
            return carry

        lax.fori_loop(0, TPW // CT, body, 0)

    return k(out_rows, pos)




def kernel(x, gate_w, gate_b, expert_w, expert_b):
    hs = x.reshape(T, H)
    logits, topw, topi = _router(hs, gate_w, gate_b.reshape(1, E))

    onehot = (topi[:, :, None] == jnp.arange(E, dtype=jnp.int32)[None, None, :]
              ).astype(jnp.float32)
    cnt = onehot.sum(axis=1).astype(jnp.int32)
    csum = jnp.cumsum(cnt, axis=0)
    counts = csum[-1]
    cexcl = (csum - cnt).astype(jnp.float32)
    rank = jnp.einsum("tke,te->tk", onehot, cexcl,
                      precision=lax.Precision.HIGHEST)

    padded_counts = ((counts + BLK - 1) // BLK) * BLK
    padded_end = jnp.cumsum(padded_counts).astype(jnp.int32)
    padded_off = (padded_end - padded_counts).astype(jnp.float32)
    off_tk = jnp.einsum("tke,e->tk", onehot, padded_off,
                        precision=lax.Precision.HIGHEST)
    dest = (rank + off_tk).astype(jnp.int32)

    block_eid = jnp.searchsorted(
        padded_end, jnp.arange(NB, dtype=jnp.int32) * BLK, side="right")
    block_eid = jnp.minimum(block_eid, E - 1).astype(jnp.int32)

    xs, ws = _sc_dispatch(hs, dest.T.reshape(P), topw.T.reshape(P))
    out_rows = _grouped_matmul(block_eid, xs, expert_w,
                               expert_b.reshape(E, 1, H),
                               ws.reshape(PADDED, 1))
    final = _sc_combine(out_rows, dest.reshape(P))
    return final.reshape(B, S, H), logits

# --- scband reference (transcript-rebuilt; emitter-appended) ---
"""Pipeline reference for scband-sparse-moe-22153441313344 (READ-ONLY COPY).

The authoritative reference and input builder live on the scoring server;
editing this copy changes nothing except your own understanding.
"""

import jax, jax.numpy as jnp
import numpy as np

B, S, HIDDEN = 4, 8192, 768
E, TOPK = 64, 8

def setup_inputs(seed: int = 0) -> dict:
    key = jax.random.key(seed)
    k0, k1, k2, k3, k4 = jax.random.split(key, 5)
    x = jax.random.normal(k0, (B, S, HIDDEN), dtype=jnp.float32)
    gate_w = jax.random.normal(k1, (E, HIDDEN), dtype=jnp.float32) * 0.02
    gate_b = jnp.zeros((E,), dtype=jnp.float32)
    expert_w = jax.random.normal(k2, (E, HIDDEN, HIDDEN), dtype=jnp.float32) * 0.02
    expert_b = jax.random.normal(k3, (E, HIDDEN), dtype=jnp.float32) * 0.01
    return {"x": x, "gate_w": gate_w, "gate_b": gate_b, "expert_w": expert_w, "expert_b": expert_b}

def reference(x, gate_w, gate_b, expert_w, expert_b):
    bsz, seq, d = x.shape
    hs = x.reshape(-1, d)
    # Router: gate linear -> softmax -> topk -> renormalize
    router_logits = hs @ gate_w.T + gate_b
    router_probs = jax.nn.softmax(router_logits.astype(jnp.float32), axis=1)
    router_weights, selected = jax.lax.top_k(router_probs, TOPK)
    router_weights = router_weights / jnp.sum(router_weights, axis=-1, keepdims=True)
    router_weights = router_weights.astype(x.dtype)
    # per-token per-expert combine weight (equivalent to one_hot expert_mask + index_add loop)
    onehot = jax.nn.one_hot(selected, E, dtype=router_weights.dtype)  # [T, TOPK, E]
    tok_w = jnp.einsum('tk,tke->te', router_weights, onehot)          # [T, E]
    final = jnp.zeros_like(hs)
    for e in range(E):
        out_e = hs @ expert_w[e].T + expert_b[e]
        final = final + out_e * tok_w[:, e:e+1]
    final = final.reshape(bsz, seq, d)
    return (final, router_logits)

if __name__ == "__main__":
    import jax
    _d = setup_inputs()
    print(jax.jit(kernel)(*tuple(_d.values())))

</pallas_src>

<mosaic_0001>
#map = affine_map<(d0, d1) -> (0, 0)>
#map1 = affine_map<(d0, d1) -> (0)>
module attributes {stable_mosaic.version = 14 : i64} {
  func.func @k(%arg0: i32, %arg1: i32, %arg2: memref<278528x768xf32, #tpu.memory_space<hbm>>, %arg3: memref<262144xi32, #tpu.memory_space<hbm>>, %arg4: memref<32768x768xf32, #tpu.memory_space<hbm>>, %arg5: memref<64xi32, #tpu.memory_space<vmem>>, %arg6: memref<64x768xf32, #tpu.memory_space<vmem>>, %arg7: memref<8x768xf32, #tpu.memory_space<vmem>>, %arg8: memref<!tpu.dma_semaphore, #tpu.memory_space<semaphore_mem>>) attributes {dimension_semantics = [#tpu.dimension_semantics<core_parallel>, #tpu.dimension_semantics<subcore_parallel>], iteration_bounds = array<i64: 2, 16>, scalar_prefetch = 0 : i64, scratch_operands = 4 : i64, tpu.core_type = #tpu.core_type<sc_vector_subcore>, window_params = [{transform_indices = #map}, {transform_indices = #map1}, {transform_indices = #map}]} {
    %mul3A = arith.constant 2 : i32
    %mul3A_0 = arith.muli %arg1, %mul3A : i32
    %add3A = arith.addi %mul3A_0, %arg0 : i32
    %mul3A_1 = arith.constant 1024 : i32
    %mul3A_2 = arith.muli %add3A, %mul3A_1 : i32
    %scan3A = arith.constant 0 : i32
    %scan3A_3 = arith.constant 0 : i32
    %scan3A_4 = arith.constant 128 : i32
    %scan3A_5 = arith.addi %scan3A_3, %scan3A_4 : i32
    %scan3A_6 = arith.constant 1 : i32
    scf.for %scan3A_8 = %scan3A_3 to %scan3A_5 step %scan3A_6  : i32 {
      %mul3A_9 = arith.constant 8 : i32
      %mul3A_10 = arith.muli %scan3A_8, %mul3A_9 : i32
      %add3A_11 = arith.addi %mul3A_2, %mul3A_10 : i32
      %mul3A_12 = arith.constant 8 : i32
      %mul3A_13 = arith.muli %add3A_11, %mul3A_12 : i32
      "tpu.region"() ({
        %run_scoped3A = tpu.sem_alloc : memref<!tpu.dma_semaphore, #tpu.memory_space<semaphore_mem>>
        %dma_start3A_24 = tpu.memref_slice %arg3[%mul3A_13] : memref<262144xi32, #tpu.memory_space<hbm>> -> memref<64xi32, #tpu.memory_space<hbm>>
        %dma_start3A_25 = tpu.memref_slice %arg3[%mul3A_13] : memref<262144xi32, #tpu.memory_space<hbm>> -> memref<64xi32, #tpu.memory_space<hbm>>
        tpu.enqueue_dma source(%dma_start3A_25 : memref<64xi32, #tpu.memory_space<hbm>>) target(%arg5 : memref<64xi32, #tpu.memory_space<vmem>>) target_semaphore(%run_scoped3A : memref<!tpu.dma_semaphore, #tpu.memory_space<semaphore_mem>>)
        %dma_wait3A_26 = tpu.memref_slice %arg3[%mul3A_13] : memref<262144xi32, #tpu.memory_space<hbm>> -> memref<64xi32, #tpu.memory_space<hbm>>
        %dma_wait3A_27 = tpu.memref_slice %arg3[%mul3A_13] : memref<262144xi32, #tpu.memory_space<hbm>> -> memref<64xi32, #tpu.memory_space<hbm>>
        tpu.wait_dma2 semaphore(%run_scoped3A : memref<!tpu.dma_semaphore, #tpu.memory_space<semaphore_mem>>) src(%dma_wait3A_27 : memref<64xi32, #tpu.memory_space<hbm>>) dst(%arg5 : memref<64xi32, #tpu.memory_space<vmem>>)
        tpu.yield
      }) : () -> ()
      %dma_start3A = arith.constant 0 : i32
      %dma_start3A_14 = arith.constant 0 : i32
      %dma_start3A_15 = tpu.memref_slice %arg2[%dma_start3A, %dma_start3A_14] : memref<278528x768xf32, #tpu.memory_space<hbm>> -> memref<278528x768xf32, #tpu.memory_space<hbm>>
      tpu.enqueue_indirect_dma source(%dma_start3A_15 : memref<278528x768xf32, #tpu.memory_space<hbm>>) target(%arg6 : memref<64x768xf32, #tpu.memory_space<vmem>>) offsets(%arg5 : memref<64xi32, #tpu.memory_space<vmem>>) semaphore(%arg8 : memref<!tpu.dma_semaphore, #tpu.memory_space<semaphore_mem>>)
      %dma_wait3A = arith.constant 0 : i32
      %dma_wait3A_16 = arith.constant 0 : i32
      %dma_wait3A_17 = tpu.memref_slice %arg2[%dma_wait3A, %dma_wait3A_16] : memref<278528x768xf32, #tpu.memory_space<hbm>> -> memref<278528x768xf32, #tpu.memory_space<hbm>>
      tpu.wait_indirect_dma semaphore(%arg8 : memref<!tpu.dma_semaphore, #tpu.memory_space<semaphore_mem>>) src(%dma_wait3A_17 : memref<278528x768xf32, #tpu.memory_space<hbm>>) dst(%arg6 : memref<64x768xf32, #tpu.memory_space<vmem>>)
      %scan3A_18 = arith.constant 0 : i32
      %scan3A_19 = arith.constant 0 : i32
      %scan3A_20 = arith.constant 48 : i32
      %scan3A_21 = arith.addi %scan3A_19, %scan3A_20 : i32
      %scan3A_22 = arith.constant 1 : i32
      scf.for %scan3A_24 = %scan3A_19 to %scan3A_21 step %scan3A_22  : i32 {
        %mul3A_25 = arith.constant 16 : i32
        %mul3A_26 = arith.muli %scan3A_24, %mul3A_25 : i32
        %multiple_of3A = tpu.assume_multiple %mul3A_26, 16 : i32
        %get3A = arith.constant 0 : i32
        %get3A_27 = arith.index_cast %get3A : i32 to index
        %get3A_28 = arith.index_cast %multiple_of3A : i32 to index
        %get3A_29 = tpu.vector_load %arg6[%get3A_27, %get3A_28] {strides = array<i32>} : memref<64x768xf32, #tpu.memory_space<vmem>>, vector<1x16xf32>,
        %get3A_30 = vector.shape_cast %get3A_29 : vector<1x16xf32> to vector<16xf32>
        %get3A_31 = arith.constant 1 : i32
        %get3A_32 = arith.index_cast %get3A_31 : i32 to index
        %get3A_33 = arith.index_cast %multiple_of3A : i32 to index
        %get3A_34 = tpu.vector_load %arg6[%get3A_32, %get3A_33] {strides = array<i32>} : memref<64x768xf32, #tpu.memory_space<vmem>>, vector<1x16xf32>,
        %get3A_35 = vector.shape_cast %get3A_34 : vector<1x16xf32> to vector<16xf32>
        %add3A_36 = arith.addf %get3A_30, %get3A_35 : vector<16xf32>
        %get3A_37 = arith.constant 2 : i32
        %get3A_38 = arith.index_cast %get3A_37 : i32 to index
        %get3A_39 = arith.index_cast %multiple_of3A : i32 to index
        %get3A_40 = tpu.vector_load %arg6[%get3A_38, %get3A_39] {strides = array<i32>} : memref<64x768xf32, #tpu.memory_space<vmem>>, vector<1x16xf32>,
        %get3A_41 = vector.shape_cast %get3A_40 : vector<1x16xf32> to vector<16xf32>
        %add3A_42 = arith.addf %add3A_36, %get3A_41 : vector<16xf32>
        %get3A_43 = arith.constant 3 : i32
        %get3A_44 = arith.index_cast %get3A_43 : i32 to index
        %get3A_45 = arith.index_cast %multiple_of3A : i32 to index
        %get3A_46 = tpu.vector_load %arg6[%get3A_44, %get3A_45] {strides = array<i32>} : memref<64x768xf32, #tpu.memory_space<vmem>>, vector<1x16xf32>,
        %get3A_47 = vector.shape_cast %get3A_46 : vector<1x16xf32> to vector<16xf32>
        %add3A_48 = arith.addf %add3A_42, %get3A_47 : vector<16xf32>
        %get3A_49 = arith.constant 4 : i32
        %get3A_50 = arith.index_cast %get3A_49 : i32 to index
        %get3A_51 = arith.index_cast %multiple_of3A : i32 to index
        %get3A_52 = tpu.vector_load %arg6[%get3A_50, %get3A_51] {strides = array<i32>} : memref<64x768xf32, #tpu.memory_space<vmem>>, vector<1x16xf32>,
        %get3A_53 = vector.shape_cast %get3A_52 : vector<1x16xf32> to vector<16xf32>
        %add3A_54 = arith.addf %add3A_48, %get3A_53 : vector<16xf32>
        %get3A_55 = arith.constant 5 : i32
        %get3A_56 = arith.index_cast %get3A_55 : i32 to index
        %get3A_57 = arith.index_cast %multiple_of3A : i32 to index
        %get3A_58 = tpu.vector_load %arg6[%get3A_56, %get3A_57] {strides = array<i32>} : memref<64x768xf32, #tpu.memory_space<vmem>>, vector<1x16xf32>,
        %get3A_59 = vector.shape_cast %get3A_58 : vector<1x16xf32> to vector<16xf32>
        %add3A_60 = arith.addf %add3A_54, %get3A_59 : vector<16xf32>
        %get3A_61 = arith.constant 6 : i32
        %get3A_62 = arith.index_cast %get3A_61 : i32 to index
        %get3A_63 = arith.index_cast %multiple_of3A : i32 to index
        %get3A_64 = tpu.vector_load %arg6[%get3A_62, %get3A_63] {strides = array<i32>} : memref<64x768xf32, #tpu.memory_space<vmem>>, vector<1x16xf32>,
        %get3A_65 = vector.shape_cast %get3A_64 : vector<1x16xf32> to vector<16xf32>
        %add3A_66 = arith.addf %add3A_60, %get3A_65 : vector<16xf32>
        %get3A_67 = arith.constant 7 : i32
        %get3A_68 = arith.index_cast %get3A_67 : i32 to index
        %get3A_69 = arith.index_cast %multiple_of3A : i32 to index
        %get3A_70 = tpu.vector_load %arg6[%get3A_68, %get3A_69] {strides = array<i32>} : memref<64x768xf32, #tpu.memory_space<vmem>>, vector<1x16xf32>,
        %get3A_71 = vector.shape_cast %get3A_70 : vector<1x16xf32> to vector<16xf32>
        %add3A_72 = arith.addf %add3A_66, %get3A_71 : vector<16xf32>
        %swap3A = arith.constant 0 : i32
        %swap3A_73 = arith.index_cast %swap3A : i32 to index
        %swap3A_74 = arith.index_cast %multiple_of3A : i32 to index
        %swap3A_75 = tpu.vector_load %arg7[%swap3A_73, %swap3A_74] {strides = array<i32>} : memref<8x768xf32, #tpu.memory_space<vmem>>, vector<1x16xf32>,
        %swap3A_76 = vector.shape_cast %swap3A_75 : vector<1x16xf32> to vector<16xf32>
        %swap3A_77 = vector.shape_cast %add3A_72 : vector<16xf32> to vector<1x16xf32>
        tpu.vector_store %arg7[%swap3A_73, %swap3A_74], %swap3A_77 {strides = array<i32>} : memref<8x768xf32, #tpu.memory_space<vmem>>, vector<1x16xf32>,
        %get3A_78 = arith.constant 8 : i32
        %get3A_79 = arith.index_cast %get3A_78 : i32 to index
        %get3A_80 = arith.index_cast %multiple_of3A : i32 to index
        %get3A_81 = tpu.vector_load %arg6[%get3A_79, %get3A_80] {strides = array<i32>} : memref<64x768xf32, #tpu.memory_space<vmem>>, vector<1x16xf32>,
        %get3A_82 = vector.shape_cast %get3A_81 : vector<1x16xf32> to vector<16xf32>
        %get3A_83 = arith.constant 9 : i32
        %get3A_84 = arith.index_cast %get3A_83 : i32 to index
        %get3A_85 = arith.index_cast %multiple_of3A : i32 to index
        %get3A_86 = tpu.vector_load %arg6[%get3A_84, %get3A_85] {strides = array<i32>} : memref<64x768xf32, #tpu.memory_space<vmem>>, vector<1x16xf32>,
        %get3A_87 = vector.shape_cast %get3A_86 : vector<1x16xf32> to vector<16xf32>
        %add3A_88 = arith.addf %get3A_82, %get3A_87 : vector<16xf32>
        %get3A_89 = arith.constant 10 : i32
        %get3A_90 = arith.index_cast %get3A_89 : i32 to index
        %get3A_91 = arith.index_cast %multiple_of3A : i32 to index
        %get3A_92 = tpu.vector_load %arg6[%get3A_90, %get3A_91] {strides = array<i32>} : memref<64x768xf32, #tpu.memory_space<vmem>>, vector<1x16xf32>,
        %get3A_93 = vector.shape_cast %get3A_92 : vector<1x16xf32> to vector<16xf32>
        %add3A_94 = arith.addf %add3A_88, %get3A_93 : vector<16xf32>
        %get3A_95 = arith.constant 11 : i32
        %get3A_96 = arith.index_cast %get3A_95 : i32 to index
        %get3A_97 = arith.index_cast %multiple_of3A : i32 to index
        %get3A_98 = tpu.vector_load %arg6[%get3A_96, %get3A_97] {strides = array<i32>} : memref<64x768xf32, #tpu.memory_space<vmem>>, vector<1x16xf32>,
        %get3A_99 = vector.shape_cast %get3A_98 : vector<1x16xf32> to vector<16xf32>
        %add3A_100 = arith.addf %add3A_94, %get3A_99 : vector<16xf32>
        %get3A_101 = arith.constant 12 : i32
        %get3A_102 = arith.index_cast %get3A_101 : i32 to index
        %get3A_103 = arith.index_cast %multiple_of3A : i32 to index
        %get3A_104 = tpu.vector_load %arg6[%get3A_102, %get3A_103] {strides = array<i32>} : memref<64x768xf32, #tpu.memory_space<vmem>>, vector<1x16xf32>,
        %get3A_105 = vector.shape_cast %get3A_104 : vector<1x16xf32> to vector<16xf32>
        %add3A_106 = arith.addf %add3A_100, %get3A_105 : vector<16xf32>
        %get3A_107 = arith.constant 13 : i32
        %get3A_108 = arith.index_cast %get3A_107 : i32 to index
        %get3A_109 = arith.index_cast %multiple_of3A : i32 to index
        %get3A_110 = tpu.vector_load %arg6[%get3A_108, %get3A_109] {strides = array<i32>} : memref<64x768xf32, #tpu.memory_space<vmem>>, vector<1x16xf32>,
        %get3A_111 = vector.shape_cast %get3A_110 : vector<1x16xf32> to vector<16xf32>
        %add3A_112 = arith.addf %add3A_106, %get3A_111 : vector<16xf32>
        %get3A_113 = arith.constant 14 : i32
        %get3A_114 = arith.index_cast %get3A_113 : i32 to index
        %get3A_115 = arith.index_cast %multiple_of3A : i32 to index
        %get3A_116 = tpu.vector_load %arg6[%get3A_114, %get3A_115] {strides = array<i32>} : memref<64x768xf32, #tpu.memory_space<vmem>>, vector<1x16xf32>,
        %get3A_117 = vector.shape_cast %get3A_116 : vector<1x16xf32> to vector<16xf32>
        %add3A_118 = arith.addf %add3A_112, %get3A_117 : vector<16xf32>
        %get3A_119 = arith.constant 15 : i32
        %get3A_120 = arith.index_cast %get3A_119 : i32 to index
        %get3A_121 = arith.index_cast %multiple_of3A : i32 to index
        %get3A_122 = tpu.vector_load %arg6[%get3A_120, %get3A_121] {strides = array<i32>} : memref<64x768xf32, #tpu.memory_space<vmem>>, vector<1x16xf32>,
        %get3A_123 = vector.shape_cast %get3A_122 : vector<1x16xf32> to vector<16xf32>
        %add3A_124 = arith.addf %add3A_118, %get3A_123 : vector<16xf32>
        %swap3A_125 = arith.constant 1 : i32
        %swap3A_126 = arith.index_cast %swap3A_125 : i32 to index
        %swap3A_127 = arith.index_cast %multiple_of3A : i32 to index
        %swap3A_128 = tpu.vector_load %arg7[%swap3A_126, %swap3A_127] {strides = array<i32>} : memref<8x768xf32, #tpu.memory_space<vmem>>, vector<1x16xf32>,
        %swap3A_129 = vector.shape_cast %swap3A_128 : vector<1x16xf32> to vector<16xf32>
        %swap3A_130 = vector.shape_cast %add3A_124 : vector<16xf32> to vector<1x16xf32>
        tpu.vector_store %arg7[%swap3A_126, %swap3A_127], %swap3A_130 {strides = array<i32>} : memref<8x768xf32, #tpu.memory_space<vmem>>, vector<1x16xf32>,
        %get3A_131 = arith.constant 16 : i32
        %get3A_132 = arith.index_cast %get3A_131 : i32 to index
        %get3A_133 = arith.index_cast %multiple_of3A : i32 to index
        %get3A_134 = tpu.vector_load %arg6[%get3A_132, %get3A_133] {strides = array<i32>} : memref<64x768xf32, #tpu.memory_space<vmem>>, vector<1x16xf32>,
        %get3A_135 = vector.shape_cast %get3A_134 : vector<1x16xf32> to vector<16xf32>
        %get3A_136 = arith.constant 17 : i32
        %get3A_137 = arith.index_cast %get3A_136 : i32 to index
        %get3A_138 = arith.index_cast %multiple_of3A : i32 to index
        %get3A_139 = tpu.vector_load %arg6[%get3A_137, %get3A_138] {strides = array<i32>} : memref<64x768xf32, #tpu.memory_space<vmem>>, vector<1x16xf32>,
        %get3A_140 = vector.shape_cast %get3A_139 : vector<1x16xf32> to vector<16xf32>
        %add3A_141 = arith.addf %get3A_135, %get3A_140 : vector<16xf32>
        %get3A_142 = arith.constant 18 : i32
        %get3A_143 = arith.index_cast %get3A_142 : i32 to index
        %get3A_144 = arith.index_cast %multiple_of3A : i32 to index
        %get3A_145 = tpu.vector_load %arg6[%get3A_143, %get3A_144] {strides = array<i32>} : memref<64x768xf32, #tpu.memory_space<vmem>>, vector<1x16xf32>,
        %get3A_146 = vector.shape_cast %get3A_145 : vector<1x16xf32> to vector<16xf32>
        %add3A_147 = arith.addf %add3A_141, %get3A_146 : vector<16xf32>
        %get3A_148 = arith.constant 19 : i32
        %get3A_149 = arith.index_cast %get3A_148 : i32 to index
        %get3A_150 = arith.index_cast %multiple_of3A : i32 to index
        %get3A_151 = tpu.vector_load %arg6[%get3A_149, %get3A_150] {strides = array<i32>} : memref<64x768xf32, #tpu.memory_space<vmem>>, vector<1x16xf32>,
        %get3A_152 = vector.shape_cast %get3A_151 : vector<1x16xf32> to vector<16xf32>
        %add3A_153 = arith.addf %add3A_147, %get3A_152 : vector<16xf32>
        %get3A_154 = arith.constant 20 : i32
        %get3A_155 = arith.index_cast %get3A_154 : i32 to index
        %get3A_156 = arith.index_cast %multiple_of3A : i32 to index
        %get3A_157 = tpu.vector_load %arg6[%get3A_155, %get3A_156] {strides = array<i32>} : memref<64x768xf32, #tpu.memory_space<vmem>>, vector<1x16xf32>,
        %get3A_158 = vector.shape_cast %get3A_157 : vector<1x16xf32> to vector<16xf32>
        %add3A_159 = arith.addf %add3A_153, %get3A_158 : vector<16xf32>
        %get3A_160 = arith.constant 21 : i32
        %get3A_161 = arith.index_cast %get3A_160 : i32 to index
        %get3A_162 = arith.index_cast %multiple_of3A : i32 to index
        %get3A_163 = tpu.vector_load %arg6[%get3A_161, %get3A_162] {strides = array<i32>} : memref<64x768xf32, #tpu.memory_space<vmem>>, vector<1x16xf32>,
        %get3A_164 = vector.shape_cast %get3A_163 : vector<1x16xf32> to vector<16xf32>
        %add3A_165 = arith.addf %add3A_159, %get3A_164 : vector<16xf32>
        %get3A_166 = arith.constant 22 : i32
        %get3A_167 = arith.index_cast %get3A_166 : i32 to index
        %get3A_168 = arith.index_cast %multiple_of3A : i32 to index
        %get3A_169 = tpu.vector_load %arg6[%get3A_167, %get3A_168] {strides = array<i32>} : memref<64x768xf32, #tpu.memory_space<vmem>>, vector<1x16xf32>,
        %get3A_170 = vector.shape_cast %get3A_169 : vector<1x16xf32> to vector<16xf32>
        %add3A_171 = arith.addf %add3A_165, %get3A_170 : vector<16xf32>
        %get3A_172 = arith.constant 23 : i32
        %get3A_173 = arith.index_cast %get3A_172 : i32 to index
        %get3A_174 = arith.index_cast %multiple_of3A : i32 to index
        %get3A_175 = tpu.vector_load %arg6[%get3A_173, %get3A_174] {strides = array<i32>} : memref<64x768xf32, #tpu.memory_space<vmem>>, vector<1x16xf32>,
        %get3A_176 = vector.shape_cast %get3A_175 : vector<1x16xf32> to vector<16xf32>
        %add3A_177 = arith.addf %add3A_171, %get3A_176 : vector<16xf32>
        %swap3A_178 = arith.constant 2 : i32
        %swap3A_179 = arith.index_cast %swap3A_178 : i32 to index
        %swap3A_180 = arith.index_cast %multiple_of3A : i32 to index
        %swap3A_181 = tpu.vector_load %arg7[%swap3A_179, %swap3A_180] {strides = array<i32>} : memref<8x768xf32, #tpu.memory_space<vmem>>, vector<1x16xf32>,
        %swap3A_182 = vector.shape_cast %swap3A_181 : vector<1x16xf32> to vector<16xf32>
        %swap3A_183 = vector.shape_cast %add3A_177 : vector<16xf32> to vector<1x16xf32>
        tpu.vector_store %arg7[%swap3A_179, %swap3A_180], %swap3A_183 {strides = array<i32>} : memref<8x768xf32, #tpu.memory_space<vmem>>, vector<1x16xf32>,
        %get3A_184 = arith.constant 24 : i32
        %get3A_185 = arith.index_cast %get3A_184 : i32 to index
        %get3A_186 = arith.index_cast %multiple_of3A : i32 to index
        %get3A_187 = tpu.vector_load %arg6[%get3A_185, %get3A_186] {strides = array<i32>} : memref<64x768xf32, #tpu.memory_space<vmem>>, vector<1x16xf32>,
        %get3A_188 = vector.shape_cast %get3A_187 : vector<1x16xf32> to vector<16xf32>
        %get3A_189 = arith.constant 25 : i32
        %get3A_190 = arith.index_cast %get3A_189 : i32 to index
        %get3A_191 = arith.index_cast %multiple_of3A : i32 to index
        %get3A_192 = tpu.vector_load %arg6[%get3A_190, %get3A_191] {strides = array<i32>} : memref<64x768xf32, #tpu.memory_space<vmem>>, vector<1x16xf32>,
        %get3A_193 = vector.shape_cast %get3A_192 : vector<1x16xf32> to vector<16xf32>
        %add3A_194 = arith.addf %get3A_188, %get3A_193 : vector<16xf32>
        %get3A_195 = arith.constant 26 : i32
        %get3A_196 = arith.index_cast %get3A_195 : i32 to index
        %get3A_197 = arith.index_cast %multiple_of3A : i32 to index
        %get3A_198 = tpu.vector_load %arg6[%get3A_196, %get3A_197] {strides = array<i32>} : memref<64x768xf32, #tpu.memory_space<vmem>>, vector<1x16xf32>,
        %get3A_199 = vector.shape_cast %get3A_198 : vector<1x16xf32> to vector<16xf32>
        %add3A_200 = arith.addf %add3A_194, %get3A_199 : vector<16xf32>
        %get3A_201 = arith.constant 27 : i32
        %get3A_202 = arith.index_cast %get3A_201 : i32 to index
        %get3A_203 = arith.index_cast %multiple_of3A : i32 to index
        %get3A_204 = tpu.vector_load %arg6[%get3A_202, %get3A_203] {strides = array<i32>} : memref<64x768xf32, #tpu.memory_space<vmem>>, vector<1x16xf32>,
        %get3A_205 = vector.shape_cast %get3A_204 : vector<1x16xf32> to vector<16xf32>
        %add3A_206 = arith.addf %add3A_200, %get3A_205 : vector<16xf32>
        %get3A_207 = arith.constant 28 : i32
        %get3A_208 = arith.index_cast %get3A_207 : i32 to index
        %get3A_209 = arith.index_cast %multiple_of3A : i32 to index
        %get3A_210 = tpu.vector_load %arg6[%get3A_208, %get3A_209] {strides = array<i32>} : memref<64x768xf32, #tpu.memory_space<vmem>>, vector<1x16xf32>,
        %get3A_211 = vector.shape_cast %get3A_210 : vector<1x16xf32> to vector<16xf32>
        %add3A_212 = arith.addf %add3A_206, %get3A_211 : vector<16xf32>
        %get3A_213 = arith.constant 29 : i32
        %get3A_214 = arith.index_cast %get3A_213 : i32 to index
        %get3A_215 = arith.index_cast %multiple_of3A : i32 to index
        %get3A_216 = tpu.vector_load %arg6[%get3A_214, %get3A_215] {strides = array<i32>} : memref<64x768xf32, #tpu.memory_space<vmem>>, vector<1x16xf32>,
        %get3A_217 = vector.shape_cast %get3A_216 : vector<1x16xf32> to vector<16xf32>
        %add3A_218 = arith.addf %add3A_212, %get3A_217 : vector<16xf32>
        %get3A_219 = arith.constant 30 : i32
        %get3A_220 = arith.index_cast %get3A_219 : i32 to index
        %get3A_221 = arith.index_cast %multiple_of3A : i32 to index
        %get3A_222 = tpu.vector_load %arg6[%get3A_220, %get3A_221] {strides = array<i32>} : memref<64x768xf32, #tpu.memory_space<vmem>>, vector<1x16xf32>,
        %get3A_223 = vector.shape_cast %get3A_222 : vector<1x16xf32> to vector<16xf32>
        %add3A_224 = arith.addf %add3A_218, %get3A_223 : vector<16xf32>
        %get3A_225 = arith.constant 31 : i32
        %get3A_226 = arith.index_cast %get3A_225 : i32 to index
        %get3A_227 = arith.index_cast %multiple_of3A : i32 to index
        %get3A_228 = tpu.vector_load %arg6[%get3A_226, %get3A_227] {strides = array<i32>} : memref<64x768xf32, #tpu.memory_space<vmem>>, vector<1x16xf32>,
        %get3A_229 = vector.shape_cast %get3A_228 : vector<1x16xf32> to vector<16xf32>
        %add3A_230 = arith.addf %add3A_224, %get3A_229 : vector<16xf32>
        %swap3A_231 = arith.constant 3 : i32
        %swap3A_232 = arith.index_cast %swap3A_231 : i32 to index
        %swap3A_233 = arith.index_cast %multiple_of3A : i32 to index
        %swap3A_234 = tpu.vector_load %arg7[%swap3A_232, %swap3A_233] {strides = array<i32>} : memref<8x768xf32, #tpu.memory_space<vmem>>, vector<1x16xf32>,
        %swap3A_235 = vector.shape_cast %swap3A_234 : vector<1x16xf32> to vector<16xf32>
        %swap3A_236 = vector.shape_cast %add3A_230 : vector<16xf32> to vector<1x16xf32>
        tpu.vector_store %arg7[%swap3A_232, %swap3A_233], %swap3A_236 {strides = array<i32>} : memref<8x768xf32, #tpu.memory_space<vmem>>, vector<1x16xf32>,
        %get3A_237 = arith.constant 32 : i32
        %get3A_238 = arith.index_cast %get3A_237 : i32 to index
        %get3A_239 = arith.index_cast %multiple_of3A : i32 to index
        %get3A_240 = tpu.vector_load %arg6[%get3A_238, %get3A_239] {strides = array<i32>} : memref<64x768xf32, #tpu.memory_space<vmem>>, vector<1x16xf32>,
        %get3A_241 = vector.shape_cast %get3A_240 : vector<1x16xf32> to vector<16xf32>
        %get3A_242 = arith.constant 33 : i32
        %get3A_243 = arith.index_cast %get3A_242 : i32 to index
        %get3A_244 = arith.index_cast %multiple_of3A : i32 to index
        %get3A_245 = tpu.vector_load %arg6[%get3A_243, %get3A_244] {strides = array<i32>} : memref<64x768xf32, #tpu.memory_space<vmem>>, vector<1x16xf32>,
        %get3A_246 = vector.shape_cast %get3A_245 : vector<1x16xf32> to vector<16xf32>
        %add3A_247 = arith.addf %get3A_241, %get3A_246 : vector<16xf32>
        %get3A_248 = arith.constant 34 : i32
        %get3A_249 = arith.index_cast %get3A_248 : i32 to index
        %get3A_250 = arith.index_cast %multiple_of3A : i32 to index
        %get3A_251 = tpu.vector_load %arg6[%get3A_249, %get3A_250] {strides = array<i32>} : memref<64x768xf32, #tpu.memory_space<vmem>>, vector<1x16xf32>,
        %get3A_252 = vector.shape_cast %get3A_251 : vector<1x16xf32> to vector<16xf32>
        %add3A_253 = arith.addf %add3A_247, %get3A_252 : vector<16xf32>
        %get3A_254 = arith.constant 35 : i32
        %get3A_255 = arith.index_cast %get3A_254 : i32 to index
        %get3A_256 = arith.index_cast %multiple_of3A : i32 to index
        %get3A_257 = tpu.vector_load %arg6[%get3A_255, %get3A_256] {strides = array<i32>} : memref<64x768xf32, #tpu.memory_space<vmem>>, vector<1x16xf32>,
        %get3A_258 = vector.shape_cast %get3A_257 : vector<1x16xf32> to vector<16xf32>
        %add3A_259 = arith.addf %add3A_253, %get3A_258 : vector<16xf32>
        %get3A_260 = arith.constant 36 : i32
        %get3A_261 = arith.index_cast %get3A_260 : i32 to index
        %get3A_262 = arith.index_cast %multiple_of3A : i32 to index
        %get3A_263 = tpu.vector_load %arg6[%get3A_261, %get3A_262] {strides = array<i32>} : memref<64x768xf32, #tpu.memory_space<vmem>>, vector<1x16xf32>,
        %get3A_264 = vector.shape_cast %get3A_263 : vector<1x16xf32> to vector<16xf32>
        %add3A_265 = arith.addf %add3A_259, %get3A_264 : vector<16xf32>
        %get3A_266 = arith.constant 37 : i32
        %get3A_267 = arith.index_cast %get3A_266 : i32 to index
        %get3A_268 = arith.index_cast %multiple_of3A : i32 to index
        %get3A_269 = tpu.vector_load %arg6[%get3A_267, %get3A_268] {strides = array<i32>} : memref<64x768xf32, #tpu.memory_space<vmem>>, vector<1x16xf32>,
        %get3A_270 = vector.shape_cast %get3A_269 : vector<1x16xf32> to vector<16xf32>
        %add3A_271 = arith.addf %add3A_265, %get3A_270 : vector<16xf32>
        %get3A_272 = arith.constant 38 : i32
        %get3A_273 = arith.index_cast %get3A_272 : i32 to index
        %get3A_274 = arith.index_cast %multiple_of3A : i32 to index
        %get3A_275 = tpu.vector_load %arg6[%get3A_273, %get3A_274] {strides = array<i32>} : memref<64x768xf32, #tpu.memory_space<vmem>>, vector<1x16xf32>,
        %get3A_276 = vector.shape_cast %get3A_275 : vector<1x16xf32> to vector<16xf32>
        %add3A_277 = arith.addf %add3A_271, %get3A_276 : vector<16xf32>
        %get3A_278 = arith.constant 39 : i32
        %get3A_279 = arith.index_cast %get3A_278 : i32 to index
        %get3A_280 = arith.index_cast %multiple_of3A : i32 to index
        %get3A_281 = tpu.vector_load %arg6[%get3A_279, %get3A_280] {strides = array<i32>} : memref<64x768xf32, #tpu.memory_space<vmem>>, vector<1x16xf32>,
        %get3A_282 = vector.shape_cast %get3A_281 : vector<1x16xf32> to vector<16xf32>
        %add3A_283 = arith.addf %add3A_277, %get3A_282 : vector<16xf32>
        %swap3A_284 = arith.constant 4 : i32
        %swap3A_285 = arith.index_cast %swap3A_284 : i32 to index
        %swap3A_286 = arith.index_cast %multiple_of3A : i32 to index
        %swap3A_287 = tpu.vector_load %arg7[%swap3A_285, %swap3A_286] {strides = array<i32>} : memref<8x768xf32, #tpu.memory_space<vmem>>, vector<1x16xf32>,
        %swap3A_288 = vector.shape_cast %swap3A_287 : vector<1x16xf32> to vector<16xf32>
        %swap3A_289 = vector.shape_cast %add3A_283 : vector<16xf32> to vector<1x16xf32>
        tpu.vector_store %arg7[%swap3A_285, %swap3A_286], %swap3A_289 {strides = array<i32>} : memref<8x768xf32, #tpu.memory_space<vmem>>, vector<1x16xf32>,
        %get3A_290 = arith.constant 40 : i32
        %get3A_291 = arith.index_cast %get3A_290 : i32 to index
        %get3A_292 = arith.index_cast %multiple_of3A : i32 to index
        %get3A_293 = tpu.vector_load %arg6[%get3A_291, %get3A_292] {strides = array<i32>} : memref<64x768xf32, #tpu.memory_space<vmem>>, vector<1x16xf32>,
        %get3A_294 = vector.shape_cast %get3A_293 : vector<1x16xf32> to vector<16xf32>
        %get3A_295 = arith.constant 41 : i32
        %get3A_296 = arith.index_cast %get3A_295 : i32 to index
        %get3A_297 = arith.index_cast %multiple_of3A : i32 to index
        %get3A_298 = tpu.vector_load %arg6[%get3A_296, %get3A_297] {strides = array<i32>} : memref<64x768xf32, #tpu.memory_space<vmem>>, vector<1x16xf32>,
        %get3A_299 = vector.shape_cast %get3A_298 : vector<1x16xf32> to vector<16xf32>
        %add3A_300 = arith.addf %get3A_294, %get3A_299 : vector<16xf32>
        %get3A_301 = arith.constant 42 : i32
        %get3A_302 = arith.index_cast %get3A_301 : i32 to index
        %get3A_303 = arith.index_cast %multiple_of3A : i32 to index
        %get3A_304 = tpu.vector_load %arg6[%get3A_302, %get3A_303] {strides = array<i32>} : memref<64x768xf32, #tpu.memory_space<vmem>>, vector<1x16xf32>,
        %get3A_305 = vector.shape_cast %get3A_304 : vector<1x16xf32> to vector<16xf32>
        %add3A_306 = arith.addf %add3A_300, %get3A_305 : vector<16xf32>
        %get3A_307 = arith.constant 43 : i32
        %get3A_308 = arith.index_cast %get3A_307 : i32 to index
        %get3A_309 = arith.index_cast %multiple_of3A : i32 to index
        %get3A_310 = tpu.vector_load %arg6[%get3A_308, %get3A_309] {strides = array<i32>} : memref<64x768xf32, #tpu.memory_space<vmem>>, vector<1x16xf32>,
        %get3A_311 = vector.shape_cast %get3A_310 : vector<1x16xf32> to vector<16xf32>
        %add3A_312 = arith.addf %add3A_306, %get3A_311 : vector<16xf32>
        %get3A_313 = arith.constant 44 : i32
        %get3A_314 = arith.index_cast %get3A_313 : i32 to index
        %get3A_315 = arith.index_cast %multiple_of3A : i32 to index
        %get3A_316 = tpu.vector_load %arg6[%get3A_314, %get3A_315] {strides = array<i32>} : memref<64x768xf32, #tpu.memory_space<vmem>>, vector<1x16xf32>,
        %get3A_317 = vector.shape_cast %get3A_316 : vector<1x16xf32> to vector<16xf32>
        %add3A_318 = arith.addf %add3A_312, %get3A_317 : vector<16xf32>
        %get3A_319 = arith.constant 45 : i32
        %get3A_320 = arith.index_cast %get3A_319 : i32 to index
        %get3A_321 = arith.index_cast %multiple_of3A : i32 to index
        %get3A_322 = tpu.vector_load %arg6[%get3A_320, %get3A_321] {strides = array<i32>} : memref<64x768xf32, #tpu.memory_space<vmem>>, vector<1x16xf32>,
        %get3A_323 = vector.shape_cast %get3A_322 : vector<1x16xf32> to vector<16xf32>
        %add3A_324 = arith.addf %add3A_318, %get3A_323 : vector<16xf32>
        %get3A_325 = arith.constant 46 : i32
        %get3A_326 = arith.index_cast %get3A_325 : i32 to index
        %get3A_327 = arith.index_cast %multiple_of3A : i32 to index
        %get3A_328 = tpu.vector_load %arg6[%get3A_326, %get3A_327] {strides = array<i32>} : memref<64x768xf32, #tpu.memory_space<vmem>>, vector<1x16xf32>,
        %get3A_329 = vector.shape_cast %get3A_328 : vector<1x16xf32> to vector<16xf32>
        %add3A_330 = arith.addf %add3A_324, %get3A_329 : vector<16xf32>
        %get3A_331 = arith.constant 47 : i32
        %get3A_332 = arith.index_cast %get3A_331 : i32 to index
        %get3A_333 = arith.index_cast %multiple_of3A : i32 to index
        %get3A_334 = tpu.vector_load %arg6[%get3A_332, %get3A_333] {strides = array<i32>} : memref<64x768xf32, #tpu.memory_space<vmem>>, vector<1x16xf32>,
        %get3A_335 = vector.shape_cast %get3A_334 : vector<1x16xf32> to vector<16xf32>
        %add3A_336 = arith.addf %add3A_330, %get3A_335 : vector<16xf32>
        %swap3A_337 = arith.constant 5 : i32
        %swap3A_338 = arith.index_cast %swap3A_337 : i32 to index
        %swap3A_339 = arith.index_cast %multiple_of3A : i32 to index
        %swap3A_340 = tpu.vector_load %arg7[%swap3A_338, %swap3A_339] {strides = array<i32>} : memref<8x768xf32, #tpu.memory_space<vmem>>, vector<1x16xf32>,
        %swap3A_341 = vector.shape_cast %swap3A_340 : vector<1x16xf32> to vector<16xf32>
        %swap3A_342 = vector.shape_cast %add3A_336 : vector<16xf32> to vector<1x16xf32>
        tpu.vector_store %arg7[%swap3A_338, %swap3A_339], %swap3A_342 {strides = array<i32>} : memref<8x768xf32, #tpu.memory_space<vmem>>, vector<1x16xf32>,
        %get3A_343 = arith.constant 48 : i32
        %get3A_344 = arith.index_cast %get3A_343 : i32 to index
        %get3A_345 = arith.index_cast %multiple_of3A : i32 to index
        %get3A_346 = tpu.vector_load %arg6[%get3A_344, %get3A_345] {strides = array<i32>} : memref<64x768xf32, #tpu.memory_space<vmem>>, vector<1x16xf32>,
        %get3A_347 = vector.shape_cast %get3A_346 : vector<1x16xf32> to vector<16xf32>
        %get3A_348 = arith.constant 49 : i32
        %get3A_349 = arith.index_cast %get3A_348 : i32 to index
        %get3A_350 = arith.index_cast %multiple_of3A : i32 to index
        %get3A_351 = tpu.vector_load %arg6[%get3A_349, %get3A_350] {strides = array<i32>} : memref<64x768xf32, #tpu.memory_space<vmem>>, vector<1x16xf32>,
        %get3A_352 = vector.shape_cast %get3A_351 : vector<1x16xf32> to vector<16xf32>
        %add3A_353 = arith.addf %get3A_347, %get3A_352 : vector<16xf32>
        %get3A_354 = arith.constant 50 : i32
        %get3A_355 = arith.index_cast %get3A_354 : i32 to index
        %get3A_356 = arith.index_cast %multiple_of3A : i32 to index
        %get3A_357 = tpu.vector_load %arg6[%get3A_355, %get3A_356] {strides = array<i32>} : memref<64x768xf32, #tpu.memory_space<vmem>>, vector<1x16xf32>,
        %get3A_358 = vector.shape_cast %get3A_357 : vector<1x16xf32> to vector<16xf32>
        %add3A_359 = arith.addf %add3A_353, %get3A_358 : vector<16xf32>
        %get3A_360 = arith.constant 51 : i32
        %get3A_361 = arith.index_cast %get3A_360 : i32 to index
        %get3A_362 = arith.index_cast %multiple_of3A : i32 to index
        %get3A_363 = tpu.vector_load %arg6[%get3A_361, %get3A_362] {strides = array<i32>} : memref<64x768xf32, #tpu.memory_space<vmem>>, vector<1x16xf32>,
        %get3A_364 = vector.shape_cast %get3A_363 : vector<1x16xf32> to vector<16xf32>
        %add3A_365 = arith.addf %add3A_359, %get3A_364 : vector<16xf32>
        %get3A_366 = arith.constant 52 : i32
        %get3A_367 = arith.index_cast %get3A_366 : i32 to index
        %get3A_368 = arith.index_cast %multiple_of3A : i32 to index
        %get3A_369 = tpu.vector_load %arg6[%get3A_367, %get3A_368] {strides = array<i32>} : memref<64x768xf32, #tpu.memory_space<vmem>>, vector<1x16xf32>,
        %get3A_370 = vector.shape_cast %get3A_369 : vector<1x16xf32> to vector<16xf32>
        %add3A_371 = arith.addf %add3A_365, %get3A_370 : vector<16xf32>
        %get3A_372 = arith.constant 53 : i32
        %get3A_373 = arith.index_cast %get3A_372 : i32 to index
        %get3A_374 = arith.index_cast %multiple_of3A : i32 to index
        %get3A_375 = tpu.vector_load %arg6[%get3A_373, %get3A_374] {strides = array<i32>} : memref<64x768xf32, #tpu.memory_space<vmem>>, vector<1x16xf32>,
        %get3A_376 = vector.shape_cast %get3A_375 : vector<1x16xf32> to vector<16xf32>
        %add3A_377 = arith.addf %add3A_371, %get3A_376 : vector<16xf32>
        %get3A_378 = arith.constant 54 : i32
        %get3A_379 = arith.index_cast %get3A_378 : i32 to index
        %get3A_380 = arith.index_cast %multiple_of3A : i32 to index
        %get3A_381 = tpu.vector_load %arg6[%get3A_379, %get3A_380] {strides = array<i32>} : memref<64x768xf32, #tpu.memory_space<vmem>>, vector<1x16xf32>,
        %get3A_382 = vector.shape_cast %get3A_381 : vector<1x16xf32> to vector<16xf32>
        %add3A_383 = arith.addf %add3A_377, %get3A_382 : vector<16xf32>
        %get3A_384 = arith.constant 55 : i32
        %get3A_385 = arith.index_cast %get3A_384 : i32 to index
        %get3A_386 = arith.index_cast %multiple_of3A : i32 to index
        %get3A_387 = tpu.vector_load %arg6[%get3A_385, %get3A_386] {strides = array<i32>} : memref<64x768xf32, #tpu.memory_space<vmem>>, vector<1x16xf32>,
        %get3A_388 = vector.shape_cast %get3A_387 : vector<1x16xf32> to vector<16xf32>
        %add3A_389 = arith.addf %add3A_383, %get3A_388 : vector<16xf32>
        %swap3A_390 = arith.constant 6 : i32
        %swap3A_391 = arith.index_cast %swap3A_390 : i32 to index
        %swap3A_392 = arith.index_cast %multiple_of3A : i32 to index
        %swap3A_393 = tpu.vector_load %arg7[%swap3A_391, %swap3A_392] {strides = array<i32>} : memref<8x768xf32, #tpu.memory_space<vmem>>, vector<1x16xf32>,
        %swap3A_394 = vector.shape_cast %swap3A_393 : vector<1x16xf32> to vector<16xf32>
        %swap3A_395 = vector.shape_cast %add3A_389 : vector<16xf32> to vector<1x16xf32>
        tpu.vector_store %arg7[%swap3A_391, %swap3A_392], %swap3A_395 {strides = array<i32>} : memref<8x768xf32, #tpu.memory_space<vmem>>, vector<1x16xf32>,
        %get3A_396 = arith.constant 56 : i32
        %get3A_397 = arith.index_cast %get3A_396 : i32 to index
        %get3A_398 = arith.index_cast %multiple_of3A : i32 to index
        %get3A_399 = tpu.vector_load %arg6[%get3A_397, %get3A_398] {strides = array<i32>} : memref<64x768xf32, #tpu.memory_space<vmem>>, vector<1x16xf32>,
        %get3A_400 = vector.shape_cast %get3A_399 : vector<1x16xf32> to vector<16xf32>
        %get3A_401 = arith.constant 57 : i32
        %get3A_402 = arith.index_cast %get3A_401 : i32 to index
        %get3A_403 = arith.index_cast %multiple_of3A : i32 to index
        %get3A_404 = tpu.vector_load %arg6[%get3A_402, %get3A_403] {strides = array<i32>} : memref<64x768xf32, #tpu.memory_space<vmem>>, vector<1x16xf32>,
        %get3A_405 = vector.shape_cast %get3A_404 : vector<1x16xf32> to vector<16xf32>
        %add3A_406 = arith.addf %get3A_400, %get3A_405 : vector<16xf32>
        %get3A_407 = arith.constant 58 : i32
        %get3A_408 = arith.index_cast %get3A_407 : i32 to index
        %get3A_409 = arith.index_cast %multiple_of3A : i32 to index
        %get3A_410 = tpu.vector_load %arg6[%get3A_408, %get3A_409] {strides = array<i32>} : memref<64x768xf32, #tpu.memory_space<vmem>>, vector<1x16xf32>,
        %get3A_411 = vector.shape_cast %get3A_410 : vector<1x16xf32> to vector<16xf32>
        %add3A_412 = arith.addf %add3A_406, %get3A_411 : vector<16xf32>
        %get3A_413 = arith.constant 59 : i32
        %get3A_414 = arith.index_cast %get3A_413 : i32 to index
        %get3A_415 = arith.index_cast %multiple_of3A : i32 to index
        %get3A_416 = tpu.vector_load %arg6[%get3A_414, %get3A_415] {strides = array<i32>} : memref<64x768xf32, #tpu.memory_space<vmem>>, vector<1x16xf32>,
        %get3A_417 = vector.shape_cast %get3A_416 : vector<1x16xf32> to vector<16xf32>
        %add3A_418 = arith.addf %add3A_412, %get3A_417 : vector<16xf32>
        %get3A_419 = arith.constant 60 : i32
        %get3A_420 = arith.index_cast %get3A_419 : i32 to index
        %get3A_421 = arith.index_cast %multiple_of3A : i32 to index
        %get3A_422 = tpu.vector_load %arg6[%get3A_420, %get3A_421] {strides = array<i32>} : memref<64x768xf32, #tpu.memory_space<vmem>>, vector<1x16xf32>,
        %get3A_423 = vector.shape_cast %get3A_422 : vector<1x16xf32> to vector<16xf32>
        %add3A_424 = arith.addf %add3A_418, %get3A_423 : vector<16xf32>
        %get3A_425 = arith.constant 61 : i32
        %get3A_426 = arith.index_cast %get3A_425 : i32 to index
        %get3A_427 = arith.index_cast %multiple_of3A : i32 to index
        %get3A_428 = tpu.vector_load %arg6[%get3A_426, %get3A_427] {strides = array<i32>} : memref<64x768xf32, #tpu.memory_space<vmem>>, vector<1x16xf32>,
        %get3A_429 = vector.shape_cast %get3A_428 : vector<1x16xf32> to vector<16xf32>
        %add3A_430 = arith.addf %add3A_424, %get3A_429 : vector<16xf32>
        %get3A_431 = arith.constant 62 : i32
        %get3A_432 = arith.index_cast %get3A_431 : i32 to index
        %get3A_433 = arith.index_cast %multiple_of3A : i32 to index
        %get3A_434 = tpu.vector_load %arg6[%get3A_432, %get3A_433] {strides = array<i32>} : memref<64x768xf32, #tpu.memory_space<vmem>>, vector<1x16xf32>,
        %get3A_435 = vector.shape_cast %get3A_434 : vector<1x16xf32> to vector<16xf32>
        %add3A_436 = arith.addf %add3A_430, %get3A_435 : vector<16xf32>
        %get3A_437 = arith.constant 63 : i32
        %get3A_438 = arith.index_cast %get3A_437 : i32 to index
        %get3A_439 = arith.index_cast %multiple_of3A : i32 to index
        %get3A_440 = tpu.vector_load %arg6[%get3A_438, %get3A_439] {strides = array<i32>} : memref<64x768xf32, #tpu.memory_space<vmem>>, vector<1x16xf32>,
        %get3A_441 = vector.shape_cast %get3A_440 : vector<1x16xf32> to vector<16xf32>
        %add3A_442 = arith.addf %add3A_436, %get3A_441 : vector<16xf32>
        %swap3A_443 = arith.constant 7 : i32
        %swap3A_444 = arith.index_cast %swap3A_443 : i32 to index
        %swap3A_445 = arith.index_cast %multiple_of3A : i32 to index
        %swap3A_446 = tpu.vector_load %arg7[%swap3A_444, %swap3A_445] {strides = array<i32>} : memref<8x768xf32, #tpu.memory_space<vmem>>, vector<1x16xf32>,
        %swap3A_447 = vector.shape_cast %swap3A_446 : vector<1x16xf32> to vector<16xf32>
        %swap3A_448 = vector.shape_cast %add3A_442 : vector<16xf32> to vector<1x16xf32>
        tpu.vector_store %arg7[%swap3A_444, %swap3A_445], %swap3A_448 {strides = array<i32>} : memref<8x768xf32, #tpu.memory_space<vmem>>, vector<1x16xf32>,
      }
      %scan3A_23 = arith.constant 48 : i32
      "tpu.region"() ({
        %run_scoped3A = tpu.sem_alloc : memref<!tpu.dma_semaphore, #tpu.memory_space<semaphore_mem>>
        %dma_start3A_24 = arith.constant 0 : i32
        %dma_start3A_25 = tpu.memref_slice %arg4[%add3A_11, %dma_start3A_24] : memref<32768x768xf32, #tpu.memory_space<hbm>> -> memref<8x768xf32, #tpu.memory_space<hbm>>
        %dma_start3A_26 = arith.constant 0 : i32
        %dma_start3A_27 = tpu.memref_slice %arg4[%add3A_11, %dma_start3A_26] : memref<32768x768xf32, #tpu.memory_space<hbm>> -> memref<8x768xf32, #tpu.memory_space<hbm>>
        tpu.enqueue_dma source(%arg7 : memref<8x768xf32, #tpu.memory_space<vmem>>) target(%dma_start3A_27 : memref<8x768xf32, #tpu.memory_space<hbm>>) target_semaphore(%run_scoped3A : memref<!tpu.dma_semaphore, #tpu.memory_space<semaphore_mem>>)
        %dma_wait3A_28 = arith.constant 0 : i32
        %dma_wait3A_29 = tpu.memref_slice %arg4[%add3A_11, %dma_wait3A_28] : memref<32768x768xf32, #tpu.memory_space<hbm>> -> memref<8x768xf32, #tpu.memory_space<hbm>>
        %dma_wait3A_30 = arith.constant 0 : i32
        %dma_wait3A_31 = tpu.memref_slice %arg4[%add3A_11, %dma_wait3A_30] : memref<32768x768xf32, #tpu.memory_space<hbm>> -> memref<8x768xf32, #tpu.memory_space<hbm>>
        tpu.wait_dma2 semaphore(%run_scoped3A : memref<!tpu.dma_semaphore, #tpu.memory_space<semaphore_mem>>) src(%arg7 : memref<8x768xf32, #tpu.memory_space<vmem>>) dst(%dma_wait3A_31 : memref<8x768xf32, #tpu.memory_space<hbm>>)
        tpu.yield
      }) : () -> ()
    }
    %scan3A_7 = arith.constant 128 : i32
    return
  }
}

#map = affine_map<(d0, d1) -> (0, 0)>
#map1 = affine_map<(d0, d1) -> (0)>
module attributes {stable_mosaic.version = 14 : i64} {
  func.func @k(%arg0: i32, %arg1: i32, %arg2: memref<32768x768xf32, #tpu.memory_space<hbm>>, %arg3: memref<262144xi32, #tpu.memory_space<hbm>>, %arg4: memref<262144xf32, #tpu.memory_space<hbm>>, %arg5: memref<278528x768xf32, #tpu.memory_space<hbm>>, %arg6: memref<278528xf32, #tpu.memory_space<hbm>>, %arg7: memref<8x32xi32, #tpu.memory_space<vmem>>, %arg8: memref<8x32xf32, #tpu.memory_space<vmem>>, %arg9: memref<32x768xf32, #tpu.memory_space<vmem>>, %arg10: memref<!tpu.dma_semaphore, #tpu.memory_space<semaphore_mem>>) attributes {dimension_semantics = [#tpu.dimension_semantics<core_parallel>, #tpu.dimension_semantics<subcore_parallel>], iteration_bounds = array<i64: 2, 16>, scalar_prefetch = 0 : i64, scratch_operands = 4 : i64, tpu.core_type = #tpu.core_type<sc_vector_subcore>, window_params = [{transform_indices = #map}, {transform_indices = #map1}, {transform_indices = #map1}, {transform_indices = #map}, {transform_indices = #map1}]} {
    %mul3A = arith.constant 2 : i32
    %mul3A_0 = arith.muli %arg1, %mul3A : i32
    %add3A = arith.addi %mul3A_0, %arg0 : i32
    %mul3A_1 = arith.constant 1024 : i32
    %mul3A_2 = arith.muli %add3A, %mul3A_1 : i32
    %scan3A = arith.constant 0 : i32
    %scan3A_3 = arith.constant 0 : i32
    %scan3A_4 = arith.constant 32 : i32
    %scan3A_5 = arith.addi %scan3A_3, %scan3A_4 : i32
    %scan3A_6 = arith.constant 1 : i32
    scf.for %scan3A_8 = %scan3A_3 to %scan3A_5 step %scan3A_6  : i32 {
      %mul3A_9 = arith.constant 32 : i32
      %mul3A_10 = arith.muli %scan3A_8, %mul3A_9 : i32
      %add3A_11 = arith.addi %mul3A_2, %mul3A_10 : i32
      "tpu.region"() ({
        %run_scoped3A_329 = tpu.sem_alloc : memref<!tpu.dma_semaphore, #tpu.memory_space<semaphore_mem>>
        %dma_start3A_330 = arith.constant 0 : i32
        %dma_start3A_331 = tpu.memref_slice %arg2[%add3A_11, %dma_start3A_330] : memref<32768x768xf32, #tpu.memory_space<hbm>> -> memref<32x768xf32, #tpu.memory_space<hbm>>
        %dma_start3A_332 = arith.constant 0 : i32
        %dma_start3A_333 = tpu.memref_slice %arg2[%add3A_11, %dma_start3A_332] : memref<32768x768xf32, #tpu.memory_space<hbm>> -> memref<32x768xf32, #tpu.memory_space<hbm>>
        tpu.enqueue_dma source(%dma_start3A_333 : memref<32x768xf32, #tpu.memory_space<hbm>>) target(%arg9 : memref<32x768xf32, #tpu.memory_space<vmem>>) target_semaphore(%run_scoped3A_329 : memref<!tpu.dma_semaphore, #tpu.memory_space<semaphore_mem>>)
        %dma_wait3A_334 = arith.constant 0 : i32
        %dma_wait3A_335 = tpu.memref_slice %arg2[%add3A_11, %dma_wait3A_334] : memref<32768x768xf32, #tpu.memory_space<hbm>> -> memref<32x768xf32, #tpu.memory_space<hbm>>
        %dma_wait3A_336 = arith.constant 0 : i32
        %dma_wait3A_337 = tpu.memref_slice %arg2[%add3A_11, %dma_wait3A_336] : memref<32768x768xf32, #tpu.memory_space<hbm>> -> memref<32x768xf32, #tpu.memory_space<hbm>>
        tpu.wait_dma2 semaphore(%run_scoped3A_329 : memref<!tpu.dma_semaphore, #tpu.memory_space<semaphore_mem>>) src(%dma_wait3A_337 : memref<32x768xf32, #tpu.memory_space<hbm>>) dst(%arg9 : memref<32x768xf32, #tpu.memory_space<vmem>>)
        tpu.yield
      }) : () -> ()
      %add3A_12 = arith.constant 0 : i32
      %add3A_13 = arith.addi %add3A_12, %add3A_11 : i32
      %run_scoped3A = arith.constant 0 : i32
      "tpu.region"() ({
        %run_scoped3A_329 = tpu.sem_alloc : memref<!tpu.dma_semaphore, #tpu.memory_space<semaphore_mem>>
        %dma_start3A_330 = arith.constant 0 : i32
        %dma_start3A_331 = tpu.memref_slice %arg7[%run_scoped3A, %dma_start3A_330] : memref<8x32xi32, #tpu.memory_space<vmem>> -> memref<1x32xi32, #tpu.memory_space<vmem>>
        %dma_start3A_332 = tpu.memref_squeeze %dma_start3A_331 : memref<1x32xi32, #tpu.memory_space<vmem>> -> memref<32xi32, #tpu.memory_space<vmem>>
        %dma_start3A_333 = tpu.memref_slice %arg3[%add3A_13] : memref<262144xi32, #tpu.memory_space<hbm>> -> memref<32xi32, #tpu.memory_space<hbm>>
        %dma_start3A_334 = arith.constant 0 : i32
        %dma_start3A_335 = tpu.memref_slice %arg7[%run_scoped3A, %dma_start3A_334] : memref<8x32xi32, #tpu.memory_space<vmem>> -> memref<1x32xi32, #tpu.memory_space<vmem>>
        %dma_start3A_336 = tpu.memref_squeeze %dma_start3A_335 : memref<1x32xi32, #tpu.memory_space<vmem>> -> memref<32xi32, #tpu.memory_space<vmem>>
        %dma_start3A_337 = tpu.memref_slice %arg3[%add3A_13] : memref<262144xi32, #tpu.memory_space<hbm>> -> memref<32xi32, #tpu.memory_space<hbm>>
        tpu.enqueue_dma source(%dma_start3A_337 : memref<32xi32, #tpu.memory_space<hbm>>) target(%dma_start3A_336 : memref<32xi32, #tpu.memory_space<vmem>>) target_semaphore(%run_scoped3A_329 : memref<!tpu.dma_semaphore, #tpu.memory_space<semaphore_mem>>)
        %dma_wait3A_338 = arith.constant 0 : i32
        %dma_wait3A_339 = tpu.memref_slice %arg7[%run_scoped3A, %dma_wait3A_338] : memref<8x32xi32, #tpu.memory_space<vmem>> -> memref<1x32xi32, #tpu.memory_space<vmem>>
        %dma_wait3A_340 = tpu.memref_squeeze %dma_wait3A_339 : memref<1x32xi32, #tpu.memory_space<vmem>> -> memref<32xi32, #tpu.memory_space<vmem>>
        %dma_wait3A_341 = tpu.memref_slice %arg3[%add3A_13] : memref<262144xi32, #tpu.memory_space<hbm>> -> memref<32xi32, #tpu.memory_space<hbm>>
        %dma_wait3A_342 = arith.constant 0 : i32
        %dma_wait3A_343 = tpu.memref_slice %arg7[%run_scoped3A, %dma_wait3A_342] : memref<8x32xi32, #tpu.memory_space<vmem>> -> memref<1x32xi32, #tpu.memory_space<vmem>>
        %dma_wait3A_344 = tpu.memref_squeeze %dma_wait3A_343 : memref<1x32xi32, #tpu.memory_space<vmem>> -> memref<32xi32, #tpu.memory_space<vmem>>
        %dma_wait3A_345 = tpu.memref_slice %arg3[%add3A_13] : memref<262144xi32, #tpu.memory_space<hbm>> -> memref<32xi32, #tpu.memory_space<hbm>>
        tpu.wait_dma2 semaphore(%run_scoped3A_329 : memref<!tpu.dma_semaphore, #tpu.memory_space<semaphore_mem>>) src(%dma_wait3A_345 : memref<32xi32, #tpu.memory_space<hbm>>) dst(%dma_wait3A_344 : memref<32xi32, #tpu.memory_space<vmem>>)
        tpu.yield
      }) : () -> ()
      %add3A_14 = arith.constant 0 : i32
      %add3A_15 = arith.addi %add3A_14, %add3A_11 : i32
      %run_scoped3A_16 = arith.constant 0 : i32
      "tpu.region"() ({
        %run_scoped3A_329 = tpu.sem_alloc : memref<!tpu.dma_semaphore, #tpu.memory_space<semaphore_mem>>
        %dma_start3A_330 = arith.constant 0 : i32
        %dma_start3A_331 = tpu.memref_slice %arg8[%run_scoped3A_16, %dma_start3A_330] : memref<8x32xf32, #tpu.memory_space<vmem>> -> memref<1x32xf32, #tpu.memory_space<vmem>>
        %dma_start3A_332 = tpu.memref_squeeze %dma_start3A_331 : memref<1x32xf32, #tpu.memory_space<vmem>> -> memref<32xf32, #tpu.memory_space<vmem>>
        %dma_start3A_333 = tpu.memref_slice %arg4[%add3A_15] : memref<262144xf32, #tpu.memory_space<hbm>> -> memref<32xf32, #tpu.memory_space<hbm>>
        %dma_start3A_334 = arith.constant 0 : i32
        %dma_start3A_335 = tpu.memref_slice %arg8[%run_scoped3A_16, %dma_start3A_334] : memref<8x32xf32, #tpu.memory_space<vmem>> -> memref<1x32xf32, #tpu.memory_space<vmem>>
        %dma_start3A_336 = tpu.memref_squeeze %dma_start3A_335 : memref<1x32xf32, #tpu.memory_space<vmem>> -> memref<32xf32, #tpu.memory_space<vmem>>
        %dma_start3A_337 = tpu.memref_slice %arg4[%add3A_15] : memref<262144xf32, #tpu.memory_space<hbm>> -> memref<32xf32, #tpu.memory_space<hbm>>
        tpu.enqueue_dma source(%dma_start3A_337 : memref<32xf32, #tpu.memory_space<hbm>>) target(%dma_start3A_336 : memref<32xf32, #tpu.memory_space<vmem>>) target_semaphore(%run_scoped3A_329 : memref<!tpu.dma_semaphore, #tpu.memory_space<semaphore_mem>>)
        %dma_wait3A_338 = arith.constant 0 : i32
        %dma_wait3A_339 = tpu.memref_slice %arg8[%run_scoped3A_16, %dma_wait3A_338] : memref<8x32xf32, #tpu.memory_space<vmem>> -> memref<1x32xf32, #tpu.memory_space<vmem>>
        %dma_wait3A_340 = tpu.memref_squeeze %dma_wait3A_339 : memref<1x32xf32, #tpu.memory_space<vmem>> -> memref<32xf32, #tpu.memory_space<vmem>>
        %dma_wait3A_341 = tpu.memref_slice %arg4[%add3A_15] : memref<262144xf32, #tpu.memory_space<hbm>> -> memref<32xf32, #tpu.memory_space<hbm>>
        %dma_wait3A_342 = arith.constant 0 : i32
        %dma_wait3A_343 = tpu.memref_slice %arg8[%run_scoped3A_16, %dma_wait3A_342] : memref<8x32xf32, #tpu.memory_space<vmem>> -> memref<1x32xf32, #tpu.memory_space<vmem>>
        %dma_wait3A_344 = tpu.memref_squeeze %dma_wait3A_343 : memref<1x32xf32, #tpu.memory_space<vmem>> -> memref<32xf32, #tpu.memory_space<vmem>>
        %dma_wait3A_345 = tpu.memref_slice %arg4[%add3A_15] : memref<262144xf32, #tpu.memory_space<hbm>> -> memref<32xf32, #tpu.memory_space<hbm>>
        tpu.wait_dma2 semaphore(%run_scoped3A_329 : memref<!tpu.dma_semaphore, #tpu.memory_space<semaphore_mem>>) src(%dma_wait3A_345 : memref<32xf32, #tpu.memory_space<hbm>>) dst(%dma_wait3A_344 : memref<32xf32, #tpu.memory_space<vmem>>)
        tpu.yield
      }) : () -> ()
      %add3A_17 = arith.constant 32768 : i32
      %add3A_18 = arith.addi %add3A_17, %add3A_11 : i32
      %run_scoped3A_19 = arith.constant 1 : i32
      "tpu.region"() ({
        %run_scoped3A_329 = tpu.sem_alloc : memref<!tpu.dma_semaphore, #tpu.memory_space<semaphore_mem>>
        %dma_start3A_330 = arith.constant 0 : i32
        %dma_start3A_331 = tpu.memref_slice %arg7[%run_scoped3A_19, %dma_start3A_330] : memref<8x32xi32, #tpu.memory_space<vmem>> -> memref<1x32xi32, #tpu.memory_space<vmem>>
        %dma_start3A_332 = tpu.memref_squeeze %dma_start3A_331 : memref<1x32xi32, #tpu.memory_space<vmem>> -> memref<32xi32, #tpu.memory_space<vmem>>
        %dma_start3A_333 = tpu.memref_slice %arg3[%add3A_18] : memref<262144xi32, #tpu.memory_space<hbm>> -> memref<32xi32, #tpu.memory_space<hbm>>
        %dma_start3A_334 = arith.constant 0 : i32
        %dma_start3A_335 = tpu.memref_slice %arg7[%run_scoped3A_19, %dma_start3A_334] : memref<8x32xi32, #tpu.memory_space<vmem>> -> memref<1x32xi32, #tpu.memory_space<vmem>>
        %dma_start3A_336 = tpu.memref_squeeze %dma_start3A_335 : memref<1x32xi32, #tpu.memory_space<vmem>> -> memref<32xi32, #tpu.memory_space<vmem>>
        %dma_start3A_337 = tpu.memref_slice %arg3[%add3A_18] : memref<262144xi32, #tpu.memory_space<hbm>> -> memref<32xi32, #tpu.memory_space<hbm>>
        tpu.enqueue_dma source(%dma_start3A_337 : memref<32xi32, #tpu.memory_space<hbm>>) target(%dma_start3A_336 : memref<32xi32, #tpu.memory_space<vmem>>) target_semaphore(%run_scoped3A_329 : memref<!tpu.dma_semaphore, #tpu.memory_space<semaphore_mem>>)
        %dma_wait3A_338 = arith.constant 0 : i32
        %dma_wait3A_339 = tpu.memref_slice %arg7[%run_scoped3A_19, %dma_wait3A_338] : memref<8x32xi32, #tpu.memory_space<vmem>> -> memref<1x32xi32, #tpu.memory_space<vmem>>
        %dma_wait3A_340 = tpu.memref_squeeze %dma_wait3A_339 : memref<1x32xi32, #tpu.memory_space<vmem>> -> memref<32xi32, #tpu.memory_space<vmem>>
        %dma_wait3A_341 = tpu.memref_slice %arg3[%add3A_18] : memref<262144xi32, #tpu.memory_space<hbm>> -> memref<32xi32, #tpu.memory_space<hbm>>
        %dma_wait3A_342 = arith.constant 0 : i32
        %dma_wait3A_343 = tpu.memref_slice %arg7[%run_scoped3A_19, %dma_wait3A_342] : memref<8x32xi32, #tpu.memory_space<vmem>> -> memref<1x32xi32, #tpu.memory_space<vmem>>
        %dma_wait3A_344 = tpu.memref_squeeze %dma_wait3A_343 : memref<1x32xi32, #tpu.memory_space<vmem>> -> memref<32xi32, #tpu.memory_space<vmem>>
        %dma_wait3A_345 = tpu.memref_slice %arg3[%add3A_18] : memref<262144xi32, #tpu.memory_space<hbm>> -> memref<32xi32, #tpu.memory_space<hbm>>
        tpu.wait_dma2 semaphore(%run_scoped3A_329 : memref<!tpu.dma_semaphore, #tpu.memory_space<semaphore_mem>>) src(%dma_wait3A_345 : memref<32xi32, #tpu.memory_space<hbm>>) dst(%dma_wait3A_344 : memref<32xi32, #tpu.memory_space<vmem>>)
        tpu.yield
      }) : () -> ()
      %add3A_20 = arith.constant 32768 : i32
      %add3A_21 = arith.addi %add3A_20, %add3A_11 : i32
      %run_scoped3A_22 = arith.constant 1 : i32
      "tpu.region"() ({
        %run_scoped3A_329 = tpu.sem_alloc : memref<!tpu.dma_semaphore, #tpu.memory_space<semaphore_mem>>
        %dma_start3A_330 = arith.constant 0 : i32
        %dma_start3A_331 = tpu.memref_slice %arg8[%run_scoped3A_22, %dma_start3A_330] : memref<8x32xf32, #tpu.memory_space<vmem>> -> memref<1x32xf32, #tpu.memory_space<vmem>>
        %dma_start3A_332 = tpu.memref_squeeze %dma_start3A_331 : memref<1x32xf32, #tpu.memory_space<vmem>> -> memref<32xf32, #tpu.memory_space<vmem>>
        %dma_start3A_333 = tpu.memref_slice %arg4[%add3A_21] : memref<262144xf32, #tpu.memory_space<hbm>> -> memref<32xf32, #tpu.memory_space<hbm>>
        %dma_start3A_334 = arith.constant 0 : i32
        %dma_start3A_335 = tpu.memref_slice %arg8[%run_scoped3A_22, %dma_start3A_334] : memref<8x32xf32, #tpu.memory_space<vmem>> -> memref<1x32xf32, #tpu.memory_space<vmem>>
        %dma_start3A_336 = tpu.memref_squeeze %dma_start3A_335 : memref<1x32xf32, #tpu.memory_space<vmem>> -> memref<32xf32, #tpu.memory_space<vmem>>
        %dma_start3A_337 = tpu.memref_slice %arg4[%add3A_21] : memref<262144xf32, #tpu.memory_space<hbm>> -> memref<32xf32, #tpu.memory_space<hbm>>
        tpu.enqueue_dma source(%dma_start3A_337 : memref<32xf32, #tpu.memory_space<hbm>>) target(%dma_start3A_336 : memref<32xf32, #tpu.memory_space<vmem>>) target_semaphore(%run_scoped3A_329 : memref<!tpu.dma_semaphore, #tpu.memory_space<semaphore_mem>>)
        %dma_wait3A_338 = arith.constant 0 : i32
        %dma_wait3A_339 = tpu.memref_slice %arg8[%run_scoped3A_22, %dma_wait3A_338] : memref<8x32xf32, #tpu.memory_space<vmem>> -> memref<1x32xf32, #tpu.memory_space<vmem>>
        %dma_wait3A_340 = tpu.memref_squeeze %dma_wait3A_339 : memref<1x32xf32, #tpu.memory_space<vmem>> -> memref<32xf32, #tpu.memory_space<vmem>>
        %dma_wait3A_341 = tpu.memref_slice %arg4[%add3A_21] : memref<262144xf32, #tpu.memory_space<hbm>> -> memref<32xf32, #tpu.memory_space<hbm>>
        %dma_wait3A_342 = arith.constant 0 : i32
        %dma_wait3A_343 = tpu.memref_slice %arg8[%run_scoped3A_22, %dma_wait3A_342] : memref<8x32xf32, #tpu.memory_space<vmem>> -> memref<1x32xf32, #tpu.memory_space<vmem>>
        %dma_wait3A_344 = tpu.memref_squeeze %dma_wait3A_343 : memref<1x32xf32, #tpu.memory_space<vmem>> -> memref<32xf32, #tpu.memory_space<vmem>>
        %dma_wait3A_345 = tpu.memref_slice %arg4[%add3A_21] : memref<262144xf32, #tpu.memory_space<hbm>> -> memref<32xf32, #tpu.memory_space<hbm>>
        tpu.wait_dma2 semaphore(%run_scoped3A_329 : memref<!tpu.dma_semaphore, #tpu.memory_space<semaphore_mem>>) src(%dma_wait3A_345 : memref<32xf32, #tpu.memory_space<hbm>>) dst(%dma_wait3A_344 : memref<32xf32, #tpu.memory_space<vmem>>)
        tpu.yield
      }) : () -> ()
      %add3A_23 = arith.constant 65536 : i32
      %add3A_24 = arith.addi %add3A_23, %add3A_11 : i32
      %run_scoped3A_25 = arith.constant 2 : i32
      "tpu.region"() ({
        %run_scoped3A_329 = tpu.sem_alloc : memref<!tpu.dma_semaphore, #tpu.memory_space<semaphore_mem>>
        %dma_start3A_330 = arith.constant 0 : i32
        %dma_start3A_331 = tpu.memref_slice %arg7[%run_scoped3A_25, %dma_start3A_330] : memref<8x32xi32, #tpu.memory_space<vmem>> -> memref<1x32xi32, #tpu.memory_space<vmem>>
        %dma_start3A_332 = tpu.memref_squeeze %dma_start3A_331 : memref<1x32xi32, #tpu.memory_space<vmem>> -> memref<32xi32, #tpu.memory_space<vmem>>
        %dma_start3A_333 = tpu.memref_slice %arg3[%add3A_24] : memref<262144xi32, #tpu.memory_space<hbm>> -> memref<32xi32, #tpu.memory_space<hbm>>
        %dma_start3A_334 = arith.constant 0 : i32
        %dma_start3A_335 = tpu.memref_slice %arg7[%run_scoped3A_25, %dma_start3A_334] : memref<8x32xi32, #tpu.memory_space<vmem>> -> memref<1x32xi32, #tpu.memory_space<vmem>>
        %dma_start3A_336 = tpu.memref_squeeze %dma_start3A_335 : memref<1x32xi32, #tpu.memory_space<vmem>> -> memref<32xi32, #tpu.memory_space<vmem>>
        %dma_start3A_337 = tpu.memref_slice %arg3[%add3A_24] : memref<262144xi32, #tpu.memory_space<hbm>> -> memref<32xi32, #tpu.memory_space<hbm>>
        tpu.enqueue_dma source(%dma_start3A_337 : memref<32xi32, #tpu.memory_space<hbm>>) target(%dma_start3A_336 : memref<32xi32, #tpu.memory_space<vmem>>) target_semaphore(%run_scoped3A_329 : memref<!tpu.dma_semaphore, #tpu.memory_space<semaphore_mem>>)
        %dma_wait3A_338 = arith.constant 0 : i32
        %dma_wait3A_339 = tpu.memref_slice %arg7[%run_scoped3A_25, %dma_wait3A_338] : memref<8x32xi32, #tpu.memory_space<vmem>> -> memref<1x32xi32, #tpu.memory_space<vmem>>
        %dma_wait3A_340 = tpu.memref_squeeze %dma_wait3A_339 : memref<1x32xi32, #tpu.memory_space<vmem>> -> memref<32xi32, #tpu.memory_space<vmem>>
        %dma_wait3A_341 = tpu.memref_slice %arg3[%add3A_24] : memref<262144xi32, #tpu.memory_space<hbm>> -> memref<32xi32, #tpu.memory_space<hbm>>
        %dma_wait3A_342 = arith.constant 0 : i32
        %dma_wait3A_343 = tpu.memref_slice %arg7[%run_scoped3A_25, %dma_wait3A_342] : memref<8x32xi32, #tpu.memory_space<vmem>> -> memref<1x32xi32, #tpu.memory_space<vmem>>
        %dma_wait3A_344 = tpu.memref_squeeze %dma_wait3A_343 : memref<1x32xi32, #tpu.memory_space<vmem>> -> memref<32xi32, #tpu.memory_space<vmem>>
        %dma_wait3A_345 = tpu.memref_slice %arg3[%add3A_24] : memref<262144xi32, #tpu.memory_space<hbm>> -> memref<32xi32, #tpu.memory_space<hbm>>
        tpu.wait_dma2 semaphore(%run_scoped3A_329 : memref<!tpu.dma_semaphore, #tpu.memory_space<semaphore_mem>>) src(%dma_wait3A_345 : memref<32xi32, #tpu.memory_space<hbm>>) dst(%dma_wait3A_344 : memref<32xi32, #tpu.memory_space<vmem>>)
        tpu.yield
      }) : () -> ()
      %add3A_26 = arith.constant 65536 : i32
      %add3A_27 = arith.addi %add3A_26, %add3A_11 : i32
      %run_scoped3A_28 = arith.constant 2 : i32
      "tpu.region"() ({
        %run_scoped3A_329 = tpu.sem_alloc : memref<!tpu.dma_semaphore, #tpu.memory_space<semaphore_mem>>
        %dma_start3A_330 = arith.constant 0 : i32
        %dma_start3A_331 = tpu.memref_slice %arg8[%run_scoped3A_28, %dma_start3A_330] : memref<8x32xf32, #tpu.memory_space<vmem>> -> memref<1x32xf32, #tpu.memory_space<vmem>>
        %dma_start3A_332 = tpu.memref_squeeze %dma_start3A_331 : memref<1x32xf32, #tpu.memory_space<vmem>> -> memref<32xf32, #tpu.memory_space<vmem>>
        %dma_start3A_333 = tpu.memref_slice %arg4[%add3A_27] : memref<262144xf32, #tpu.memory_space<hbm>> -> memref<32xf32, #tpu.memory_space<hbm>>
        %dma_start3A_334 = arith.constant 0 : i32
        %dma_start3A_335 = tpu.memref_slice %arg8[%run_scoped3A_28, %dma_start3A_334] : memref<8x32xf32, #tpu.memory_space<vmem>> -> memref<1x32xf32, #tpu.memory_space<vmem>>
        %dma_start3A_336 = tpu.memref_squeeze %dma_start3A_335 : memref<1x32xf32, #tpu.memory_space<vmem>> -> memref<32xf32, #tpu.memory_space<vmem>>
        %dma_start3A_337 = tpu.memref_slice %arg4[%add3A_27] : memref<262144xf32, #tpu.memory_space<hbm>> -> memref<32xf32, #tpu.memory_space<hbm>>
        tpu.enqueue_dma source(%dma_start3A_337 : memref<32xf32, #tpu.memory_space<hbm>>) target(%dma_start3A_336 : memref<32xf32, #tpu.memory_space<vmem>>) target_semaphore(%run_scoped3A_329 : memref<!tpu.dma_semaphore, #tpu.memory_space<semaphore_mem>>)
        %dma_wait3A_338 = arith.constant 0 : i32
        %dma_wait3A_339 = tpu.memref_slice %arg8[%run_scoped3A_28, %dma_wait3A_338] : memref<8x32xf32, #tpu.memory_space<vmem>> -> memref<1x32xf32, #tpu.memory_space<vmem>>
        %dma_wait3A_340 = tpu.memref_squeeze %dma_wait3A_339 : memref<1x32xf32, #tpu.memory_space<vmem>> -> memref<32xf32, #tpu.memory_space<vmem>>
        %dma_wait3A_341 = tpu.memref_slice %arg4[%add3A_27] : memref<262144xf32, #tpu.memory_space<hbm>> -> memref<32xf32, #tpu.memory_space<hbm>>
        %dma_wait3A_342 = arith.constant 0 : i32
        %dma_wait3A_343 = tpu.memref_slice %arg8[%run_scoped3A_28, %dma_wait3A_342] : memref<8x32xf32, #tpu.memory_space<vmem>> -> memref<1x32xf32, #tpu.memory_space<vmem>>
        %dma_wait3A_344 = tpu.memref_squeeze %dma_wait3A_343 : memref<1x32xf32, #tpu.memory_space<vmem>> -> memref<32xf32, #tpu.memory_space<vmem>>
        %dma_wait3A_345 = tpu.memref_slice %arg4[%add3A_27] : memref<262144xf32, #tpu.memory_space<hbm>> -> memref<32xf32, #tpu.memory_space<hbm>>
        tpu.wait_dma2 semaphore(%run_scoped3A_329 : memref<!tpu.dma_semaphore, #tpu.memory_space<semaphore_mem>>) src(%dma_wait3A_345 : memref<32xf32, #tpu.memory_space<hbm>>) dst(%dma_wait3A_344 : memref<32xf32, #tpu.memory_space<vmem>>)
        tpu.yield
      }) : () -> ()
      %add3A_29 = arith.constant 98304 : i32
      %add3A_30 = arith.addi %add3A_29, %add3A_11 : i32
      %run_scoped3A_31 = arith.constant 3 : i32
      "tpu.region"() ({
        %run_scoped3A_329 = tpu.sem_alloc : memref<!tpu.dma_semaphore, #tpu.memory_space<semaphore_mem>>
        %dma_start3A_330 = arith.constant 0 : i32
        %dma_start3A_331 = tpu.memref_slice %arg7[%run_scoped3A_31, %dma_start3A_330] : memref<8x32xi32, #tpu.memory_space<vmem>> -> memref<1x32xi32, #tpu.memory_space<vmem>>
        %dma_start3A_332 = tpu.memref_squeeze %dma_start3A_331 : memref<1x32xi32, #tpu.memory_space<vmem>> -> memref<32xi32, #tpu.memory_space<vmem>>
        %dma_start3A_333 = tpu.memref_slice %arg3[%add3A_30] : memref<262144xi32, #tpu.memory_space<hbm>> -> memref<32xi32, #tpu.memory_space<hbm>>
        %dma_start3A_334 = arith.constant 0 : i32
        %dma_start3A_335 = tpu.memref_slice %arg7[%run_scoped3A_31, %dma_start3A_334] : memref<8x32xi32, #tpu.memory_space<vmem>> -> memref<1x32xi32, #tpu.memory_space<vmem>>
        %dma_start3A_336 = tpu.memref_squeeze %dma_start3A_335 : memref<1x32xi32, #tpu.memory_space<vmem>> -> memref<32xi32, #tpu.memory_space<vmem>>
        %dma_start3A_337 = tpu.memref_slice %arg3[%add3A_30] : memref<262144xi32, #tpu.memory_space<hbm>> -> memref<32xi32, #tpu.memory_space<hbm>>
        tpu.enqueue_dma source(%dma_start3A_337 : memref<32xi32, #tpu.memory_space<hbm>>) target(%dma_start3A_336 : memref<32xi32, #tpu.memory_space<vmem>>) target_semaphore(%run_scoped3A_329 : memref<!tpu.dma_semaphore, #tpu.memory_space<semaphore_mem>>)
        %dma_wait3A_338 = arith.constant 0 : i32
        %dma_wait3A_339 = tpu.memref_slice %arg7[%run_scoped3A_31, %dma_wait3A_338] : memref<8x32xi32, #tpu.memory_space<vmem>> -> memref<1x32xi32, #tpu.memory_space<vmem>>
        %dma_wait3A_340 = tpu.memref_squeeze %dma_wait3A_339 : memref<1x32xi32, #tpu.memory_space<vmem>> -> memref<32xi32, #tpu.memory_space<vmem>>
        %dma_wait3A_341 = tpu.memref_slice %arg3[%add3A_30] : memref<262144xi32, #tpu.memory_space<hbm>> -> memref<32xi32, #tpu.memory_space<hbm>>
        %dma_wait3A_342 = arith.constant 0 : i32
        %dma_wait3A_343 = tpu.memref_slice %arg7[%run_scoped3A_31, %dma_wait3A_342] : memref<8x32xi32, #tpu.memory_space<vmem>> -> memref<1x32xi32, #tpu.memory_space<vmem>>
        %dma_wait3A_344 = tpu.memref_squeeze %dma_wait3A_343 : memref<1x32xi32, #tpu.memory_space<vmem>> -> memref<32xi32, #tpu.memory_space<vmem>>
        %dma_wait3A_345 = tpu.memref_slice %arg3[%add3A_30] : memref<262144xi32, #tpu.memory_space<hbm>> -> memref<32xi32, #tpu.memory_space<hbm>>
        tpu.wait_dma2 semaphore(%run_scoped3A_329 : memref<!tpu.dma_semaphore, #tpu.memory_space<semaphore_mem>>) src(%dma_wait3A_345 : memref<32xi32, #tpu.memory_space<hbm>>) dst(%dma_wait3A_344 : memref<32xi32, #tpu.memory_space<vmem>>)
        tpu.yield
      }) : () -> ()
      %add3A_32 = arith.constant 98304 : i32
      %add3A_33 = arith.addi %add3A_32, %add3A_11 : i32
      %run_scoped3A_34 = arith.constant 3 : i32
      "tpu.region"() ({
        %run_scoped3A_329 = tpu.sem_alloc : memref<!tpu.dma_semaphore, #tpu.memory_space<semaphore_mem>>
        %dma_start3A_330 = arith.constant 0 : i32
        %dma_start3A_331 = tpu.memref_slice %arg8[%run_scoped3A_34, %dma_start3A_330] : memref<8x32xf32, #tpu.memory_space<vmem>> -> memref<1x32xf32, #tpu.memory_space<vmem>>
        %dma_start3A_332 = tpu.memref_squeeze %dma_start3A_331 : memref<1x32xf32, #tpu.memory_space<vmem>> -> memref<32xf32, #tpu.memory_space<vmem>>
        %dma_start3A_333 = tpu.memref_slice %arg4[%add3A_33] : memref<262144xf32, #tpu.memory_space<hbm>> -> memref<32xf32, #tpu.memory_space<hbm>>
        %dma_start3A_334 = arith.constant 0 : i32
        %dma_start3A_335 = tpu.memref_slice %arg8[%run_scoped3A_34, %dma_start3A_334] : memref<8x32xf32, #tpu.memory_space<vmem>> -> memref<1x32xf32, #tpu.memory_space<vmem>>
        %dma_start3A_336 = tpu.memref_squeeze %dma_start3A_335 : memref<1x32xf32, #tpu.memory_space<vmem>> -> memref<32xf32, #tpu.memory_space<vmem>>
        %dma_start3A_337 = tpu.memref_slice %arg4[%add3A_33] : memref<262144xf32, #tpu.memory_space<hbm>> -> memref<32xf32, #tpu.memory_space<hbm>>
        tpu.enqueue_dma source(%dma_start3A_337 : memref<32xf32, #tpu.memory_space<hbm>>) target(%dma_start3A_336 : memref<32xf32, #tpu.memory_space<vmem>>) target_semaphore(%run_scoped3A_329 : memref<!tpu.dma_semaphore, #tpu.memory_space<semaphore_mem>>)
        %dma_wait3A_338 = arith.constant 0 : i32
        %dma_wait3A_339 = tpu.memref_slice %arg8[%run_scoped3A_34, %dma_wait3A_338] : memref<8x32xf32, #tpu.memory_space<vmem>> -> memref<1x32xf32, #tpu.memory_space<vmem>>
        %dma_wait3A_340 = tpu.memref_squeeze %dma_wait3A_339 : memref<1x32xf32, #tpu.memory_space<vmem>> -> memref<32xf32, #tpu.memory_space<vmem>>
        %dma_wait3A_341 = tpu.memref_slice %arg4[%add3A_33] : memref<262144xf32, #tpu.memory_space<hbm>> -> memref<32xf32, #tpu.memory_space<hbm>>
        %dma_wait3A_342 = arith.constant 0 : i32
        %dma_wait3A_343 = tpu.memref_slice %arg8[%run_scoped3A_34, %dma_wait3A_342] : memref<8x32xf32, #tpu.memory_space<vmem>> -> memref<1x32xf32, #tpu.memory_space<vmem>>
        %dma_wait3A_344 = tpu.memref_squeeze %dma_wait3A_343 : memref<1x32xf32, #tpu.memory_space<vmem>> -> memref<32xf32, #tpu.memory_space<vmem>>
        %dma_wait3A_345 = tpu.memref_slice %arg4[%add3A_33] : memref<262144xf32, #tpu.memory_space<hbm>> -> memref<32xf32, #tpu.memory_space<hbm>>
        tpu.wait_dma2 semaphore(%run_scoped3A_329 : memref<!tpu.dma_semaphore, #tpu.memory_space<semaphore_mem>>) src(%dma_wait3A_345 : memref<32xf32, #tpu.memory_space<hbm>>) dst(%dma_wait3A_344 : memref<32xf32, #tpu.memory_space<vmem>>)
        tpu.yield
      }) : () -> ()
      %add3A_35 = arith.constant 131072 : i32
      %add3A_36 = arith.addi %add3A_35, %add3A_11 : i32
      %run_scoped3A_37 = arith.constant 4 : i32
      "tpu.region"() ({
        %run_scoped3A_329 = tpu.sem_alloc : memref<!tpu.dma_semaphore, #tpu.memory_space<semaphore_mem>>
        %dma_start3A_330 = arith.constant 0 : i32
        %dma_start3A_331 = tpu.memref_slice %arg7[%run_scoped3A_37, %dma_start3A_330] : memref<8x32xi32, #tpu.memory_space<vmem>> -> memref<1x32xi32, #tpu.memory_space<vmem>>
        %dma_start3A_332 = tpu.memref_squeeze %dma_start3A_331 : memref<1x32xi32, #tpu.memory_space<vmem>> -> memref<32xi32, #tpu.memory_space<vmem>>
        %dma_start3A_333 = tpu.memref_slice %arg3[%add3A_36] : memref<262144xi32, #tpu.memory_space<hbm>> -> memref<32xi32, #tpu.memory_space<hbm>>
        %dma_start3A_334 = arith.constant 0 : i32
        %dma_start3A_335 = tpu.memref_slice %arg7[%run_scoped3A_37, %dma_start3A_334] : memref<8x32xi32, #tpu.memory_space<vmem>> -> memref<1x32xi32, #tpu.memory_space<vmem>>
        %dma_start3A_336 = tpu.memref_squeeze %dma_start3A_335 : memref<1x32xi32, #tpu.memory_space<vmem>> -> memref<32xi32, #tpu.memory_space<vmem>>
        %dma_start3A_337 = tpu.memref_slice %arg3[%add3A_36] : memref<262144xi32, #tpu.memory_space<hbm>> -> memref<32xi32, #tpu.memory_space<hbm>>
        tpu.enqueue_dma source(%dma_start3A_337 : memref<32xi32, #tpu.memory_space<hbm>>) target(%dma_start3A_336 : memref<32xi32, #tpu.memory_space<vmem>>) target_semaphore(%run_scoped3A_329 : memref<!tpu.dma_semaphore, #tpu.memory_space<semaphore_mem>>)
        %dma_wait3A_338 = arith.constant 0 : i32
        %dma_wait3A_339 = tpu.memref_slice %arg7[%run_scoped3A_37, %dma_wait3A_338] : memref<8x32xi32, #tpu.memory_space<vmem>> -> memref<1x32xi32, #tpu.memory_space<vmem>>
        %dma_wait3A_340 = tpu.memref_squeeze %dma_wait3A_339 : memref<1x32xi32, #tpu.memory_space<vmem>> -> memref<32xi32, #tpu.memory_space<vmem>>
        %dma_wait3A_341 = tpu.memref_slice %arg3[%add3A_36] : memref<262144xi32, #tpu.memory_space<hbm>> -> memref<32xi32, #tpu.memory_space<hbm>>
        %dma_wait3A_342 = arith.constant 0 : i32
        %dma_wait3A_343 = tpu.memref_slice %arg7[%run_scoped3A_37, %dma_wait3A_342] : memref<8x32xi32, #tpu.memory_space<vmem>> -> memref<1x32xi32, #tpu.memory_space<vmem>>
        %dma_wait3A_344 = tpu.memref_squeeze %dma_wait3A_343 : memref<1x32xi32, #tpu.memory_space<vmem>> -> memref<32xi32, #tpu.memory_space<vmem>>
        %dma_wait3A_345 = tpu.memref_slice %arg3[%add3A_36] : memref<262144xi32, #tpu.memory_space<hbm>> -> memref<32xi32, #tpu.memory_space<hbm>>
        tpu.wait_dma2 semaphore(%run_scoped3A_329 : memref<!tpu.dma_semaphore, #tpu.memory_space<semaphore_mem>>) src(%dma_wait3A_345 : memref<32xi32, #tpu.memory_space<hbm>>) dst(%dma_wait3A_344 : memref<32xi32, #tpu.memory_space<vmem>>)
        tpu.yield
      }) : () -> ()
      %add3A_38 = arith.constant 131072 : i32
      %add3A_39 = arith.addi %add3A_38, %add3A_11 : i32
      %run_scoped3A_40 = arith.constant 4 : i32
      "tpu.region"() ({
        %run_scoped3A_329 = tpu.sem_alloc : memref<!tpu.dma_semaphore, #tpu.memory_space<semaphore_mem>>
        %dma_start3A_330 = arith.constant 0 : i32
        %dma_start3A_331 = tpu.memref_slice %arg8[%run_scoped3A_40, %dma_start3A_330] : memref<8x32xf32, #tpu.memory_space<vmem>> -> memref<1x32xf32, #tpu.memory_space<vmem>>
        %dma_start3A_332 = tpu.memref_squeeze %dma_start3A_331 : memref<1x32xf32, #tpu.memory_space<vmem>> -> memref<32xf32, #tpu.memory_space<vmem>>
        %dma_start3A_333 = tpu.memref_slice %arg4[%add3A_39] : memref<262144xf32, #tpu.memory_space<hbm>> -> memref<32xf32, #tpu.memory_space<hbm>>
        %dma_start3A_334 = arith.constant 0 : i32
        %dma_start3A_335 = tpu.memref_slice %arg8[%run_scoped3A_40, %dma_start3A_334] : memref<8x32xf32, #tpu.memory_space<vmem>> -> memref<1x32xf32, #tpu.memory_space<vmem>>
        %dma_start3A_336 = tpu.memref_squeeze %dma_start3A_335 : memref<1x32xf32, #tpu.memory_space<vmem>> -> memref<32xf32, #tpu.memory_space<vmem>>
        %dma_start3A_337 = tpu.memref_slice %arg4[%add3A_39] : memref<262144xf32, #tpu.memory_space<hbm>> -> memref<32xf32, #tpu.memory_space<hbm>>
        tpu.enqueue_dma source(%dma_start3A_337 : memref<32xf32, #tpu.memory_space<hbm>>) target(%dma_start3A_336 : memref<32xf32, #tpu.memory_space<vmem>>) target_semaphore(%run_scoped3A_329 : memref<!tpu.dma_semaphore, #tpu.memory_space<semaphore_mem>>)
        %dma_wait3A_338 = arith.constant 0 : i32
        %dma_wait3A_339 = tpu.memref_slice %arg8[%run_scoped3A_40, %dma_wait3A_338] : memref<8x32xf32, #tpu.memory_space<vmem>> -> memref<1x32xf32, #tpu.memory_space<vmem>>
        %dma_wait3A_340 = tpu.memref_squeeze %dma_wait3A_339 : memref<1x32xf32, #tpu.memory_space<vmem>> -> memref<32xf32, #tpu.memory_space<vmem>>
        %dma_wait3A_341 = tpu.memref_slice %arg4[%add3A_39] : memref<262144xf32, #tpu.memory_space<hbm>> -> memref<32xf32, #tpu.memory_space<hbm>>
        %dma_wait3A_342 = arith.constant 0 : i32
        %dma_wait3A_343 = tpu.memref_slice %arg8[%run_scoped3A_40, %dma_wait3A_342] : memref<8x32xf32, #tpu.memory_space<vmem>> -> memref<1x32xf32, #tpu.memory_space<vmem>>
        %dma_wait3A_344 = tpu.memref_squeeze %dma_wait3A_343 : memref<1x32xf32, #tpu.memory_space<vmem>> -> memref<32xf32, #tpu.memory_space<vmem>>
        %dma_wait3A_345 = tpu.memref_slice %arg4[%add3A_39] : memref<262144xf32, #tpu.memory_space<hbm>> -> memref<32xf32, #tpu.memory_space<hbm>>
        tpu.wait_dma2 semaphore(%run_scoped3A_329 : memref<!tpu.dma_semaphore, #tpu.memory_space<semaphore_mem>>) src(%dma_wait3A_345 : memref<32xf32, #tpu.memory_space<hbm>>) dst(%dma_wait3A_344 : memref<32xf32, #tpu.memory_space<vmem>>)
        tpu.yield
      }) : () -> ()
      %add3A_41 = arith.constant 163840 : i32
      %add3A_42 = arith.addi %add3A_41, %add3A_11 : i32
      %run_scoped3A_43 = arith.constant 5 : i32
      "tpu.region"() ({
        %run_scoped3A_329 = tpu.sem_alloc : memref<!tpu.dma_semaphore, #tpu.memory_space<semaphore_mem>>
        %dma_start3A_330 = arith.constant 0 : i32
        %dma_start3A_331 = tpu.memref_slice %arg7[%run_scoped3A_43, %dma_start3A_330] : memref<8x32xi32, #tpu.memory_space<vmem>> -> memref<1x32xi32, #tpu.memory_space<vmem>>
        %dma_start3A_332 = tpu.memref_squeeze %dma_start3A_331 : memref<1x32xi32, #tpu.memory_space<vmem>> -> memref<32xi32, #tpu.memory_space<vmem>>
        %dma_start3A_333 = tpu.memref_slice %arg3[%add3A_42] : memref<262144xi32, #tpu.memory_space<hbm>> -> memref<32xi32, #tpu.memory_space<hbm>>
        %dma_start3A_334 = arith.constant 0 : i32
        %dma_start3A_335 = tpu.memref_slice %arg7[%run_scoped3A_43, %dma_start3A_334] : memref<8x32xi32, #tpu.memory_space<vmem>> -> memref<1x32xi32, #tpu.memory_space<vmem>>
        %dma_start3A_336 = tpu.memref_squeeze %dma_start3A_335 : memref<1x32xi32, #tpu.memory_space<vmem>> -> memref<32xi32, #tpu.memory_space<vmem>>
        %dma_start3A_337 = tpu.memref_slice %arg3[%add3A_42] : memref<262144xi32, #tpu.memory_space<hbm>> -> memref<32xi32, #tpu.memory_space<hbm>>
        tpu.enqueue_dma source(%dma_start3A_337 : memref<32xi32, #tpu.memory_space<hbm>>) target(%dma_start3A_336 : memref<32xi32, #tpu.memory_space<vmem>>) target_semaphore(%run_scoped3A_329 : memref<!tpu.dma_semaphore, #tpu.memory_space<semaphore_mem>>)
        %dma_wait3A_338 = arith.constant 0 : i32
        %dma_wait3A_339 = tpu.memref_slice %arg7[%run_scoped3A_43, %dma_wait3A_338] : memref<8x32xi32, #tpu.memory_space<vmem>> -> memref<1x32xi32, #tpu.memory_space<vmem>>
        %dma_wait3A_340 = tpu.memref_squeeze %dma_wait3A_339 : memref<1x32xi32, #tpu.memory_space<vmem>> -> memref<32xi32, #tpu.memory_space<vmem>>
        %dma_wait3A_341 = tpu.memref_slice %arg3[%add3A_42] : memref<262144xi32, #tpu.memory_space<hbm>> -> memref<32xi32, #tpu.memory_space<hbm>>
        %dma_wait3A_342 = arith.constant 0 : i32
        %dma_wait3A_343 = tpu.memref_slice %arg7[%run_scoped3A_43, %dma_wait3A_342] : memref<8x32xi32, #tpu.memory_space<vmem>> -> memref<1x32xi32, #tpu.memory_space<vmem>>
        %dma_wait3A_344 = tpu.memref_squeeze %dma_wait3A_343 : memref<1x32xi32, #tpu.memory_space<vmem>> -> memref<32xi32, #tpu.memory_space<vmem>>
        %dma_wait3A_345 = tpu.memref_slice %arg3[%add3A_42] : memref<262144xi32, #tpu.memory_space<hbm>> -> memref<32xi32, #tpu.memory_space<hbm>>
        tpu.wait_dma2 semaphore(%run_scoped3A_329 : memref<!tpu.dma_semaphore, #tpu.memory_space<semaphore_mem>>) src(%dma_wait3A_345 : memref<32xi32, #tpu.memory_space<hbm>>) dst(%dma_wait3A_344 : memref<32xi32, #tpu.memory_space<vmem>>)
        tpu.yield
      }) : () -> ()
      %add3A_44 = arith.constant 163840 : i32
      %add3A_45 = arith.addi %add3A_44, %add3A_11 : i32
      %run_scoped3A_46 = arith.constant 5 : i32
      "tpu.region"() ({
        %run_scoped3A_329 = tpu.sem_alloc : memref<!tpu.dma_semaphore, #tpu.memory_space<semaphore_mem>>
        %dma_start3A_330 = arith.constant 0 : i32
        %dma_start3A_331 = tpu.memref_slice %arg8[%run_scoped3A_46, %dma_start3A_330] : memref<8x32xf32, #tpu.memory_space<vmem>> -> memref<1x32xf32, #tpu.memory_space<vmem>>
        %dma_start3A_332 = tpu.memref_squeeze %dma_start3A_331 : memref<1x32xf32, #tpu.memory_space<vmem>> -> memref<32xf32, #tpu.memory_space<vmem>>
        %dma_start3A_333 = tpu.memref_slice %arg4[%add3A_45] : memref<262144xf32, #tpu.memory_space<hbm>> -> memref<32xf32, #tpu.memory_space<hbm>>
        %dma_start3A_334 = arith.constant 0 : i32
        %dma_start3A_335 = tpu.memref_slice %arg8[%run_scoped3A_46, %dma_start3A_334] : memref<8x32xf32, #tpu.memory_space<vmem>> -> memref<1x32xf32, #tpu.memory_space<vmem>>
        %dma_start3A_336 = tpu.memref_squeeze %dma_start3A_335 : memref<1x32xf32, #tpu.memory_space<vmem>> -> memref<32xf32, #tpu.memory_space<vmem>>
        %dma_start3A_337 = tpu.memref_slice %arg4[%add3A_45] : memref<262144xf32, #tpu.memory_space<hbm>> -> memref<32xf32, #tpu.memory_space<hbm>>
        tpu.enqueue_dma source(%dma_start3A_337 : memref<32xf32, #tpu.memory_space<hbm>>) target(%dma_start3A_336 : memref<32xf32, #tpu.memory_space<vmem>>) target_semaphore(%run_scoped3A_329 : memref<!tpu.dma_semaphore, #tpu.memory_space<semaphore_mem>>)
        %dma_wait3A_338 = arith.constant 0 : i32
        %dma_wait3A_339 = tpu.memref_slice %arg8[%run_scoped3A_46, %dma_wait3A_338] : memref<8x32xf32, #tpu.memory_space<vmem>> -> memref<1x32xf32, #tpu.memory_space<vmem>>
        %dma_wait3A_340 = tpu.memref_squeeze %dma_wait3A_339 : memref<1x32xf32, #tpu.memory_space<vmem>> -> memref<32xf32, #tpu.memory_space<vmem>>
        %dma_wait3A_341 = tpu.memref_slice %arg4[%add3A_45] : memref<262144xf32, #tpu.memory_space<hbm>> -> memref<32xf32, #tpu.memory_space<hbm>>
        %dma_wait3A_342 = arith.constant 0 : i32
        %dma_wait3A_343 = tpu.memref_slice %arg8[%run_scoped3A_46, %dma_wait3A_342] : memref<8x32xf32, #tpu.memory_space<vmem>> -> memref<1x32xf32, #tpu.memory_space<vmem>>
        %dma_wait3A_344 = tpu.memref_squeeze %dma_wait3A_343 : memref<1x32xf32, #tpu.memory_space<vmem>> -> memref<32xf32, #tpu.memory_space<vmem>>
        %dma_wait3A_345 = tpu.memref_slice %arg4[%add3A_45] : memref<262144xf32, #tpu.memory_space<hbm>> -> memref<32xf32, #tpu.memory_space<hbm>>
        tpu.wait_dma2 semaphore(%run_scoped3A_329 : memref<!tpu.dma_semaphore, #tpu.memory_space<semaphore_mem>>) src(%dma_wait3A_345 : memref<32xf32, #tpu.memory_space<hbm>>) dst(%dma_wait3A_344 : memref<32xf32, #tpu.memory_space<vmem>>)
        tpu.yield
      }) : () -> ()
      %add3A_47 = arith.constant 196608 : i32
      %add3A_48 = arith.addi %add3A_47, %add3A_11 : i32
      %run_scoped3A_49 = arith.constant 6 : i32
      "tpu.region"() ({
        %run_scoped3A_329 = tpu.sem_alloc : memref<!tpu.dma_semaphore, #tpu.memory_space<semaphore_mem>>
        %dma_start3A_330 = arith.constant 0 : i32
        %dma_start3A_331 = tpu.memref_slice %arg7[%run_scoped3A_49, %dma_start3A_330] : memref<8x32xi32, #tpu.memory_space<vmem>> -> memref<1x32xi32, #tpu.memory_space<vmem>>
        %dma_start3A_332 = tpu.memref_squeeze %dma_start3A_331 : memref<1x32xi32, #tpu.memory_space<vmem>> -> memref<32xi32, #tpu.memory_space<vmem>>
        %dma_start3A_333 = tpu.memref_slice %arg3[%add3A_48] : memref<262144xi32, #tpu.memory_space<hbm>> -> memref<32xi32, #tpu.memory_space<hbm>>
        %dma_start3A_334 = arith.constant 0 : i32
        %dma_start3A_335 = tpu.memref_slice %arg7[%run_scoped3A_49, %dma_start3A_334] : memref<8x32xi32, #tpu.memory_space<vmem>> -> memref<1x32xi32, #tpu.memory_space<vmem>>
        %dma_start3A_336 = tpu.memref_squeeze %dma_start3A_335 : memref<1x32xi32, #tpu.memory_space<vmem>> -> memref<32xi32, #tpu.memory_space<vmem>>
        %dma_start3A_337 = tpu.memref_slice %arg3[%add3A_48] : memref<262144xi32, #tpu.memory_space<hbm>> -> memref<32xi32, #tpu.memory_space<hbm>>
        tpu.enqueue_dma source(%dma_start3A_337 : memref<32xi32, #tpu.memory_space<hbm>>) target(%dma_start3A_336 : memref<32xi32, #tpu.memory_space<vmem>>) target_semaphore(%run_scoped3A_329 : memref<!tpu.dma_semaphore, #tpu.memory_space<semaphore_mem>>)
        %dma_wait3A_338 = arith.constant 0 : i32
        %dma_wait3A_339 = tpu.memref_slice %arg7[%run_scoped3A_49, %dma_wait3A_338] : memref<8x32xi32, #tpu.memory_space<vmem>> -> memref<1x32xi32, #tpu.memory_space<vmem>>
        %dma_wait3A_340 = tpu.memref_squeeze %dma_wait3A_339 : memref<1x32xi32, #tpu.memory_space<vmem>> -> memref<32xi32, #tpu.memory_space<vmem>>
        %dma_wait3A_341 = tpu.memref_slice %arg3[%add3A_48] : memref<262144xi32, #tpu.memory_space<hbm>> -> memref<32xi32, #tpu.memory_space<hbm>>
        %dma_wait3A_342 = arith.constant 0 : i32
        %dma_wait3A_343 = tpu.memref_slice %arg7[%run_scoped3A_49, %dma_wait3A_342] : memref<8x32xi32, #tpu.memory_space<vmem>> -> memref<1x32xi32, #tpu.memory_space<vmem>>
        %dma_wait3A_344 = tpu.memref_squeeze %dma_wait3A_343 : memref<1x32xi32, #tpu.memory_space<vmem>> -> memref<32xi32, #tpu.memory_space<vmem>>
        %dma_wait3A_345 = tpu.memref_slice %arg3[%add3A_48] : memref<262144xi32, #tpu.memory_space<hbm>> -> memref<32xi32, #tpu.memory_space<hbm>>
        tpu.wait_dma2 semaphore(%run_scoped3A_329 : memref<!tpu.dma_semaphore, #tpu.memory_space<semaphore_mem>>) src(%dma_wait3A_345 : memref<32xi32, #tpu.memory_space<hbm>>) dst(%dma_wait3A_344 : memref<32xi32, #tpu.memory_space<vmem>>)
        tpu.yield
      }) : () -> ()
      %add3A_50 = arith.constant 196608 : i32
      %add3A_51 = arith.addi %add3A_50, %add3A_11 : i32
      %run_scoped3A_52 = arith.constant 6 : i32
      "tpu.region"() ({
        %run_scoped3A_329 = tpu.sem_alloc : memref<!tpu.dma_semaphore, #tpu.memory_space<semaphore_mem>>
        %dma_start3A_330 = arith.constant 0 : i32
        %dma_start3A_331 = tpu.memref_slice %arg8[%run_scoped3A_52, %dma_start3A_330] : memref<8x32xf32, #tpu.memory_space<vmem>> -> memref<1x32xf32, #tpu.memory_space<vmem>>
        %dma_start3A_332 = tpu.memref_squeeze %dma_start3A_331 : memref<1x32xf32, #tpu.memory_space<vmem>> -> memref<32xf32, #tpu.memory_space<vmem>>
        %dma_start3A_333 = tpu.memref_slice %arg4[%add3A_51] : memref<262144xf32, #tpu.memory_space<hbm>> -> memref<32xf32, #tpu.memory_space<hbm>>
        %dma_start3A_334 = arith.constant 0 : i32
        %dma_start3A_335 = tpu.memref_slice %arg8[%run_scoped3A_52, %dma_start3A_334] : memref<8x32xf32, #tpu.memory_space<vmem>> -> memref<1x32xf32, #tpu.memory_space<vmem>>
        %dma_start3A_336 = tpu.memref_squeeze %dma_start3A_335 : memref<1x32xf32, #tpu.memory_space<vmem>> -> memref<32xf32, #tpu.memory_space<vmem>>
        %dma_start3A_337 = tpu.memref_slice %arg4[%add3A_51] : memref<262144xf32, #tpu.memory_space<hbm>> -> memref<32xf32, #tpu.memory_space<hbm>>
        tpu.enqueue_dma source(%dma_start3A_337 : memref<32xf32, #tpu.memory_space<hbm>>) target(%dma_start3A_336 : memref<32xf32, #tpu.memory_space<vmem>>) target_semaphore(%run_scoped3A_329 : memref<!tpu.dma_semaphore, #tpu.memory_space<semaphore_mem>>)
        %dma_wait3A_338 = arith.constant 0 : i32
        %dma_wait3A_339 = tpu.memref_slice %arg8[%run_scoped3A_52, %dma_wait3A_338] : memref<8x32xf32, #tpu.memory_space<vmem>> -> memref<1x32xf32, #tpu.memory_space<vmem>>
        %dma_wait3A_340 = tpu.memref_squeeze %dma_wait3A_339 : memref<1x32xf32, #tpu.memory_space<vmem>> -> memref<32xf32, #tpu.memory_space<vmem>>
        %dma_wait3A_341 = tpu.memref_slice %arg4[%add3A_51] : memref<262144xf32, #tpu.memory_space<hbm>> -> memref<32xf32, #tpu.memory_space<hbm>>
        %dma_wait3A_342 = arith.constant 0 : i32
        %dma_wait3A_343 = tpu.memref_slice %arg8[%run_scoped3A_52, %dma_wait3A_342] : memref<8x32xf32, #tpu.memory_space<vmem>> -> memref<1x32xf32, #tpu.memory_space<vmem>>
        %dma_wait3A_344 = tpu.memref_squeeze %dma_wait3A_343 : memref<1x32xf32, #tpu.memory_space<vmem>> -> memref<32xf32, #tpu.memory_space<vmem>>
        %dma_wait3A_345 = tpu.memref_slice %arg4[%add3A_51] : memref<262144xf32, #tpu.memory_space<hbm>> -> memref<32xf32, #tpu.memory_space<hbm>>
        tpu.wait_dma2 semaphore(%run_scoped3A_329 : memref<!tpu.dma_semaphore, #tpu.memory_space<semaphore_mem>>) src(%dma_wait3A_345 : memref<32xf32, #tpu.memory_space<hbm>>) dst(%dma_wait3A_344 : memref<32xf32, #tpu.memory_space<vmem>>)
        tpu.yield
      }) : () -> ()
      %add3A_53 = arith.constant 229376 : i32
      %add3A_54 = arith.addi %add3A_53, %add3A_11 : i32
      %run_scoped3A_55 = arith.constant 7 : i32
      "tpu.region"() ({
        %run_scoped3A_329 = tpu.sem_alloc : memref<!tpu.dma_semaphore, #tpu.memory_space<semaphore_mem>>
        %dma_start3A_330 = arith.constant 0 : i32
        %dma_start3A_331 = tpu.memref_slice %arg7[%run_scoped3A_55, %dma_start3A_330] : memref<8x32xi32, #tpu.memory_space<vmem>> -> memref<1x32xi32, #tpu.memory_space<vmem>>
        %dma_start3A_332 = tpu.memref_squeeze %dma_start3A_331 : memref<1x32xi32, #tpu.memory_space<vmem>> -> memref<32xi32, #tpu.memory_space<vmem>>
        %dma_start3A_333 = tpu.memref_slice %arg3[%add3A_54] : memref<262144xi32, #tpu.memory_space<hbm>> -> memref<32xi32, #tpu.memory_space<hbm>>
        %dma_start3A_334 = arith.constant 0 : i32
        %dma_start3A_335 = tpu.memref_slice %arg7[%run_scoped3A_55, %dma_start3A_334] : memref<8x32xi32, #tpu.memory_space<vmem>> -> memref<1x32xi32, #tpu.memory_space<vmem>>
        %dma_start3A_336 = tpu.memref_squeeze %dma_start3A_335 : memref<1x32xi32, #tpu.memory_space<vmem>> -> memref<32xi32, #tpu.memory_space<vmem>>
        %dma_start3A_337 = tpu.memref_slice %arg3[%add3A_54] : memref<262144xi32, #tpu.memory_space<hbm>> -> memref<32xi32, #tpu.memory_space<hbm>>
        tpu.enqueue_dma source(%dma_start3A_337 : memref<32xi32, #tpu.memory_space<hbm>>) target(%dma_start3A_336 : memref<32xi32, #tpu.memory_space<vmem>>) target_semaphore(%run_scoped3A_329 : memref<!tpu.dma_semaphore, #tpu.memory_space<semaphore_mem>>)
        %dma_wait3A_338 = arith.constant 0 : i32
        %dma_wait3A_339 = tpu.memref_slice %arg7[%run_scoped3A_55, %dma_wait3A_338] : memref<8x32xi32, #tpu.memory_space<vmem>> -> memref<1x32xi32, #tpu.memory_space<vmem>>
        %dma_wait3A_340 = tpu.memref_squeeze %dma_wait3A_339 : memref<1x32xi32, #tpu.memory_space<vmem>> -> memref<32xi32, #tpu.memory_space<vmem>>
        %dma_wait3A_341 = tpu.memref_slice %arg3[%add3A_54] : memref<262144xi32, #tpu.memory_space<hbm>> -> memref<32xi32, #tpu.memory_space<hbm>>
        %dma_wait3A_342 = arith.constant 0 : i32
        %dma_wait3A_343 = tpu.memref_slice %arg7[%run_scoped3A_55, %dma_wait3A_342] : memref<8x32xi32, #tpu.memory_space<vmem>> -> memref<1x32xi32, #tpu.memory_space<vmem>>
        %dma_wait3A_344 = tpu.memref_squeeze %dma_wait3A_343 : memref<1x32xi32, #tpu.memory_space<vmem>> -> memref<32xi32, #tpu.memory_space<vmem>>
        %dma_wait3A_345 = tpu.memref_slice %arg3[%add3A_54] : memref<262144xi32, #tpu.memory_space<hbm>> -> memref<32xi32, #tpu.memory_space<hbm>>
        tpu.wait_dma2 semaphore(%run_scoped3A_329 : memref<!tpu.dma_semaphore, #tpu.memory_space<semaphore_mem>>) src(%dma_wait3A_345 : memref<32xi32, #tpu.memory_space<hbm>>) dst(%dma_wait3A_344 : memref<32xi32, #tpu.memory_space<vmem>>)
        tpu.yield
      }) : () -> ()
      %add3A_56 = arith.constant 229376 : i32
      %add3A_57 = arith.addi %add3A_56, %add3A_11 : i32
      %run_scoped3A_58 = arith.constant 7 : i32
      "tpu.region"() ({
        %run_scoped3A_329 = tpu.sem_alloc : memref<!tpu.dma_semaphore, #tpu.memory_space<semaphore_mem>>
        %dma_start3A_330 = arith.constant 0 : i32
        %dma_start3A_331 = tpu.memref_slice %arg8[%run_scoped3A_58, %dma_start3A_330] : memref<8x32xf32, #tpu.memory_space<vmem>> -> memref<1x32xf32, #tpu.memory_space<vmem>>
        %dma_start3A_332 = tpu.memref_squeeze %dma_start3A_331 : memref<1x32xf32, #tpu.memory_space<vmem>> -> memref<32xf32, #tpu.memory_space<vmem>>
        %dma_start3A_333 = tpu.memref_slice %arg4[%add3A_57] : memref<262144xf32, #tpu.memory_space<hbm>> -> memref<32xf32, #tpu.memory_space<hbm>>
        %dma_start3A_334 = arith.constant 0 : i32
        %dma_start3A_335 = tpu.memref_slice %arg8[%run_scoped3A_58, %dma_start3A_334] : memref<8x32xf32, #tpu.memory_space<vmem>> -> memref<1x32xf32, #tpu.memory_space<vmem>>
        %dma_start3A_336 = tpu.memref_squeeze %dma_start3A_335 : memref<1x32xf32, #tpu.memory_space<vmem>> -> memref<32xf32, #tpu.memory_space<vmem>>
        %dma_start3A_337 = tpu.memref_slice %arg4[%add3A_57] : memref<262144xf32, #tpu.memory_space<hbm>> -> memref<32xf32, #tpu.memory_space<hbm>>
        tpu.enqueue_dma source(%dma_start3A_337 : memref<32xf32, #tpu.memory_space<hbm>>) target(%dma_start3A_336 : memref<32xf32, #tpu.memory_space<vmem>>) target_semaphore(%run_scoped3A_329 : memref<!tpu.dma_semaphore, #tpu.memory_space<semaphore_mem>>)
        %dma_wait3A_338 = arith.constant 0 : i32
        %dma_wait3A_339 = tpu.memref_slice %arg8[%run_scoped3A_58, %dma_wait3A_338] : memref<8x32xf32, #tpu.memory_space<vmem>> -> memref<1x32xf32, #tpu.memory_space<vmem>>
        %dma_wait3A_340 = tpu.memref_squeeze %dma_wait3A_339 : memref<1x32xf32, #tpu.memory_space<vmem>> -> memref<32xf32, #tpu.memory_space<vmem>>
        %dma_wait3A_341 = tpu.memref_slice %arg4[%add3A_57] : memref<262144xf32, #tpu.memory_space<hbm>> -> memref<32xf32, #tpu.memory_space<hbm>>
        %dma_wait3A_342 = arith.constant 0 : i32
        %dma_wait3A_343 = tpu.memref_slice %arg8[%run_scoped3A_58, %dma_wait3A_342] : memref<8x32xf32, #tpu.memory_space<vmem>> -> memref<1x32xf32, #tpu.memory_space<vmem>>
        %dma_wait3A_344 = tpu.memref_squeeze %dma_wait3A_343 : memref<1x32xf32, #tpu.memory_space<vmem>> -> memref<32xf32, #tpu.memory_space<vmem>>
        %dma_wait3A_345 = tpu.memref_slice %arg4[%add3A_57] : memref<262144xf32, #tpu.memory_space<hbm>> -> memref<32xf32, #tpu.memory_space<hbm>>
        tpu.wait_dma2 semaphore(%run_scoped3A_329 : memref<!tpu.dma_semaphore, #tpu.memory_space<semaphore_mem>>) src(%dma_wait3A_345 : memref<32xf32, #tpu.memory_space<hbm>>) dst(%dma_wait3A_344 : memref<32xf32, #tpu.memory_space<vmem>>)
        tpu.yield
      }) : () -> ()
      %dma_start3A = arith.constant 0 : i32
      %dma_start3A_59 = arith.constant 0 : i32
      %dma_start3A_60 = tpu.memref_slice %arg7[%dma_start3A, %dma_start3A_59] : memref<8x32xi32, #tpu.memory_space<vmem>> -> memref<1x32xi32, #tpu.memory_space<vmem>>
      %dma_start3A_61 = tpu.memref_squeeze %dma_start3A_60 : memref<1x32xi32, #tpu.memory_space<vmem>> -> memref<32xi32, #tpu.memory_space<vmem>>
      %dma_start3A_62 = arith.constant 0 : i32
      %dma_start3A_63 = arith.constant 0 : i32
      %dma_start3A_64 = tpu.memref_slice %arg5[%dma_start3A_62, %dma_start3A_63] : memref<278528x768xf32, #tpu.memory_space<hbm>> -> memref<278528x768xf32, #tpu.memory_space<hbm>>
      tpu.enqueue_indirect_dma source(%arg9 : memref<32x768xf32, #tpu.memory_space<vmem>>) target(%dma_start3A_64 : memref<278528x768xf32, #tpu.memory_space<hbm>>) offsets(%dma_start3A_61 : memref<32xi32, #tpu.memory_space<vmem>>) semaphore(%arg10 : memref<!tpu.dma_semaphore, #tpu.memory_space<semaphore_mem>>)
      %dma_start3A_65 = arith.constant 0 : i32
      %dma_start3A_66 = arith.constant 0 : i32
      %dma_start3A_67 = arith.constant 0 : i32
      %dma_start3A_68 = tpu.memref_slice %arg8[%dma_start3A_65, %dma_start3A_67] : memref<8x32xf32, #tpu.memory_space<vmem>> -> memref<1x32xf32, #tpu.memory_space<vmem>>
      %dma_start3A_69 = tpu.memref_squeeze %dma_start3A_68 : memref<1x32xf32, #tpu.memory_space<vmem>> -> memref<32xf32, #tpu.memory_space<vmem>>
      %dma_start3A_70 = arith.constant 0 : i32
      %dma_start3A_71 = tpu.memref_slice %arg7[%dma_start3A_66, %dma_start3A_70] : memref<8x32xi32, #tpu.memory_space<vmem>> -> memref<1x32xi32, #tpu.memory_space<vmem>>
      %dma_start3A_72 = tpu.memref_squeeze %dma_start3A_71 : memref<1x32xi32, #tpu.memory_space<vmem>> -> memref<32xi32, #tpu.memory_space<vmem>>
      %dma_start3A_73 = arith.constant 0 : i32
      %dma_start3A_74 = tpu.memref_slice %arg6[%dma_start3A_73] : memref<278528xf32, #tpu.memory_space<hbm>> -> memref<278528xf32, #tpu.memory_space<hbm>>
      tpu.enqueue_indirect_dma source(%dma_start3A_69 : memref<32xf32, #tpu.memory_space<vmem>>) target(%dma_start3A_74 : memref<278528xf32, #tpu.memory_space<hbm>>) offsets(%dma_start3A_72 : memref<32xi32, #tpu.memory_space<vmem>>) semaphore(%arg10 : memref<!tpu.dma_semaphore, #tpu.memory_space<semaphore_mem>>)
      %dma_start3A_75 = arith.constant 1 : i32
      %dma_start3A_76 = arith.constant 0 : i32
      %dma_start3A_77 = tpu.memref_slice %arg7[%dma_start3A_75, %dma_start3A_76] : memref<8x32xi32, #tpu.memory_space<vmem>> -> memref<1x32xi32, #tpu.memory_space<vmem>>
      %dma_start3A_78 = tpu.memref_squeeze %dma_start3A_77 : memref<1x32xi32, #tpu.memory_space<vmem>> -> memref<32xi32, #tpu.memory_space<vmem>>
      %dma_start3A_79 = arith.constant 0 : i32
      %dma_start3A_80 = arith.constant 0 : i32
      %dma_start3A_81 = tpu.memref_slice %arg5[%dma_start3A_79, %dma_start3A_80] : memref<278528x768xf32, #tpu.memory_space<hbm>> -> memref<278528x768xf32, #tpu.memory_space<hbm>>
      tpu.enqueue_indirect_dma source(%arg9 : memref<32x768xf32, #tpu.memory_space<vmem>>) target(%dma_start3A_81 : memref<278528x768xf32, #tpu.memory_space<hbm>>) offsets(%dma_start3A_78 : memref<32xi32, #tpu.memory_space<vmem>>) semaphore(%arg10 : memref<!tpu.dma_semaphore, #tpu.memory_space<semaphore_mem>>)
      %dma_start3A_82 = arith.constant 1 : i32
      %dma_start3A_83 = arith.constant 1 : i32
      %dma_start3A_84 = arith.constant 0 : i32
      %dma_start3A_85 = tpu.memref_slice %arg8[%dma_start3A_82, %dma_start3A_84] : memref<8x32xf32, #tpu.memory_space<vmem>> -> memref<1x32xf32, #tpu.memory_space<vmem>>
      %dma_start3A_86 = tpu.memref_squeeze %dma_start3A_85 : memref<1x32xf32, #tpu.memory_space<vmem>> -> memref<32xf32, #tpu.memory_space<vmem>>
      %dma_start3A_87 = arith.constant 0 : i32
      %dma_start3A_88 = tpu.memref_slice %arg7[%dma_start3A_83, %dma_start3A_87] : memref<8x32xi32, #tpu.memory_space<vmem>> -> memref<1x32xi32, #tpu.memory_space<vmem>>
      %dma_start3A_89 = tpu.memref_squeeze %dma_start3A_88 : memref<1x32xi32, #tpu.memory_space<vmem>> -> memref<32xi32, #tpu.memory_space<vmem>>
      %dma_start3A_90 = arith.constant 0 : i32
      %dma_start3A_91 = tpu.memref_slice %arg6[%dma_start3A_90] : memref<278528xf32, #tpu.memory_space<hbm>> -> memref<278528xf32, #tpu.memory_space<hbm>>
      tpu.enqueue_indirect_dma source(%dma_start3A_86 : memref<32xf32, #tpu.memory_space<vmem>>) target(%dma_start3A_91 : memref<278528xf32, #tpu.memory_space<hbm>>) offsets(%dma_start3A_89 : memref<32xi32, #tpu.memory_space<vmem>>) semaphore(%arg10 : memref<!tpu.dma_semaphore, #tpu.memory_space<semaphore_mem>>)
      %dma_start3A_92 = arith.constant 2 : i32
      %dma_start3A_93 = arith.constant 0 : i32
      %dma_start3A_94 = tpu.memref_slice %arg7[%dma_start3A_92, %dma_start3A_93] : memref<8x32xi32, #tpu.memory_space<vmem>> -> memref<1x32xi32, #tpu.memory_space<vmem>>
      %dma_start3A_95 = tpu.memref_squeeze %dma_start3A_94 : memref<1x32xi32, #tpu.memory_space<vmem>> -> memref<32xi32, #tpu.memory_space<vmem>>
      %dma_start3A_96 = arith.constant 0 : i32
      %dma_start3A_97 = arith.constant 0 : i32
      %dma_start3A_98 = tpu.memref_slice %arg5[%dma_start3A_96, %dma_start3A_97] : memref<278528x768xf32, #tpu.memory_space<hbm>> -> memref<278528x768xf32, #tpu.memory_space<hbm>>
      tpu.enqueue_indirect_dma source(%arg9 : memref<32x768xf32, #tpu.memory_space<vmem>>) target(%dma_start3A_98 : memref<278528x768xf32, #tpu.memory_space<hbm>>) offsets(%dma_start3A_95 : memref<32xi32, #tpu.memory_space<vmem>>) semaphore(%arg10 : memref<!tpu.dma_semaphore, #tpu.memory_space<semaphore_mem>>)
      %dma_start3A_99 = arith.constant 2 : i32
      %dma_start3A_100 = arith.constant 2 : i32
      %dma_start3A_101 = arith.constant 0 : i32
      %dma_start3A_102 = tpu.memref_slice %arg8[%dma_start3A_99, %dma_start3A_101] : memref<8x32xf32, #tpu.memory_space<vmem>> -> memref<1x32xf32, #tpu.memory_space<vmem>>
      %dma_start3A_103 = tpu.memref_squeeze %dma_start3A_102 : memref<1x32xf32, #tpu.memory_space<vmem>> -> memref<32xf32, #tpu.memory_space<vmem>>
      %dma_start3A_104 = arith.constant 0 : i32
      %dma_start3A_105 = tpu.memref_slice %arg7[%dma_start3A_100, %dma_start3A_104] : memref<8x32xi32, #tpu.memory_space<vmem>> -> memref<1x32xi32, #tpu.memory_space<vmem>>
      %dma_start3A_106 = tpu.memref_squeeze %dma_start3A_105 : memref<1x32xi32, #tpu.memory_space<vmem>> -> memref<32xi32, #tpu.memory_space<vmem>>
      %dma_start3A_107 = arith.constant 0 : i32
      %dma_start3A_108 = tpu.memref_slice %arg6[%dma_start3A_107] : memref<278528xf32, #tpu.memory_space<hbm>> -> memref<278528xf32, #tpu.memory_space<hbm>>
      tpu.enqueue_indirect_dma source(%dma_start3A_103 : memref<32xf32, #tpu.memory_space<vmem>>) target(%dma_start3A_108 : memref<278528xf32, #tpu.memory_space<hbm>>) offsets(%dma_start3A_106 : memref<32xi32, #tpu.memory_space<vmem>>) semaphore(%arg10 : memref<!tpu.dma_semaphore, #tpu.memory_space<semaphore_mem>>)
      %dma_start3A_109 = arith.constant 3 : i32
      %dma_start3A_110 = arith.constant 0 : i32
      %dma_start3A_111 = tpu.memref_slice %arg7[%dma_start3A_109, %dma_start3A_110] : memref<8x32xi32, #tpu.memory_space<vmem>> -> memref<1x32xi32, #tpu.memory_space<vmem>>
      %dma_start3A_112 = tpu.memref_squeeze %dma_start3A_111 : memref<1x32xi32, #tpu.memory_space<vmem>> -> memref<32xi32, #tpu.memory_space<vmem>>
      %dma_start3A_113 = arith.constant 0 : i32
      %dma_start3A_114 = arith.constant 0 : i32
      %dma_start3A_115 = tpu.memref_slice %arg5[%dma_start3A_113, %dma_start3A_114] : memref<278528x768xf32, #tpu.memory_space<hbm>> -> memref<278528x768xf32, #tpu.memory_space<hbm>>
      tpu.enqueue_indirect_dma source(%arg9 : memref<32x768xf32, #tpu.memory_space<vmem>>) target(%dma_start3A_115 : memref<278528x768xf32, #tpu.memory_space<hbm>>) offsets(%dma_start3A_112 : memref<32xi32, #tpu.memory_space<vmem>>) semaphore(%arg10 : memref<!tpu.dma_semaphore, #tpu.memory_space<semaphore_mem>>)
      %dma_start3A_116 = arith.constant 3 : i32
      %dma_start3A_117 = arith.constant 3 : i32
      %dma_start3A_118 = arith.constant 0 : i32
      %dma_start3A_119 = tpu.memref_slice %arg8[%dma_start3A_116, %dma_start3A_118] : memref<8x32xf32, #tpu.memory_space<vmem>> -> memref<1x32xf32, #tpu.memory_space<vmem>>
      %dma_start3A_120 = tpu.memref_squeeze %dma_start3A_119 : memref<1x32xf32, #tpu.memory_space<vmem>> -> memref<32xf32, #tpu.memory_space<vmem>>
      %dma_start3A_121 = arith.constant 0 : i32
      %dma_start3A_122 = tpu.memref_slice %arg7[%dma_start3A_117, %dma_start3A_121] : memref<8x32xi32, #tpu.memory_space<vmem>> -> memref<1x32xi32, #tpu.memory_space<vmem>>
      %dma_start3A_123 = tpu.memref_squeeze %dma_start3A_122 : memref<1x32xi32, #tpu.memory_space<vmem>> -> memref<32xi32, #tpu.memory_space<vmem>>
      %dma_start3A_124 = arith.constant 0 : i32
      %dma_start3A_125 = tpu.memref_slice %arg6[%dma_start3A_124] : memref<278528xf32, #tpu.memory_space<hbm>> -> memref<278528xf32, #tpu.memory_space<hbm>>
      tpu.enqueue_indirect_dma source(%dma_start3A_120 : memref<32xf32, #tpu.memory_space<vmem>>) target(%dma_start3A_125 : memref<278528xf32, #tpu.memory_space<hbm>>) offsets(%dma_start3A_123 : memref<32xi32, #tpu.memory_space<vmem>>) semaphore(%arg10 : memref<!tpu.dma_semaphore, #tpu.memory_space<semaphore_mem>>)
      %dma_start3A_126 = arith.constant 4 : i32
      %dma_start3A_127 = arith.constant 0 : i32
      %dma_start3A_128 = tpu.memref_slice %arg7[%dma_start3A_126, %dma_start3A_127] : memref<8x32xi32, #tpu.memory_space<vmem>> -> memref<1x32xi32, #tpu.memory_space<vmem>>
      %dma_start3A_129 = tpu.memref_squeeze %dma_start3A_128 : memref<1x32xi32, #tpu.memory_space<vmem>> -> memref<32xi32, #tpu.memory_space<vmem>>
      %dma_start3A_130 = arith.constant 0 : i32
      %dma_start3A_131 = arith.constant 0 : i32
      %dma_start3A_132 = tpu.memref_slice %arg5[%dma_start3A_130, %dma_start3A_131] : memref<278528x768xf32, #tpu.memory_space<hbm>> -> memref<278528x768xf32, #tpu.memory_space<hbm>>
      tpu.enqueue_indirect_dma source(%arg9 : memref<32x768xf32, #tpu.memory_space<vmem>>) target(%dma_start3A_132 : memref<278528x768xf32, #tpu.memory_space<hbm>>) offsets(%dma_start3A_129 : memref<32xi32, #tpu.memory_space<vmem>>) semaphore(%arg10 : memref<!tpu.dma_semaphore, #tpu.memory_space<semaphore_mem>>)
      %dma_start3A_133 = arith.constant 4 : i32
      %dma_start3A_134 = arith.constant 4 : i32
      %dma_start3A_135 = arith.constant 0 : i32
      %dma_start3A_136 = tpu.memref_slice %arg8[%dma_start3A_133, %dma_start3A_135] : memref<8x32xf32, #tpu.memory_space<vmem>> -> memref<1x32xf32, #tpu.memory_space<vmem>>
      %dma_start3A_137 = tpu.memref_squeeze %dma_start3A_136 : memref<1x32xf32, #tpu.memory_space<vmem>> -> memref<32xf32, #tpu.memory_space<vmem>>
      %dma_start3A_138 = arith.constant 0 : i32
      %dma_start3A_139 = tpu.memref_slice %arg7[%dma_start3A_134, %dma_start3A_138] : memref<8x32xi32, #tpu.memory_space<vmem>> -> memref<1x32xi32, #tpu.memory_space<vmem>>
      %dma_start3A_140 = tpu.memref_squeeze %dma_start3A_139 : memref<1x32xi32, #tpu.memory_space<vmem>> -> memref<32xi32, #tpu.memory_space<vmem>>
      %dma_start3A_141 = arith.constant 0 : i32
      %dma_start3A_142 = tpu.memref_slice %arg6[%dma_start3A_141] : memref<278528xf32, #tpu.memory_space<hbm>> -> memref<278528xf32, #tpu.memory_space<hbm>>
      tpu.enqueue_indirect_dma source(%dma_start3A_137 : memref<32xf32, #tpu.memory_space<vmem>>) target(%dma_start3A_142 : memref<278528xf32, #tpu.memory_space<hbm>>) offsets(%dma_start3A_140 : memref<32xi32, #tpu.memory_space<vmem>>) semaphore(%arg10 : memref<!tpu.dma_semaphore, #tpu.memory_space<semaphore_mem>>)
      %dma_start3A_143 = arith.constant 5 : i32
      %dma_start3A_144 = arith.constant 0 : i32
      %dma_start3A_145 = tpu.memref_slice %arg7[%dma_start3A_143, %dma_start3A_144] : memref<8x32xi32, #tpu.memory_space<vmem>> -> memref<1x32xi32, #tpu.memory_space<vmem>>
      %dma_start3A_146 = tpu.memref_squeeze %dma_start3A_145 : memref<1x32xi32, #tpu.memory_space<vmem>> -> memref<32xi32, #tpu.memory_space<vmem>>
      %dma_start3A_147 = arith.constant 0 : i32
      %dma_start3A_148 = arith.constant 0 : i32
      %dma_start3A_149 = tpu.memref_slice %arg5[%dma_start3A_147, %dma_start3A_148] : memref<278528x768xf32, #tpu.memory_space<hbm>> -> memref<278528x768xf32, #tpu.memory_space<hbm>>
      tpu.enqueue_indirect_dma source(%arg9 : memref<32x768xf32, #tpu.memory_space<vmem>>) target(%dma_start3A_149 : memref<278528x768xf32, #tpu.memory_space<hbm>>) offsets(%dma_start3A_146 : memref<32xi32, #tpu.memory_space<vmem>>) semaphore(%arg10 : memref<!tpu.dma_semaphore, #tpu.memory_space<semaphore_mem>>)
      %dma_start3A_150 = arith.constant 5 : i32
      %dma_start3A_151 = arith.constant 5 : i32
      %dma_start3A_152 = arith.constant 0 : i32
      %dma_start3A_153 = tpu.memref_slice %arg8[%dma_start3A_150, %dma_start3A_152] : memref<8x32xf32, #tpu.memory_space<vmem>> -> memref<1x32xf32, #tpu.memory_space<vmem>>
      %dma_start3A_154 = tpu.memref_squeeze %dma_start3A_153 : memref<1x32xf32, #tpu.memory_space<vmem>> -> memref<32xf32, #tpu.memory_space<vmem>>
      %dma_start3A_155 = arith.constant 0 : i32
      %dma_start3A_156 = tpu.memref_slice %arg7[%dma_start3A_151, %dma_start3A_155] : memref<8x32xi32, #tpu.memory_space<vmem>> -> memref<1x32xi32, #tpu.memory_space<vmem>>
      %dma_start3A_157 = tpu.memref_squeeze %dma_start3A_156 : memref<1x32xi32, #tpu.memory_space<vmem>> -> memref<32xi32, #tpu.memory_space<vmem>>
      %dma_start3A_158 = arith.constant 0 : i32
      %dma_start3A_159 = tpu.memref_slice %arg6[%dma_start3A_158] : memref<278528xf32, #tpu.memory_space<hbm>> -> memref<278528xf32, #tpu.memory_space<hbm>>
      tpu.enqueue_indirect_dma source(%dma_start3A_154 : memref<32xf32, #tpu.memory_space<vmem>>) target(%dma_start3A_159 : memref<278528xf32, #tpu.memory_space<hbm>>) offsets(%dma_start3A_157 : memref<32xi32, #tpu.memory_space<vmem>>) semaphore(%arg10 : memref<!tpu.dma_semaphore, #tpu.memory_space<semaphore_mem>>)
      %dma_start3A_160 = arith.constant 6 : i32
      %dma_start3A_161 = arith.constant 0 : i32
      %dma_start3A_162 = tpu.memref_slice %arg7[%dma_start3A_160, %dma_start3A_161] : memref<8x32xi32, #tpu.memory_space<vmem>> -> memref<1x32xi32, #tpu.memory_space<vmem>>
      %dma_start3A_163 = tpu.memref_squeeze %dma_start3A_162 : memref<1x32xi32, #tpu.memory_space<vmem>> -> memref<32xi32, #tpu.memory_space<vmem>>
      %dma_start3A_164 = arith.constant 0 : i32
      %dma_start3A_165 = arith.constant 0 : i32
      %dma_start3A_166 = tpu.memref_slice %arg5[%dma_start3A_164, %dma_start3A_165] : memref<278528x768xf32, #tpu.memory_space<hbm>> -> memref<278528x768xf32, #tpu.memory_space<hbm>>
      tpu.enqueue_indirect_dma source(%arg9 : memref<32x768xf32, #tpu.memory_space<vmem>>) target(%dma_start3A_166 : memref<278528x768xf32, #tpu.memory_space<hbm>>) offsets(%dma_start3A_163 : memref<32xi32, #tpu.memory_space<vmem>>) semaphore(%arg10 : memref<!tpu.dma_semaphore, #tpu.memory_space<semaphore_mem>>)
      %dma_start3A_167 = arith.constant 6 : i32
      %dma_start3A_168 = arith.constant 6 : i32
      %dma_start3A_169 = arith.constant 0 : i32
      %dma_start3A_170 = tpu.memref_slice %arg8[%dma_start3A_167, %dma_start3A_169] : memref<8x32xf32, #tpu.memory_space<vmem>> -> memref<1x32xf32, #tpu.memory_space<vmem>>
      %dma_start3A_171 = tpu.memref_squeeze %dma_start3A_170 : memref<1x32xf32, #tpu.memory_space<vmem>> -> memref<32xf32, #tpu.memory_space<vmem>>
      %dma_start3A_172 = arith.constant 0 : i32
      %dma_start3A_173 = tpu.memref_slice %arg7[%dma_start3A_168, %dma_start3A_172] : memref<8x32xi32, #tpu.memory_space<vmem>> -> memref<1x32xi32, #tpu.memory_space<vmem>>
      %dma_start3A_174 = tpu.memref_squeeze %dma_start3A_173 : memref<1x32xi32, #tpu.memory_space<vmem>> -> memref<32xi32, #tpu.memory_space<vmem>>
      %dma_start3A_175 = arith.constant 0 : i32
      %dma_start3A_176 = tpu.memref_slice %arg6[%dma_start3A_175] : memref<278528xf32, #tpu.memory_space<hbm>> -> memref<278528xf32, #tpu.memory_space<hbm>>
      tpu.enqueue_indirect_dma source(%dma_start3A_171 : memref<32xf32, #tpu.memory_space<vmem>>) target(%dma_start3A_176 : memref<278528xf32, #tpu.memory_space<hbm>>) offsets(%dma_start3A_174 : memref<32xi32, #tpu.memory_space<vmem>>) semaphore(%arg10 : memref<!tpu.dma_semaphore, #tpu.memory_space<semaphore_mem>>)
      %dma_start3A_177 = arith.constant 7 : i32
      %dma_start3A_178 = arith.constant 0 : i32
      %dma_start3A_179 = tpu.memref_slice %arg7[%dma_start3A_177, %dma_start3A_178] : memref<8x32xi32, #tpu.memory_space<vmem>> -> memref<1x32xi32, #tpu.memory_space<vmem>>
      %dma_start3A_180 = tpu.memref_squeeze %dma_start3A_179 : memref<1x32xi32, #tpu.memory_space<vmem>> -> memref<32xi32, #tpu.memory_space<vmem>>
      %dma_start3A_181 = arith.constant 0 : i32
      %dma_start3A_182 = arith.constant 0 : i32
      %dma_start3A_183 = tpu.memref_slice %arg5[%dma_start3A_181, %dma_start3A_182] : memref<278528x768xf32, #tpu.memory_space<hbm>> -> memref<278528x768xf32, #tpu.memory_space<hbm>>
      tpu.enqueue_indirect_dma source(%arg9 : memref<32x768xf32, #tpu.memory_space<vmem>>) target(%dma_start3A_183 : memref<278528x768xf32, #tpu.memory_space<hbm>>) offsets(%dma_start3A_180 : memref<32xi32, #tpu.memory_space<vmem>>) semaphore(%arg10 : memref<!tpu.dma_semaphore, #tpu.memory_space<semaphore_mem>>)
      %dma_start3A_184 = arith.constant 7 : i32
      %dma_start3A_185 = arith.constant 7 : i32
      %dma_start3A_186 = arith.constant 0 : i32
      %dma_start3A_187 = tpu.memref_slice %arg8[%dma_start3A_184, %dma_start3A_186] : memref<8x32xf32, #tpu.memory_space<vmem>> -> memref<1x32xf32, #tpu.memory_space<vmem>>
      %dma_start3A_188 = tpu.memref_squeeze %dma_start3A_187 : memref<1x32xf32, #tpu.memory_space<vmem>> -> memref<32xf32, #tpu.memory_space<vmem>>
      %dma_start3A_189 = arith.constant 0 : i32
      %dma_start3A_190 = tpu.memref_slice %arg7[%dma_start3A_185, %dma_start3A_189] : memref<8x32xi32, #tpu.memory_space<vmem>> -> memref<1x32xi32, #tpu.memory_space<vmem>>
      %dma_start3A_191 = tpu.memref_squeeze %dma_start3A_190 : memref<1x32xi32, #tpu.memory_space<vmem>> -> memref<32xi32, #tpu.memory_space<vmem>>
      %dma_start3A_192 = arith.constant 0 : i32
      %dma_start3A_193 = tpu.memref_slice %arg6[%dma_start3A_192] : memref<278528xf32, #tpu.memory_space<hbm>> -> memref<278528xf32, #tpu.memory_space<hbm>>
      tpu.enqueue_indirect_dma source(%dma_start3A_188 : memref<32xf32, #tpu.memory_space<vmem>>) target(%dma_start3A_193 : memref<278528xf32, #tpu.memory_space<hbm>>) offsets(%dma_start3A_191 : memref<32xi32, #tpu.memory_space<vmem>>) semaphore(%arg10 : memref<!tpu.dma_semaphore, #tpu.memory_space<semaphore_mem>>)
      %dma_wait3A = arith.constant 0 : i32
      %dma_wait3A_194 = arith.constant 0 : i32
      %dma_wait3A_195 = tpu.memref_slice %arg7[%dma_wait3A, %dma_wait3A_194] : memref<8x32xi32, #tpu.memory_space<vmem>> -> memref<1x32xi32, #tpu.memory_space<vmem>>
      %dma_wait3A_196 = tpu.memref_squeeze %dma_wait3A_195 : memref<1x32xi32, #tpu.memory_space<vmem>> -> memref<32xi32, #tpu.memory_space<vmem>>
      %dma_wait3A_197 = arith.constant 0 : i32
      %dma_wait3A_198 = arith.constant 0 : i32
      %dma_wait3A_199 = tpu.memref_slice %arg5[%dma_wait3A_197, %dma_wait3A_198] : memref<278528x768xf32, #tpu.memory_space<hbm>> -> memref<278528x768xf32, #tpu.memory_space<hbm>>
      tpu.wait_indirect_dma semaphore(%arg10 : memref<!tpu.dma_semaphore, #tpu.memory_space<semaphore_mem>>) src(%arg9 : memref<32x768xf32, #tpu.memory_space<vmem>>) dst(%dma_wait3A_199 : memref<278528x768xf32, #tpu.memory_space<hbm>>)
      %dma_wait3A_200 = arith.constant 0 : i32
      %dma_wait3A_201 = arith.constant 0 : i32
      %dma_wait3A_202 = arith.constant 0 : i32
      %dma_wait3A_203 = tpu.memref_slice %arg8[%dma_wait3A_200, %dma_wait3A_202] : memref<8x32xf32, #tpu.memory_space<vmem>> -> memref<1x32xf32, #tpu.memory_space<vmem>>
      %dma_wait3A_204 = tpu.memref_squeeze %dma_wait3A_203 : memref<1x32xf32, #tpu.memory_space<vmem>> -> memref<32xf32, #tpu.memory_space<vmem>>
      %dma_wait3A_205 = arith.constant 0 : i32
      %dma_wait3A_206 = tpu.memref_slice %arg7[%dma_wait3A_201, %dma_wait3A_205] : memref<8x32xi32, #tpu.memory_space<vmem>> -> memref<1x32xi32, #tpu.memory_space<vmem>>
      %dma_wait3A_207 = tpu.memref_squeeze %dma_wait3A_206 : memref<1x32xi32, #tpu.memory_space<vmem>> -> memref<32xi32, #tpu.memory_space<vmem>>
      %dma_wait3A_208 = arith.constant 0 : i32
      %dma_wait3A_209 = tpu.memref_slice %arg6[%dma_wait3A_208] : memref<278528xf32, #tpu.memory_space<hbm>> -> memref<278528xf32, #tpu.memory_space<hbm>>
      tpu.wait_indirect_dma semaphore(%arg10 : memref<!tpu.dma_semaphore, #tpu.memory_space<semaphore_mem>>) src(%dma_wait3A_204 : memref<32xf32, #tpu.memory_space<vmem>>) dst(%dma_wait3A_209 : memref<278528xf32, #tpu.memory_space<hbm>>)
      %dma_wait3A_210 = arith.constant 1 : i32
      %dma_wait3A_211 = arith.constant 0 : i32
      %dma_wait3A_212 = tpu.memref_slice %arg7[%dma_wait3A_210, %dma_wait3A_211] : memref<8x32xi32, #tpu.memory_space<vmem>> -> memref<1x32xi32, #tpu.memory_space<vmem>>
      %dma_wait3A_213 = tpu.memref_squeeze %dma_wait3A_212 : memref<1x32xi32, #tpu.memory_space<vmem>> -> memref<32xi32, #tpu.memory_space<vmem>>
      %dma_wait3A_214 = arith.constant 0 : i32
      %dma_wait3A_215 = arith.constant 0 : i32
      %dma_wait3A_216 = tpu.memref_slice %arg5[%dma_wait3A_214, %dma_wait3A_215] : memref<278528x768xf32, #tpu.memory_space<hbm>> -> memref<278528x768xf32, #tpu.memory_space<hbm>>
      tpu.wait_indirect_dma semaphore(%arg10 : memref<!tpu.dma_semaphore, #tpu.memory_space<semaphore_mem>>) src(%arg9 : memref<32x768xf32, #tpu.memory_space<vmem>>) dst(%dma_wait3A_216 : memref<278528x768xf32, #tpu.memory_space<hbm>>)
      %dma_wait3A_217 = arith.constant 1 : i32
      %dma_wait3A_218 = arith.constant 1 : i32
      %dma_wait3A_219 = arith.constant 0 : i32
      %dma_wait3A_220 = tpu.memref_slice %arg8[%dma_wait3A_217, %dma_wait3A_219] : memref<8x32xf32, #tpu.memory_space<vmem>> -> memref<1x32xf32, #tpu.memory_space<vmem>>
      %dma_wait3A_221 = tpu.memref_squeeze %dma_wait3A_220 : memref<1x32xf32, #tpu.memory_space<vmem>> -> memref<32xf32, #tpu.memory_space<vmem>>
      %dma_wait3A_222 = arith.constant 0 : i32
      %dma_wait3A_223 = tpu.memref_slice %arg7[%dma_wait3A_218, %dma_wait3A_222] : memref<8x32xi32, #tpu.memory_space<vmem>> -> memref<1x32xi32, #tpu.memory_space<vmem>>
      %dma_wait3A_224 = tpu.memref_squeeze %dma_wait3A_223 : memref<1x32xi32, #tpu.memory_space<vmem>> -> memref<32xi32, #tpu.memory_space<vmem>>
      %dma_wait3A_225 = arith.constant 0 : i32
      %dma_wait3A_226 = tpu.memref_slice %arg6[%dma_wait3A_225] : memref<278528xf32, #tpu.memory_space<hbm>> -> memref<278528xf32, #tpu.memory_space<hbm>>
      tpu.wait_indirect_dma semaphore(%arg10 : memref<!tpu.dma_semaphore, #tpu.memory_space<semaphore_mem>>) src(%dma_wait3A_221 : memref<32xf32, #tpu.memory_space<vmem>>) dst(%dma_wait3A_226 : memref<278528xf32, #tpu.memory_space<hbm>>)
      %dma_wait3A_227 = arith.constant 2 : i32
      %dma_wait3A_228 = arith.constant 0 : i32
      %dma_wait3A_229 = tpu.memref_slice %arg7[%dma_wait3A_227, %dma_wait3A_228] : memref<8x32xi32, #tpu.memory_space<vmem>> -> memref<1x32xi32, #tpu.memory_space<vmem>>
      %dma_wait3A_230 = tpu.memref_squeeze %dma_wait3A_229 : memref<1x32xi32, #tpu.memory_space<vmem>> -> memref<32xi32, #tpu.memory_space<vmem>>
      %dma_wait3A_231 = arith.constant 0 : i32
      %dma_wait3A_232 = arith.constant 0 : i32
      %dma_wait3A_233 = tpu.memref_slice %arg5[%dma_wait3A_231, %dma_wait3A_232] : memref<278528x768xf32, #tpu.memory_space<hbm>> -> memref<278528x768xf32, #tpu.memory_space<hbm>>
      tpu.wait_indirect_dma semaphore(%arg10 : memref<!tpu.dma_semaphore, #tpu.memory_space<semaphore_mem>>) src(%arg9 : memref<32x768xf32, #tpu.memory_space<vmem>>) dst(%dma_wait3A_233 : memref<278528x768xf32, #tpu.memory_space<hbm>>)
      %dma_wait3A_234 = arith.constant 2 : i32
      %dma_wait3A_235 = arith.constant 2 : i32
      %dma_wait3A_236 = arith.constant 0 : i32
      %dma_wait3A_237 = tpu.memref_slice %arg8[%dma_wait3A_234, %dma_wait3A_236] : memref<8x32xf32, #tpu.memory_space<vmem>> -> memref<1x32xf32, #tpu.memory_space<vmem>>
      %dma_wait3A_238 = tpu.memref_squeeze %dma_wait3A_237 : memref<1x32xf32, #tpu.memory_space<vmem>> -> memref<32xf32, #tpu.memory_space<vmem>>
      %dma_wait3A_239 = arith.constant 0 : i32
      %dma_wait3A_240 = tpu.memref_slice %arg7[%dma_wait3A_235, %dma_wait3A_239] : memref<8x32xi32, #tpu.memory_space<vmem>> -> memref<1x32xi32, #tpu.memory_space<vmem>>
      %dma_wait3A_241 = tpu.memref_squeeze %dma_wait3A_240 : memref<1x32xi32, #tpu.memory_space<vmem>> -> memref<32xi32, #tpu.memory_space<vmem>>
      %dma_wait3A_242 = arith.constant 0 : i32
      %dma_wait3A_243 = tpu.memref_slice %arg6[%dma_wait3A_242] : memref<278528xf32, #tpu.memory_space<hbm>> -> memref<278528xf32, #tpu.memory_space<hbm>>
      tpu.wait_indirect_dma semaphore(%arg10 : memref<!tpu.dma_semaphore, #tpu.memory_space<semaphore_mem>>) src(%dma_wait3A_238 : memref<32xf32, #tpu.memory_space<vmem>>) dst(%dma_wait3A_243 : memref<278528xf32, #tpu.memory_space<hbm>>)
      %dma_wait3A_244 = arith.constant 3 : i32
      %dma_wait3A_245 = arith.constant 0 : i32
      %dma_wait3A_246 = tpu.memref_slice %arg7[%dma_wait3A_244, %dma_wait3A_245] : memref<8x32xi32, #tpu.memory_space<vmem>> -> memref<1x32xi32, #tpu.memory_space<vmem>>
      %dma_wait3A_247 = tpu.memref_squeeze %dma_wait3A_246 : memref<1x32xi32, #tpu.memory_space<vmem>> -> memref<32xi32, #tpu.memory_space<vmem>>
      %dma_wait3A_248 = arith.constant 0 : i32
      %dma_wait3A_249 = arith.constant 0 : i32
      %dma_wait3A_250 = tpu.memref_slice %arg5[%dma_wait3A_248, %dma_wait3A_249] : memref<278528x768xf32, #tpu.memory_space<hbm>> -> memref<278528x768xf32, #tpu.memory_space<hbm>>
      tpu.wait_indirect_dma semaphore(%arg10 : memref<!tpu.dma_semaphore, #tpu.memory_space<semaphore_mem>>) src(%arg9 : memref<32x768xf32, #tpu.memory_space<vmem>>) dst(%dma_wait3A_250 : memref<278528x768xf32, #tpu.memory_space<hbm>>)
      %dma_wait3A_251 = arith.constant 3 : i32
      %dma_wait3A_252 = arith.constant 3 : i32
      %dma_wait3A_253 = arith.constant 0 : i32
      %dma_wait3A_254 = tpu.memref_slice %arg8[%dma_wait3A_251, %dma_wait3A_253] : memref<8x32xf32, #tpu.memory_space<vmem>> -> memref<1x32xf32, #tpu.memory_space<vmem>>
      %dma_wait3A_255 = tpu.memref_squeeze %dma_wait3A_254 : memref<1x32xf32, #tpu.memory_space<vmem>> -> memref<32xf32, #tpu.memory_space<vmem>>
      %dma_wait3A_256 = arith.constant 0 : i32
      %dma_wait3A_257 = tpu.memref_slice %arg7[%dma_wait3A_252, %dma_wait3A_256] : memref<8x32xi32, #tpu.memory_space<vmem>> -> memref<1x32xi32, #tpu.memory_space<vmem>>
      %dma_wait3A_258 = tpu.memref_squeeze %dma_wait3A_257 : memref<1x32xi32, #tpu.memory_space<vmem>> -> memref<32xi32, #tpu.memory_space<vmem>>
      %dma_wait3A_259 = arith.constant 0 : i32
      %dma_wait3A_260 = tpu.memref_slice %arg6[%dma_wait3A_259] : memref<278528xf32, #tpu.memory_space<hbm>> -> memref<278528xf32, #tpu.memory_space<hbm>>
      tpu.wait_indirect_dma semaphore(%arg10 : memref<!tpu.dma_semaphore, #tpu.memory_space<semaphore_mem>>) src(%dma_wait3A_255 : memref<32xf32, #tpu.memory_space<vmem>>) dst(%dma_wait3A_260 : memref<278528xf32, #tpu.memory_space<hbm>>)
      %dma_wait3A_261 = arith.constant 4 : i32
      %dma_wait3A_262 = arith.constant 0 : i32
      %dma_wait3A_263 = tpu.memref_slice %arg7[%dma_wait3A_261, %dma_wait3A_262] : memref<8x32xi32, #tpu.memory_space<vmem>> -> memref<1x32xi32, #tpu.memory_space<vmem>>
      %dma_wait3A_264 = tpu.memref_squeeze %dma_wait3A_263 : memref<1x32xi32, #tpu.memory_space<vmem>> -> memref<32xi32, #tpu.memory_space<vmem>>
      %dma_wait3A_265 = arith.constant 0 : i32
      %dma_wait3A_266 = arith.constant 0 : i32
      %dma_wait3A_267 = tpu.memref_slice %arg5[%dma_wait3A_265, %dma_wait3A_266] : memref<278528x768xf32, #tpu.memory_space<hbm>> -> memref<278528x768xf32, #tpu.memory_space<hbm>>
      tpu.wait_indirect_dma semaphore(%arg10 : memref<!tpu.dma_semaphore, #tpu.memory_space<semaphore_mem>>) src(%arg9 : memref<32x768xf32, #tpu.memory_space<vmem>>) dst(%dma_wait3A_267 : memref<278528x768xf32, #tpu.memory_space<hbm>>)
      %dma_wait3A_268 = arith.constant 4 : i32
      %dma_wait3A_269 = arith.constant 4 : i32
      %dma_wait3A_270 = arith.constant 0 : i32
      %dma_wait3A_271 = tpu.memref_slice %arg8[%dma_wait3A_268, %dma_wait3A_270] : memref<8x32xf32, #tpu.memory_space<vmem>> -> memref<1x32xf32, #tpu.memory_space<vmem>>
      %dma_wait3A_272 = tpu.memref_squeeze %dma_wait3A_271 : memref<1x32xf32, #tpu.memory_space<vmem>> -> memref<32xf32, #tpu.memory_space<vmem>>
      %dma_wait3A_273 = arith.constant 0 : i32
      %dma_wait3A_274 = tpu.memref_slice %arg7[%dma_wait3A_269, %dma_wait3A_273] : memref<8x32xi32, #tpu.memory_space<vmem>> -> memref<1x32xi32, #tpu.memory_space<vmem>>
      %dma_wait3A_275 = tpu.memref_squeeze %dma_wait3A_274 : memref<1x32xi32, #tpu.memory_space<vmem>> -> memref<32xi32, #tpu.memory_space<vmem>>
      %dma_wait3A_276 = arith.constant 0 : i32
      %dma_wait3A_277 = tpu.memref_slice %arg6[%dma_wait3A_276] : memref<278528xf32, #tpu.memory_space<hbm>> -> memref<278528xf32, #tpu.memory_space<hbm>>
      tpu.wait_indirect_dma semaphore(%arg10 : memref<!tpu.dma_semaphore, #tpu.memory_space<semaphore_mem>>) src(%dma_wait3A_272 : memref<32xf32, #tpu.memory_space<vmem>>) dst(%dma_wait3A_277 : memref<278528xf32, #tpu.memory_space<hbm>>)
      %dma_wait3A_278 = arith.constant 5 : i32
      %dma_wait3A_279 = arith.constant 0 : i32
      %dma_wait3A_280 = tpu.memref_slice %arg7[%dma_wait3A_278, %dma_wait3A_279] : memref<8x32xi32, #tpu.memory_space<vmem>> -> memref<1x32xi32, #tpu.memory_space<vmem>>
      %dma_wait3A_281 = tpu.memref_squeeze %dma_wait3A_280 : memref<1x32xi32, #tpu.memory_space<vmem>> -> memref<32xi32, #tpu.memory_space<vmem>>
      %dma_wait3A_282 = arith.constant 0 : i32
      %dma_wait3A_283 = arith.constant 0 : i32
      %dma_wait3A_284 = tpu.memref_slice %arg5[%dma_wait3A_282, %dma_wait3A_283] : memref<278528x768xf32, #tpu.memory_space<hbm>> -> memref<278528x768xf32, #tpu.memory_space<hbm>>
      tpu.wait_indirect_dma semaphore(%arg10 : memref<!tpu.dma_semaphore, #tpu.memory_space<semaphore_mem>>) src(%arg9 : memref<32x768xf32, #tpu.memory_space<vmem>>) dst(%dma_wait3A_284 : memref<278528x768xf32, #tpu.memory_space<hbm>>)
      %dma_wait3A_285 = arith.constant 5 : i32
      %dma_wait3A_286 = arith.constant 5 : i32
      %dma_wait3A_287 = arith.constant 0 : i32
      %dma_wait3A_288 = tpu.memref_slice %arg8[%dma_wait3A_285, %dma_wait3A_287] : memref<8x32xf32, #tpu.memory_space<vmem>> -> memref<1x32xf32, #tpu.memory_space<vmem>>
      %dma_wait3A_289 = tpu.memref_squeeze %dma_wait3A_288 : memref<1x32xf32, #tpu.memory_space<vmem>> -> memref<32xf32, #tpu.memory_space<vmem>>
      %dma_wait3A_290 = arith.constant 0 : i32
      %dma_wait3A_291 = tpu.memref_slice %arg7[%dma_wait3A_286, %dma_wait3A_290] : memref<8x32xi32, #tpu.memory_space<vmem>> -> memref<1x32xi32, #tpu.memory_space<vmem>>
      %dma_wait3A_292 = tpu.memref_squeeze %dma_wait3A_291 : memref<1x32xi32, #tpu.memory_space<vmem>> -> memref<32xi32, #tpu.memory_space<vmem>>
      %dma_wait3A_293 = arith.constant 0 : i32
      %dma_wait3A_294 = tpu.memref_slice %arg6[%dma_wait3A_293] : memref<278528xf32, #tpu.memory_space<hbm>> -> memref<278528xf32, #tpu.memory_space<hbm>>
      tpu.wait_indirect_dma semaphore(%arg10 : memref<!tpu.dma_semaphore, #tpu.memory_space<semaphore_mem>>) src(%dma_wait3A_289 : memref<32xf32, #tpu.memory_space<vmem>>) dst(%dma_wait3A_294 : memref<278528xf32, #tpu.memory_space<hbm>>)
      %dma_wait3A_295 = arith.constant 6 : i32
      %dma_wait3A_296 = arith.constant 0 : i32
      %dma_wait3A_297 = tpu.memref_slice %arg7[%dma_wait3A_295, %dma_wait3A_296] : memref<8x32xi32, #tpu.memory_space<vmem>> -> memref<1x32xi32, #tpu.memory_space<vmem>>
      %dma_wait3A_298 = tpu.memref_squeeze %dma_wait3A_297 : memref<1x32xi32, #tpu.memory_space<vmem>> -> memref<32xi32, #tpu.memory_space<vmem>>
      %dma_wait3A_299 = arith.constant 0 : i32
      %dma_wait3A_300 = arith.constant 0 : i32
      %dma_wait3A_301 = tpu.memref_slice %arg5[%dma_wait3A_299, %dma_wait3A_300] : memref<278528x768xf32, #tpu.memory_space<hbm>> -> memref<278528x768xf32, #tpu.memory_space<hbm>>
      tpu.wait_indirect_dma semaphore(%arg10 : memref<!tpu.dma_semaphore, #tpu.memory_space<semaphore_mem>>) src(%arg9 : memref<32x768xf32, #tpu.memory_space<vmem>>) dst(%dma_wait3A_301 : memref<278528x768xf32, #tpu.memory_space<hbm>>)
      %dma_wait3A_302 = arith.constant 6 : i32
      %dma_wait3A_303 = arith.constant 6 : i32
      %dma_wait3A_304 = arith.constant 0 : i32
      %dma_wait3A_305 = tpu.memref_slice %arg8[%dma_wait3A_302, %dma_wait3A_304] : memref<8x32xf32, #tpu.memory_space<vmem>> -> memref<1x32xf32, #tpu.memory_space<vmem>>
      %dma_wait3A_306 = tpu.memref_squeeze %dma_wait3A_305 : memref<1x32xf32, #tpu.memory_space<vmem>> -> memref<32xf32, #tpu.memory_space<vmem>>
      %dma_wait3A_307 = arith.constant 0 : i32
      %dma_wait3A_308 = tpu.memref_slice %arg7[%dma_wait3A_303, %dma_wait3A_307] : memref<8x32xi32, #tpu.memory_space<vmem>> -> memref<1x32xi32, #tpu.memory_space<vmem>>
      %dma_wait3A_309 = tpu.memref_squeeze %dma_wait3A_308 : memref<1x32xi32, #tpu.memory_space<vmem>> -> memref<32xi32, #tpu.memory_space<vmem>>
      %dma_wait3A_310 = arith.constant 0 : i32
      %dma_wait3A_311 = tpu.memref_slice %arg6[%dma_wait3A_310] : memref<278528xf32, #tpu.memory_space<hbm>> -> memref<278528xf32, #tpu.memory_space<hbm>>
      tpu.wait_indirect_dma semaphore(%arg10 : memref<!tpu.dma_semaphore, #tpu.memory_space<semaphore_mem>>) src(%dma_wait3A_306 : memref<32xf32, #tpu.memory_space<vmem>>) dst(%dma_wait3A_311 : memref<278528xf32, #tpu.memory_space<hbm>>)
      %dma_wait3A_312 = arith.constant 7 : i32
      %dma_wait3A_313 = arith.constant 0 : i32
      %dma_wait3A_314 = tpu.memref_slice %arg7[%dma_wait3A_312, %dma_wait3A_313] : memref<8x32xi32, #tpu.memory_space<vmem>> -> memref<1x32xi32, #tpu.memory_space<vmem>>
      %dma_wait3A_315 = tpu.memref_squeeze %dma_wait3A_314 : memref<1x32xi32, #tpu.memory_space<vmem>> -> memref<32xi32, #tpu.memory_space<vmem>>
      %dma_wait3A_316 = arith.constant 0 : i32
      %dma_wait3A_317 = arith.constant 0 : i32
      %dma_wait3A_318 = tpu.memref_slice %arg5[%dma_wait3A_316, %dma_wait3A_317] : memref<278528x768xf32, #tpu.memory_space<hbm>> -> memref<278528x768xf32, #tpu.memory_space<hbm>>
      tpu.wait_indirect_dma semaphore(%arg10 : memref<!tpu.dma_semaphore, #tpu.memory_space<semaphore_mem>>) src(%arg9 : memref<32x768xf32, #tpu.memory_space<vmem>>) dst(%dma_wait3A_318 : memref<278528x768xf32, #tpu.memory_space<hbm>>)
      %dma_wait3A_319 = arith.constant 7 : i32
      %dma_wait3A_320 = arith.constant 7 : i32
      %dma_wait3A_321 = arith.constant 0 : i32
      %dma_wait3A_322 = tpu.memref_slice %arg8[%dma_wait3A_319, %dma_wait3A_321] : memref<8x32xf32, #tpu.memory_space<vmem>> -> memref<1x32xf32, #tpu.memory_space<vmem>>
      %dma_wait3A_323 = tpu.memref_squeeze %dma_wait3A_322 : memref<1x32xf32, #tpu.memory_space<vmem>> -> memref<32xf32, #tpu.memory_space<vmem>>
      %dma_wait3A_324 = arith.constant 0 : i32
      %dma_wait3A_325 = tpu.memref_slice %arg7[%dma_wait3A_320, %dma_wait3A_324] : memref<8x32xi32, #tpu.memory_space<vmem>> -> memref<1x32xi32, #tpu.memory_space<vmem>>
      %dma_wait3A_326 = tpu.memref_squeeze %dma_wait3A_325 : memref<1x32xi32, #tpu.memory_space<vmem>> -> memref<32xi32, #tpu.memory_space<vmem>>
      %dma_wait3A_327 = arith.constant 0 : i32
      %dma_wait3A_328 = tpu.memref_slice %arg6[%dma_wait3A_327] : memref<278528xf32, #tpu.memory_space<hbm>> -> memref<278528xf32, #tpu.memory_space<hbm>>
      tpu.wait_indirect_dma semaphore(%arg10 : memref<!tpu.dma_semaphore, #tpu.memory_space<semaphore_mem>>) src(%dma_wait3A_323 : memref<32xf32, #tpu.memory_space<vmem>>) dst(%dma_wait3A_328 : memref<278528xf32, #tpu.memory_space<hbm>>)
    }
    %scan3A_7 = arith.constant 32 : i32
    return
  }
}

module attributes {stable_mosaic.version = 14 : i64} {
  func.func @_router_body(%arg0: i32, %arg1: memref<512x768xf32, #tpu.memory_space<vmem>>, %arg2: memref<64x768xf32, #tpu.memory_space<vmem>>, %arg3: memref<1x64xf32, #tpu.memory_space<vmem>>, %arg4: memref<512x64xf32, #tpu.memory_space<vmem>>, %arg5: memref<512x8xf32, #tpu.memory_space<vmem>>, %arg6: memref<512x8xi32, #tpu.memory_space<vmem>>) attributes {dimension_semantics = [#tpu.dimension_semantics<arbitrary>], iteration_bounds = array<i64: 64>, scalar_prefetch = 0 : i64, scratch_operands = 0 : i64, tpu.core_type = #tpu.core_type<tc>, window_params = [{transform_indices = @transform_0, window_bounds = array<i64: 512, 768>}, {pipeline_mode = #tpu.pipeline_mode<synchronous>, transform_indices = @transform_1, window_bounds = array<i64: 64, 768>}, {pipeline_mode = #tpu.pipeline_mode<synchronous>, transform_indices = @transform_2, window_bounds = array<i64: 1, 64>}, {transform_indices = @transform_3, window_bounds = array<i64: 512, 64>}, {transform_indices = @transform_4, window_bounds = array<i64: 512, 8>}, {transform_indices = @transform_5, window_bounds = array<i64: 512, 8>}]} {
    %get3A = arith.constant 0 : index
    %get3A_0 = arith.constant 0 : index
    %get3A_1 = vector.load %arg1[%get3A, %get3A_0] : memref<512x768xf32, #tpu.memory_space<vmem>>, vector<512x768xf32>
    %get3A_2 = arith.constant 0 : index
    %get3A_3 = arith.constant 0 : index
    %get3A_4 = vector.load %arg2[%get3A_2, %get3A_3] : memref<64x768xf32, #tpu.memory_space<vmem>>, vector<64x768xf32>
    %dot_general3A = arith.constant dense<0.000000e+00> : vector<512x64xf32>
    %dot_general3A_5 = tpu.matmul %get3A_1, %get3A_4, %dot_general3A {dimension_numbers = #tpu.dot_dimension_numbers<[1], [1], [0], [0], [0, 0, 1, 0], [], []>, transpose_lhs_hint = false} : vector<512x768xf32>, vector<64x768xf32>, vector<512x64xf32> -> vector<512x64xf32>
    %get3A_6 = arith.constant 0 : index
    %get3A_7 = arith.constant 0 : index
    %get3A_8 = vector.load %arg3[%get3A_6, %get3A_7] : memref<1x64xf32, #tpu.memory_space<vmem>>, vector<1x64xf32>
    %add3A = vector.broadcast %get3A_8 : vector<1x64xf32> to vector<512x64xf32>
    %add3A_9 = arith.addf %dot_general3A_5, %add3A : vector<512x64xf32>
    %swap3A = arith.constant 0 : index
    %swap3A_10 = arith.constant 0 : index
    %swap3A_11 = vector.load %arg4[%swap3A, %swap3A_10] : memref<512x64xf32, #tpu.memory_space<vmem>>, vector<512x64xf32>
    tpu.vector_store %arg4[%swap3A, %swap3A_10], %add3A_9 {strides = array<i32>} : memref<512x64xf32, #tpu.memory_space<vmem>>, vector<512x64xf32>,
    %iota3A = tpu.iota {dimensions = array<i32: 1>} : vector<512x64xi32>
    %reduce_max3A = arith.constant dense<0xFF800000> : vector<512xf32>
    %reduce_max3A_12 = vector.multi_reduction <maximumf>, %add3A_9, %reduce_max3A [1] : vector<512x64xf32> to vector<512xf32>
    %broadcast_in_dim3A = vector.shape_cast %reduce_max3A_12 : vector<512xf32> to vector<512x1xf32>
    %eq3A = vector.broadcast %broadcast_in_dim3A : vector<512x1xf32> to vector<512x64xf32>
    %eq3A_13 = arith.cmpf oeq, %add3A_9, %eq3A : vector<512x64xf32>
    %jit3A = arith.constant 64 : i32
    %broadcast_in_dim3A_14 = vector.broadcast %jit3A : i32 to vector<512x64xi32>
    %select_n3A = arith.select %eq3A_13, %iota3A, %broadcast_in_dim3A_14 : vector<512x64xi1>, vector<512x64xi32>
    %reduce_min3A = arith.constant dense<2147483647> : vector<512xi32>
    %reduce_min3A_15 = vector.multi_reduction <minsi>, %select_n3A, %reduce_min3A [1] : vector<512x64xi32> to vector<512xi32>
    %broadcast_in_dim3A_16 = vector.shape_cast %reduce_min3A_15 : vector<512xi32> to vector<512x1xi32>
    %eq3A_17 = vector.broadcast %broadcast_in_dim3A_16 : vector<512x1xi32> to vector<512x64xi32>
    %eq3A_18 = arith.cmpi eq, %iota3A, %eq3A_17 : vector<512x64xi32>
    %jit3A_19 = arith.constant -1.000000e+30 : f32
    %broadcast_in_dim3A_20 = vector.broadcast %jit3A_19 : f32 to vector<512x64xf32>
    %select_n3A_21 = arith.select %eq3A_18, %broadcast_in_dim3A_20, %add3A_9 : vector<512x64xi1>, vector<512x64xf32>
    %reduce_max3A_22 = arith.constant dense<0xFF800000> : vector<512xf32>
    %reduce_max3A_23 = vector.multi_reduction <maximumf>, %select_n3A_21, %reduce_max3A_22 [1] : vector<512x64xf32> to vector<512xf32>
    %broadcast_in_dim3A_24 = vector.shape_cast %reduce_max3A_23 : vector<512xf32> to vector<512x1xf32>
    %eq3A_25 = vector.broadcast %broadcast_in_dim3A_24 : vector<512x1xf32> to vector<512x64xf32>
    %eq3A_26 = arith.cmpf oeq, %select_n3A_21, %eq3A_25 : vector<512x64xf32>
    %jit3A_27 = arith.constant 64 : i32
    %broadcast_in_dim3A_28 = vector.broadcast %jit3A_27 : i32 to vector<512x64xi32>
    %select_n3A_29 = arith.select %eq3A_26, %iota3A, %broadcast_in_dim3A_28 : vector<512x64xi1>, vector<512x64xi32>
    %reduce_min3A_30 = arith.constant dense<2147483647> : vector<512xi32>
    %reduce_min3A_31 = vector.multi_reduction <minsi>, %select_n3A_29, %reduce_min3A_30 [1] : vector<512x64xi32> to vector<512xi32>
    %broadcast_in_dim3A_32 = vector.shape_cast %reduce_min3A_31 : vector<512xi32> to vector<512x1xi32>
    %eq3A_33 = vector.broadcast %broadcast_in_dim3A_32 : vector<512x1xi32> to vector<512x64xi32>
    %eq3A_34 = arith.cmpi eq, %iota3A, %eq3A_33 : vector<512x64xi32>
    %jit3A_35 = arith.constant -1.000000e+30 : f32
    %broadcast_in_dim3A_36 = vector.broadcast %jit3A_35 : f32 to vector<512x64xf32>
    %select_n3A_37 = arith.select %eq3A_34, %broadcast_in_dim3A_36, %select_n3A_21 : vector<512x64xi1>, vector<512x64xf32>
    %reduce_max3A_38 = arith.constant dense<0xFF800000> : vector<512xf32>
    %reduce_max3A_39 = vector.multi_reduction <maximumf>, %select_n3A_37, %reduce_max3A_38 [1] : vector<512x64xf32> to vector<512xf32>
    %broadcast_in_dim3A_40 = vector.shape_cast %reduce_max3A_39 : vector<512xf32> to vector<512x1xf32>
    %eq3A_41 = vector.broadcast %broadcast_in_dim3A_40 : vector<512x1xf32> to vector<512x64xf32>
    %eq3A_42 = arith.cmpf oeq, %select_n3A_37, %eq3A_41 : vector<512x64xf32>
    %jit3A_43 = arith.constant 64 : i32
    %broadcast_in_dim3A_44 = vector.broadcast %jit3A_43 : i32 to vector<512x64xi32>
    %select_n3A_45 = arith.select %eq3A_42, %iota3A, %broadcast_in_dim3A_44 : vector<512x64xi1>, vector<512x64xi32>
    %reduce_min3A_46 = arith.constant dense<2147483647> : vector<512xi32>
    %reduce_min3A_47 = vector.multi_reduction <minsi>, %select_n3A_45, %reduce_min3A_46 [1] : vector<512x64xi32> to vector<512xi32>
    %broadcast_in_dim3A_48 = vector.shape_cast %reduce_min3A_47 : vector<512xi32> to vector<512x1xi32>
    %eq3A_49 = vector.broadcast %broadcast_in_dim3A_48 : vector<512x1xi32> to vector<512x64xi32>
    %eq3A_50 = arith.cmpi eq, %iota3A, %eq3A_49 : vector<512x64xi32>
    %jit3A_51 = arith.constant -1.000000e+30 : f32
    %broadcast_in_dim3A_52 = vector.broadcast %jit3A_51 : f32 to vector<512x64xf32>
    %select_n3A_53 = arith.select %eq3A_50, %broadcast_in_dim3A_52, %select_n3A_37 : vector<512x64xi1>, vector<512x64xf32>
    %reduce_max3A_54 = arith.constant dense<0xFF800000> : vector<512xf32>
    %reduce_max3A_55 = vector.multi_reduction <maximumf>, %select_n3A_53, %reduce_max3A_54 [1] : vector<512x64xf32> to vector<512xf32>
    %broadcast_in_dim3A_56 = vector.shape_cast %reduce_max3A_55 : vector<512xf32> to vector<512x1xf32>
    %eq3A_57 = vector.broadcast %broadcast_in_dim3A_56 : vector<512x1xf32> to vector<512x64xf32>
    %eq3A_58 = arith.cmpf oeq, %select_n3A_53, %eq3A_57 : vector<512x64xf32>
    %jit3A_59 = arith.constant 64 : i32
    %broadcast_in_dim3A_60 = vector.broadcast %jit3A_59 : i32 to vector<512x64xi32>
    %select_n3A_61 = arith.select %eq3A_58, %iota3A, %broadcast_in_dim3A_60 : vector<512x64xi1>, vector<512x64xi32>
    %reduce_min3A_62 = arith.constant dense<2147483647> : vector<512xi32>
    %reduce_min3A_63 = vector.multi_reduction <minsi>, %select_n3A_61, %reduce_min3A_62 [1] : vector<512x64xi32> to vector<512xi32>
    %broadcast_in_dim3A_64 = vector.shape_cast %reduce_min3A_63 : vector<512xi32> to vector<512x1xi32>
    %eq3A_65 = vector.broadcast %broadcast_in_dim3A_64 : vector<512x1xi32> to vector<512x64xi32>
    %eq3A_66 = arith.cmpi eq, %iota3A, %eq3A_65 : vector<512x64xi32>
    %jit3A_67 = arith.constant -1.000000e+30 : f32
    %broadcast_in_dim3A_68 = vector.broadcast %jit3A_67 : f32 to vector<512x64xf32>
    %select_n3A_69 = arith.select %eq3A_66, %broadcast_in_dim3A_68, %select_n3A_53 : vector<512x64xi1>, vector<512x64xf32>
    %reduce_max3A_70 = arith.constant dense<0xFF800000> : vector<512xf32>
    %reduce_max3A_71 = vector.multi_reduction <maximumf>, %select_n3A_69, %reduce_max3A_70 [1] : vector<512x64xf32> to vector<512xf32>
    %broadcast_in_dim3A_72 = vector.shape_cast %reduce_max3A_71 : vector<512xf32> to vector<512x1xf32>
    %eq3A_73 = vector.broadcast %broadcast_in_dim3A_72 : vector<512x1xf32> to vector<512x64xf32>
    %eq3A_74 = arith.cmpf oeq, %select_n3A_69, %eq3A_73 : vector<512x64xf32>
    %jit3A_75 = arith.constant 64 : i32
    %broadcast_in_dim3A_76 = vector.broadcast %jit3A_75 : i32 to vector<512x64xi32>
    %select_n3A_77 = arith.select %eq3A_74, %iota3A, %broadcast_in_dim3A_76 : vector<512x64xi1>, vector<512x64xi32>
    %reduce_min3A_78 = arith.constant dense<2147483647> : vector<512xi32>
    %reduce_min3A_79 = vector.multi_reduction <minsi>, %select_n3A_77, %reduce_min3A_78 [1] : vector<512x64xi32> to vector<512xi32>
    %broadcast_in_dim3A_80 = vector.shape_cast %reduce_min3A_79 : vector<512xi32> to vector<512x1xi32>
    %eq3A_81 = vector.broadcast %broadcast_in_dim3A_80 : vector<512x1xi32> to vector<512x64xi32>
    %eq3A_82 = arith.cmpi eq, %iota3A, %eq3A_81 : vector<512x64xi32>
    %jit3A_83 = arith.constant -1.000000e+30 : f32
    %broadcast_in_dim3A_84 = vector.broadcast %jit3A_83 : f32 to vector<512x64xf32>
    %select_n3A_85 = arith.select %eq3A_82, %broadcast_in_dim3A_84, %select_n3A_69 : vector<512x64xi1>, vector<512x64xf32>
    %reduce_max3A_86 = arith.constant dense<0xFF800000> : vector<512xf32>
    %reduce_max3A_87 = vector.multi_reduction <maximumf>, %select_n3A_85, %reduce_max3A_86 [1] : vector<512x64xf32> to vector<512xf32>
    %broadcast_in_dim3A_88 = vector.shape_cast %reduce_max3A_87 : vector<512xf32> to vector<512x1xf32>
    %eq3A_89 = vector.broadcast %broadcast_in_dim3A_88 : vector<512x1xf32> to vector<512x64xf32>
    %eq3A_90 = arith.cmpf oeq, %select_n3A_85, %eq3A_89 : vector<512x64xf32>
    %jit3A_91 = arith.constant 64 : i32
    %broadcast_in_dim3A_92 = vector.broadcast %jit3A_91 : i32 to vector<512x64xi32>
    %select_n3A_93 = arith.select %eq3A_90, %iota3A, %broadcast_in_dim3A_92 : vector<512x64xi1>, vector<512x64xi32>
    %reduce_min3A_94 = arith.constant dense<2147483647> : vector<512xi32>
    %reduce_min3A_95 = vector.multi_reduction <minsi>, %select_n3A_93, %reduce_min3A_94 [1] : vector<512x64xi32> to vector<512xi32>
    %broadcast_in_dim3A_96 = vector.shape_cast %reduce_min3A_95 : vector<512xi32> to vector<512x1xi32>
    %eq3A_97 = vector.broadcast %broadcast_in_dim3A_96 : vector<512x1xi32> to vector<512x64xi32>
    %eq3A_98 = arith.cmpi eq, %iota3A, %eq3A_97 : vector<512x64xi32>
    %jit3A_99 = arith.constant -1.000000e+30 : f32
    %broadcast_in_dim3A_100 = vector.broadcast %jit3A_99 : f32 to vector<512x64xf32>
    %select_n3A_101 = arith.select %eq3A_98, %broadcast_in_dim3A_100, %select_n3A_85 : vector<512x64xi1>, vector<512x64xf32>
    %reduce_max3A_102 = arith.constant dense<0xFF800000> : vector<512xf32>
    %reduce_max3A_103 = vector.multi_reduction <maximumf>, %select_n3A_101, %reduce_max3A_102 [1] : vector<512x64xf32> to vector<512xf32>
    %broadcast_in_dim3A_104 = vector.shape_cast %reduce_max3A_103 : vector<512xf32> to vector<512x1xf32>
    %eq3A_105 = vector.broadcast %broadcast_in_dim3A_104 : vector<512x1xf32> to vector<512x64xf32>
    %eq3A_106 = arith.cmpf oeq, %select_n3A_101, %eq3A_105 : vector<512x64xf32>
    %jit3A_107 = arith.constant 64 : i32
    %broadcast_in_dim3A_108 = vector.broadcast %jit3A_107 : i32 to vector<512x64xi32>
    %select_n3A_109 = arith.select %eq3A_106, %iota3A, %broadcast_in_dim3A_108 : vector<512x64xi1>, vector<512x64xi32>
    %reduce_min3A_110 = arith.constant dense<2147483647> : vector<512xi32>
    %reduce_min3A_111 = vector.multi_reduction <minsi>, %select_n3A_109, %reduce_min3A_110 [1] : vector<512x64xi32> to vector<512xi32>
    %broadcast_in_dim3A_112 = vector.shape_cast %reduce_min3A_111 : vector<512xi32> to vector<512x1xi32>
    %eq3A_113 = vector.broadcast %broadcast_in_dim3A_112 : vector<512x1xi32> to vector<512x64xi32>
    %eq3A_114 = arith.cmpi eq, %iota3A, %eq3A_113 : vector<512x64xi32>
    %jit3A_115 = arith.constant -1.000000e+30 : f32
    %broadcast_in_dim3A_116 = vector.broadcast %jit3A_115 : f32 to vector<512x64xf32>
    %select_n3A_117 = arith.select %eq3A_114, %broadcast_in_dim3A_116, %select_n3A_101 : vector<512x64xi1>, vector<512x64xf32>
    %reduce_max3A_118 = arith.constant dense<0xFF800000> : vector<512xf32>
    %reduce_max3A_119 = vector.multi_reduction <maximumf>, %select_n3A_117, %reduce_max3A_118 [1] : vector<512x64xf32> to vector<512xf32>
    %broadcast_in_dim3A_120 = vector.shape_cast %reduce_max3A_119 : vector<512xf32> to vector<512x1xf32>
    %eq3A_121 = vector.broadcast %broadcast_in_dim3A_120 : vector<512x1xf32> to vector<512x64xf32>
    %eq3A_122 = arith.cmpf oeq, %select_n3A_117, %eq3A_121 : vector<512x64xf32>
    %jit3A_123 = arith.constant 64 : i32
    %broadcast_in_dim3A_124 = vector.broadcast %jit3A_123 : i32 to vector<512x64xi32>
    %select_n3A_125 = arith.select %eq3A_122, %iota3A, %broadcast_in_dim3A_124 : vector<512x64xi1>, vector<512x64xi32>
    %reduce_min3A_126 = arith.constant dense<2147483647> : vector<512xi32>
    %reduce_min3A_127 = vector.multi_reduction <minsi>, %select_n3A_125, %reduce_min3A_126 [1] : vector<512x64xi32> to vector<512xi32>
    %broadcast_in_dim3A_128 = vector.shape_cast %reduce_min3A_127 : vector<512xi32> to vector<512x1xi32>
    %concatenate3A = tpu.concatenate %broadcast_in_dim3A, %broadcast_in_dim3A_24, %broadcast_in_dim3A_40, %broadcast_in_dim3A_56, %broadcast_in_dim3A_72, %broadcast_in_dim3A_88, %broadcast_in_dim3A_104, %broadcast_in_dim3A_120 in 1 : vector<512x1xf32>, vector<512x1xf32>, vector<512x1xf32>, vector<512x1xf32>, vector<512x1xf32>, vector<512x1xf32>, vector<512x1xf32>, vector<512x1xf32> -> vector<512x8xf32>
    %slice3A = vector.extract_strided_slice %concatenate3A {offsets = [0, 0], sizes = [512, 1], strides = [1, 1]} : vector<512x8xf32> to vector<512x1xf32>
    %sub3A = vector.broadcast %slice3A : vector<512x1xf32> to vector<512x8xf32>
    %sub3A_129 = arith.subf %concatenate3A, %sub3A : vector<512x8xf32>
    %exp3A = math.exp %sub3A_129 : vector<512x8xf32>
    %reduce_sum3A = arith.constant dense<0.000000e+00> : vector<512xf32>
    %reduce_sum3A_130 = vector.multi_reduction <add>, %exp3A, %reduce_sum3A [1] : vector<512x8xf32> to vector<512xf32>
    %broadcast_in_dim3A_131 = vector.shape_cast %reduce_sum3A_130 : vector<512xf32> to vector<512x1xf32>
    %div3A = vector.broadcast %broadcast_in_dim3A_131 : vector<512x1xf32> to vector<512x8xf32>
    %div3A_132 = arith.divf %exp3A, %div3A : vector<512x8xf32>
    %swap3A_133 = arith.constant 0 : index
    %swap3A_134 = arith.constant 0 : index
    %swap3A_135 = vector.load %arg5[%swap3A_133, %swap3A_134] : memref<512x8xf32, #tpu.memory_space<vmem>>, vector<512x8xf32>
    tpu.vector_store %arg5[%swap3A_133, %swap3A_134], %div3A_132 {strides = array<i32>} : memref<512x8xf32, #tpu.memory_space<vmem>>, vector<512x8xf32>,
    %concatenate3A_136 = tpu.concatenate %broadcast_in_dim3A_16, %broadcast_in_dim3A_32, %broadcast_in_dim3A_48, %broadcast_in_dim3A_64, %broadcast_in_dim3A_80, %broadcast_in_dim3A_96, %broadcast_in_dim3A_112, %broadcast_in_dim3A_128 in 1 : vector<512x1xi32>, vector<512x1xi32>, vector<512x1xi32>, vector<512x1xi32>, vector<512x1xi32>, vector<512x1xi32>, vector<512x1xi32>, vector<512x1xi32> -> vector<512x8xi32>
    %swap3A_137 = arith.constant 0 : index
    %swap3A_138 = arith.constant 0 : index
    %swap3A_139 = vector.load %arg6[%swap3A_137, %swap3A_138] : memref<512x8xi32, #tpu.memory_space<vmem>>, vector<512x8xi32>
    tpu.vector_store %arg6[%swap3A_137, %swap3A_138], %concatenate3A_136 {strides = array<i32>} : memref<512x8xi32, #tpu.memory_space<vmem>>, vector<512x8xi32>,
    return
  }
  func.func @transform_0(%arg0: i32) -> (i32, i32) {
    %c0_i32 = arith.constant 0 : i32
    %c0_i32_0 = arith.constant 0 : i32
    return %arg0, %c0_i32 : i32, i32
  }
  func.func @transform_1(%arg0: i32) -> (i32, i32) {
    %c0_i32 = arith.constant 0 : i32
    %c0_i32_0 = arith.constant 0 : i32
    %c0_i32_1 = arith.constant 0 : i32
    return %c0_i32, %c0_i32_0 : i32, i32
  }
  func.func @transform_2(%arg0: i32) -> (i32, i32) {
    %c0_i32 = arith.constant 0 : i32
    %c0_i32_0 = arith.constant 0 : i32
    %c0_i32_1 = arith.constant 0 : i32
    return %c0_i32, %c0_i32_0 : i32, i32
  }
  func.func @transform_3(%arg0: i32) -> (i32, i32) {
    %c0_i32 = arith.constant 0 : i32
    %c0_i32_0 = arith.constant 0 : i32
    return %arg0, %c0_i32 : i32, i32
  }
  func.func @transform_4(%arg0: i32) -> (i32, i32) {
    %c0_i32 = arith.constant 0 : i32
    %c0_i32_0 = arith.constant 0 : i32
    return %arg0, %c0_i32 : i32, i32
  }
  func.func @transform_5(%arg0: i32) -> (i32, i32) {
    %c0_i32 = arith.constant 0 : i32
    %c0_i32_0 = arith.constant 0 : i32
    return %arg0, %c0_i32 : i32, i32
  }
}

module attributes {stable_mosaic.version = 14 : i64} {
  func.func @_gmm_body(%arg0: i32, %arg1: memref<1088xi32, #tpu.memory_space<smem>>, %arg2: memref<256x768xf32, #tpu.memory_space<vmem>>, %arg3: memref<1x768x768xf32, #tpu.memory_space<vmem>>, %arg4: memref<1x1x768xf32, #tpu.memory_space<vmem>>, %arg5: memref<256x1xf32, #tpu.memory_space<vmem>>, %arg6: memref<256x768xf32, #tpu.memory_space<vmem>>) attributes {dimension_semantics = [#tpu.dimension_semantics<arbitrary>], iteration_bounds = array<i64: 1088>, scalar_prefetch = 1 : i64, scratch_operands = 0 : i64, tpu.core_type = #tpu.core_type<tc>, window_params = [{transform_indices = @transform_0, window_bounds = array<i64: 256, 768>}, {transform_indices = @transform_1, window_bounds = array<i64: 1, 768, 768>}, {transform_indices = @transform_2, window_bounds = array<i64: 1, 1, 768>}, {transform_indices = @transform_3, window_bounds = array<i64: 256, 1>}, {transform_indices = @transform_4, window_bounds = array<i64: 256, 768>}]} {
    %get3A = arith.constant 0 : index
    %get3A_0 = arith.constant 0 : index
    %get3A_1 = vector.load %arg2[%get3A, %get3A_0] : memref<256x768xf32, #tpu.memory_space<vmem>>, vector<256x768xf32>
    %convert_element_type3A = arith.truncf %get3A_1 : vector<256x768xf32> to vector<256x768xbf16>
    %get3A_2 = arith.constant 0 : index
    %get3A_3 = arith.constant 0 : index
    %get3A_4 = arith.constant 0 : index
    %get3A_5 = vector.load %arg3[%get3A_2, %get3A_3, %get3A_4] : memref<1x768x768xf32, #tpu.memory_space<vmem>>, vector<1x768x768xf32>
    %get3A_6 = vector.shape_cast %get3A_5 : vector<1x768x768xf32> to vector<768x768xf32>
    %convert_element_type3A_7 = arith.truncf %get3A_6 : vector<768x768xf32> to vector<768x768xbf16>
    %dot_general3A = arith.constant dense<0.000000e+00> : vector<256x768xf32>
    %dot_general3A_8 = tpu.matmul %convert_element_type3A, %convert_element_type3A_7, %dot_general3A {dimension_numbers = #tpu.dot_dimension_numbers<[1], [1], [0], [0], [0, 0, 1, 0], [], []>, transpose_lhs_hint = false} : vector<256x768xbf16>, vector<768x768xbf16>, vector<256x768xf32> -> vector<256x768xf32>
    %get3A_9 = arith.constant 0 : index
    %get3A_10 = arith.constant 0 : index
    %get3A_11 = arith.constant 0 : index
    %get3A_12 = vector.load %arg4[%get3A_9, %get3A_10, %get3A_11] : memref<1x1x768xf32, #tpu.memory_space<vmem>>, vector<1x1x768xf32>
    %get3A_13 = vector.shape_cast %get3A_12 : vector<1x1x768xf32> to vector<1x768xf32>
    %add3A = vector.broadcast %get3A_13 : vector<1x768xf32> to vector<256x768xf32>
    %add3A_14 = arith.addf %dot_general3A_8, %add3A : vector<256x768xf32>
    %get3A_15 = arith.constant 0 : index
    %get3A_16 = arith.constant 0 : index
    %get3A_17 = vector.load %arg5[%get3A_15, %get3A_16] : memref<256x1xf32, #tpu.memory_space<vmem>>, vector<256x1xf32>
    %mul3A = vector.broadcast %get3A_17 : vector<256x1xf32> to vector<256x768xf32>
    %mul3A_18 = arith.mulf %add3A_14, %mul3A : vector<256x768xf32>
    %swap3A = arith.constant 0 : index
    %swap3A_19 = arith.constant 0 : index
    %swap3A_20 = vector.load %arg6[%swap3A, %swap3A_19] : memref<256x768xf32, #tpu.memory_space<vmem>>, vector<256x768xf32>
    tpu.vector_store %arg6[%swap3A, %swap3A_19], %mul3A_18 {strides = array<i32>} : memref<256x768xf32, #tpu.memory_space<vmem>>, vector<256x768xf32>,
    return
  }
  func.func @transform_0(%arg0: i32, %arg1: memref<1088xi32, #tpu.memory_space<smem>>) -> (i32, i32) {
    %c0_i32 = arith.constant 0 : i32
    %c0_i32_0 = arith.constant 0 : i32
    return %arg0, %c0_i32 : i32, i32
  }
  func.func @transform_1(%arg0: i32, %arg1: memref<1088xi32, #tpu.memory_space<smem>>) -> (i32, i32, i32) {
    %get3A = arith.index_cast %arg0 : i32 to index
    %get3A_0 = memref.load %arg1[%get3A] : memref<1088xi32, #tpu.memory_space<smem>>
    %c0_i32 = arith.constant 0 : i32
    %c0_i32_1 = arith.constant 0 : i32
    %c0_i32_2 = arith.constant 0 : i32
    return %get3A_0, %c0_i32, %c0_i32_1 : i32, i32, i32
  }
  func.func @transform_2(%arg0: i32, %arg1: memref<1088xi32, #tpu.memory_space<smem>>) -> (i32, i32, i32) {
    %get3A = arith.index_cast %arg0 : i32 to index
    %get3A_0 = memref.load %arg1[%get3A] : memref<1088xi32, #tpu.memory_space<smem>>
    %c0_i32 = arith.constant 0 : i32
    %c0_i32_1 = arith.constant 0 : i32
    %c0_i32_2 = arith.constant 0 : i32
    return %get3A_0, %c0_i32, %c0_i32_1 : i32, i32, i32
  }
  func.func @transform_3(%arg0: i32, %arg1: memref<1088xi32, #tpu.memory_space<smem>>) -> (i32, i32) {
    %c0_i32 = arith.constant 0 : i32
    %c0_i32_0 = arith.constant 0 : i32
    return %arg0, %c0_i32 : i32, i32
  }
  func.func @transform_4(%arg0: i32, %arg1: memref<1088xi32, #tpu.memory_space<smem>>) -> (i32, i32) {
    %c0_i32 = arith.constant 0 : i32
    %c0_i32_0 = arith.constant 0 : i32
    return %arg0, %c0_i32 : i32, i32
  }
}

</mosaic_0001>

<sc_bundles>
// kernel: kernel.6.cloned.1.call-start
scs
__scs_entry_jumppad:
0x0: {  	(pc) =	sbr.rel $0x88, $3  }
0x1: {  	(tag) =	ssettag $0x0;
	lr =	simm.s32 $0x1  }
0x2: {  	[smem:$0x3F9C] =	sst lr;
	_ =	strace $0xD0000000  }
0x3: {  	_ = 	snop  }
0x4: {  	_ = 	snop  }
0x5: {  	_ = 	snop  }
0x6: {  	_ = 	snop  }
0x7: {  	_ = 	snop  }
__scs_overlays_trampoline_lowered:
0x8: {  	[smem:$0x3FAB] =	sst s0  }
0x9: {  	[smem:$0x3FAC] =	sst s1  }
0xa: {  	[smem:$0x3FAD] =	sst s2  }
0xb: {  	[smem:$0x3FAE] =	sst s3  }
0xc: {  	[smem:$0x3FAF] =	sst s4  }
0xd: {  	[smem:$0x3FB0] =	sst s5  }
0xe: {  	[smem:$0x3FB1] =	sst s6  }
0xf: {  	[smem:$0x3FB2] =	sst s7  }
0x10: {  	[smem:$0x3FB3] =	sst s8  }
0x11: {  	[smem:$0x3FB4] =	sst s9;
	s0 =	simm.s32 @!p0 $0x0  }
0x12: {  	s1 =	sld [smem:$0x3F9A];
	s0 =	simm.s32 @p0 $0x1  }
0x13: {  	[smem:$0x3FB5] =	sst s0;
	s0 =	simm.s32 @!p1 $0x0  }
0x14: {  	s2 =	sld [smem:$0x3F99];
	s0 =	simm.s32 @p1 $0x1  }
0x15: {  	[smem:$0x3FB6] =	sst s0;
	s0 =	simm.s32 @!p2 $0x0  }
0x16: {  	s3 =	sld [smem:$0x3FDB];
	s0 =	simm.s32 @p2 $0x1  }
0x17: {  	s4 =	simm.s32 $0x1BF5;
	[smem:$0x3FB8] =	sst s0  }
0x18: {  	s0 =	sld [smem:$0x3F9B];
	_ =	swait.ge [sflag:s4], $0x0  }
0x19: {  	s7 =	sld [smem:$0x3F9C]  }
0x1a: {  	s8 =	sadd.s32 $0xFFFFE003, lr  }
0x1b: {  	s9 =	sadd.s32 $0xFFFFFEF7, lr;
	s5 =	simm.s32 $0xFFFFFFFF;
	p2 =	slt.u32 s8, $0xFFFFF086  }
0x1c: {  	p1 =	slt.u32 s9, $0xF7A;
	s5 =	simm.s32 @!p2 $0x0  }
0x1d: {  	s5 =	simm.s32 @p1 $0x1;
	p0 =	seq.s32 s7, s2  }
0x1e: {  	s7 =	smul.u32 @!p0 $0xF7A, s2;
	p2 =	seq.s32 @!p0 s5, $0x0  }
0x1f: {  	s9 =	smul.u32 $0xF7A, s1;
	s8 =	simm.s32 @!p0 $0x1BF5;
	p2 =	por !p2, p0  }
0x20: {  	[sflag:s8] =	ssyncset.s32 @!p0 $0xFFFFF086;
	s6 =	sadd.s32 @!p0 s3, s7;
	s7 =	simm.s32 @!p0 $0x108  }
0x21: {  	s3 =	sadd.s32 s3, s9;
	s6 =	sadd.s32 @!p0 $0x88, s6;
	s7 =	simm.s32 @p2 $0x1082  }
0x22: {  	[simem:s7], [sflag:s8] =	dma.local @!p0 [hbm:s6], $0xF7A  }
0x23: {  	s9 =	sor.u32 $0xD0000000, s2;
	s6 =	simm.s32 $0x108;
	_ =	swait.ge @!p0 [sflag:s8], $0x0  }
0x24: {  	s3 =	sadd.s32 $0x88, s3;
	s6 =	simm.s32 @!p1 $0x1082;
	[sflag:s4] =	ssyncset.s32 $0xFFFFF086  }
0x25: {  	[simem:s6], [sflag:s4] =	dma.local [hbm:s3], $0xF7A  }
0x26: {  	[smem:$0x3F9C] =	sst s1;
	(tag) =	ssettag s2;
	_ =	strace s9  }
0x27: {  	s1 =	sld [smem:$0x3FAC]  }
0x28: {  	s2 =	sld [smem:$0x3FAD]  }
0x29: {  	s4 =	sld [smem:$0x3FAF]  }
0x2a: {  	p0 =	seq.s32 s5, $0x0;
	s5 =	sld [smem:$0x3FB0]  }
0x2b: {  	s6 =	sld [smem:$0x3FB1]  }
0x2c: {  	s7 =	sld [smem:$0x3FB2]  }
0x2d: {  	s3 =	simm.s32 $0x108;
	s8 =	sld [smem:$0x3FB3]  }
0x2e: {  	s3 =	simm.s32 @!p0 $0x1082;
	s9 =	sld [smem:$0x3FB4]  }
0x2f: {  	lr =	sadd.s32 s0, s3;
	s0 =	sld [smem:$0x3FAB]  }
0x30: {  	s3 =	sld [smem:$0x3FAE]  }
0x31: {  	[smem:$0x3FB7] =	sst s10  }
0x32: {  	s10 =	sld [smem:$0x3FB5];
	_ =	sdelay $0x3  }
0x33: {  	p0 =	seq.s32 s10, $0x1;
	s10 =	sld [smem:$0x3FB7];
	_ =	sdelay $0x3  }
0x34: {  	[smem:$0x3FB7] =	sst s10  }
0x35: {  	s10 =	sld [smem:$0x3FB6];
	_ =	sdelay $0x3  }
0x36: {  	p1 =	seq.s32 s10, $0x1;
	s10 =	sld [smem:$0x3FB7];
	_ =	sdelay $0x3  }
0x37: {  	[smem:$0x3FB7] =	sst s10  }
0x38: {  	s10 =	sld [smem:$0x3FB8]  }
0x39: {  	_ = 	snop;
	(pc) =	sbr.ind lr, $3  }
0x3a: {  	_ = 	snop  }
0x3b: {  	_ = 	snop  }
0x3c: {  	p2 =	seq.s32 s10, $0x1;
	s10 =	sld [smem:$0x3FB7]  }
0x3d: {  	_ =	shalt  }
0x3e: {  	_ =	shalt  }
0x3f: {  	_ =	shalt  }
0x40: {  	_ =	shalt  }
0x41: {  	_ =	shalt  }
0x42: {  	_ =	shalt  }
0x43: {  	_ =	shalt  }
0x44: {  	_ =	shalt  }
0x45: {  	_ =	shalt  }
0x46: {  	_ =	shalt  }
0x47: {  	_ =	shalt  }
0x48: {  	_ =	shalt  }
0x49: {  	_ =	shalt  }
0x4a: {  	_ =	shalt  }
0x4b: {  	_ =	shalt  }
0x4c: {  	_ =	shalt  }
0x4d: {  	_ =	shalt  }
0x4e: {  	_ =	shalt  }
0x4f: {  	_ =	shalt  }
0x50: {  	_ =	shalt  }
0x51: {  	_ =	shalt  }
0x52: {  	_ =	shalt  }
0x53: {  	_ =	shalt  }
0x54: {  	_ =	shalt  }
0x55: {  	_ =	shalt  }
0x56: {  	_ =	shalt  }
0x57: {  	_ =	shalt  }
0x58: {  	_ =	shalt  }
0x59: {  	_ =	shalt  }
0x5a: {  	_ =	shalt  }
0x5b: {  	_ =	shalt  }
0x5c: {  	_ =	shalt  }
0x5d: {  	_ =	shalt  }
0x5e: {  	_ =	shalt  }
0x5f: {  	_ =	shalt  }
0x60: {  	_ =	shalt  }
0x61: {  	_ =	shalt  }
0x62: {  	_ =	shalt  }
0x63: {  	_ =	shalt  }
0x64: {  	_ =	shalt  }
0x65: {  	_ =	shalt  }
0x66: {  	_ =	shalt  }
0x67: {  	_ =	shalt  }
0x68: {  	_ =	shalt  }
0x69: {  	_ =	shalt  }
0x6a: {  	_ =	shalt  }
0x6b: {  	_ =	shalt  }
0x6c: {  	_ =	shalt  }
0x6d: {  	_ =	shalt  }
0x6e: {  	_ =	shalt  }
0x6f: {  	_ =	shalt  }
0x70: {  	_ =	shalt  }
0x71: {  	_ =	shalt  }
0x72: {  	_ =	shalt  }
0x73: {  	_ =	shalt  }
0x74: {  	_ =	shalt  }
0x75: {  	_ =	shalt  }
0x76: {  	_ =	shalt  }
0x77: {  	_ =	shalt  }
0x78: {  	_ =	shalt  }
0x79: {  	_ =	shalt  }
0x7a: {  	_ =	shalt  }
0x7b: {  	_ =	shalt  }
0x7c: {  	_ =	shalt  }
0x7d: {  	_ =	shalt  }
0x7e: {  	_ =	shalt  }
0x7f: {  	_ =	shalt  }
0x80: {  	_ =	shalt  }
0x81: {  	_ =	shalt  }
0x82: {  	_ =	shalt  }
0x83: {  	_ =	shalt  }
0x84: {  	_ =	shalt  }
0x85: {  	_ =	shalt  }
0x86: {  	_ =	shalt  }
0x87: {  	_ =	shalt  }
.Lfunc_end0:
.L_simem_size_0:
called_computation_lowered:
.L_overlay_start_0:
0x88: {  	s2 =	sld [smem:$0x3FD9]  }
0x89: {  	s3 =	sld [smem:$0x3FFE];
	_ =	sdelay $0x1  }
0x8a: {  	s1 =	srdreg.scid  }
0x8b: {  	s0 =	sand.u32 $0x1, s1  }
0x8c: {  	s14 =	sshll.u32 s0, $0xA;
	s2 =	sadd.s32 s3, s2  }
0x8d: {  	s2 =	sadd.s32 s2, s14  }
0x8e: {  	[smem:$0x3FC3] =	sst s2  }
0x8f: {  	_ = 	snop  }
0x90: {  	s2 =	sld [smem:$0x3FD0];
	_ =	sdelay $0x2  }
0x91: {  	s4 =	simm.s32 $0xA;
	s5 =	simm.s32 $0x10;
	s15 =	sld [smem:$0x3FC9]  }
0x92: {  	[smem:s5], [sflag:s4] =	dma.local [hbm:s2], $0x1  }
0x93: {  	_ =	swait.eq [sflag:s4], $0x1  }
0x94: {  	[sflag:s4] =	ssyncset.done $0x0  }
0x95: {  	s16 =	sld [smem:$0x10];
	[sflag:s4] =	ssyncadd.s32 $0xFFFFFFFF  }
0x96: {  	s17 =	sld [smem:$0x11];
	(tm) =	ssettm $0x1  }
0x97: {  	s18 =	sld [smem:$0x3FFB];
	_ =	sdelay $0x3  }
0x98: {  	_ =	strace s18  }
0x99: {  	s5 =	sld [smem:$0x3FFC];
	_ =	sdelay $0x3  }
0x9a: {  	_ =	strace s5  }
0x9b: {  	s5 =	sld [smem:$0x3FFD];
	_ =	sdelay $0x3  }
0x9c: {  	_ =	strace s5  }
0x9d: {  	_ =	strace $0x8FFFFFFF  }
0x9e: {  	s19 =	sld [smem:$0x3FDB];
	_ =	sdelay $0x1  }
0x9f: {  	s6 =	simm.s32 $_scs_section_size  }
0xa0: {  	s7 =	simm.s32 $_size__tile_overlayer_lowered;
	s8 =	simm.s32 $_tile_overlayer_lowered  }
0xa1: {  	s22 =	simm.s32 $0x1BFF;
	s21 =	sshll.u32 s8, $0x1;
	s5 =	sadd.s32 s6, s19  }
0xa2: {  	s9 =	simm.s32 $0x0;
	s20 =	sshll.u32 s7, $0x1;
	s7 =	sadd.s32 s21, s5  }
0xa3: {  	[timem:s9], [sflag:s22] =	dma.local [hbm:s7], s20  }
0xa4: {  	_ =	swait.ge [sflag:s22], s20  }
0xa5: {  	s6 =	ssub.s32 $0x0, s20;
	[sflag:s22] =	ssyncset.done $0x0  }
0xa6: {  	[sflag:s22] =	ssyncadd.s32 s6;
	_ =	sdelay $0x1  }
0xa7: {  	s23 =	simm.s32 $0x1B8B  }
0xa8: {  	_ =	swait.ge [sflag:s23], $0x1  }
0xa9: {  	[sflag:s23] =	ssyncset.done $0x0  }
0xaa: {  	s25 =	simm.s32 $0x1B8E;
	s24 =	sld [smem:$0x3FFE];
	[sflag:s23] =	ssyncadd.s32 $0xFFFFFFFF  }
0xab: {  	s26 =	simm.s32 $execute0_lowered;
	[smem:$0x3FD2] =	sst s25  }
0xac: {  	s7 =	sshll.u32 s26, $0x1;
	_ =	strace $0x80000046;
	[dreg:$0x1] =	wrdreg $0xFFFFFFFF  }
0xad: {  	s28 =	simm.s32 $_size_execute0_lowered;
	s5 =	sadd.s32 s5, s7;
	[dreg:$0x0] =	wrdreg $0x0  }
0xae: {  	s7 =	sshll.u32 s28, $0x1;
	[dreg:$0x2] =	wrdreg s5  }
0xaf: {  	[dreg:$0x3] =	wrdreg s7  }
0xb0: {  	[dreg:$0x4] =	wrdreg $0xC0  }
0xb1: {  	_ =	task [dreg:s9], $0x5FFFF  }
0xb2: {  	[dreg:$0x1] =	wrdreg $0xFFFFFFFF  }
0xb3: {  	[dreg:$0x0] =	wrdreg $0x60  }
0xb4: {  	[dreg:$0x2] =	wrdreg s15  }
0xb5: {  	[dreg:$0x3] =	wrdreg s16  }
0xb6: {  	[dreg:$0x4] =	wrdreg s24  }
0xb7: {  	[dreg:$0x5] =	wrdreg s17  }
0xb8: {  	[dreg:$0x6] =	wrdreg $0x9  }
0xb9: {  	_ =	task.clear_ibuf [dreg:s9], $0x7FFFF;
	_ =	strace $0x90000046  }
0xba: {  	s29 =	simm.s32 $0x9;
	_ =	strace $0x80000048  }
0xbb: {  	_ =	swait.ge [sflag:s29], $0x1  }
0xbc: {  	[sflag:s29] =	ssyncadd.s32 $0xFFFFFFFF  }
0xbd: {  	_ =	strace $0x90000048  }
0xbe: {  	_ =	sfence  }
0xbf: {  	s30 =	sld [smem:$0x0];
	_ =	sdelay $0x2  }
0xc0: {  	s31 =	sshll.u32 s1, $0xD;
	s1 =	sshrl.u32 s1, $0x2  }
0xc1: {  	s3 =	sand.u32 $0x4000, s31;
	s1 =	sadd.s32 s1, s30  }
0xc2: {  	s0 =	sor.u32 s3, s0;
	s1 =	sshll.u32 s1, $0x11  }
0xc3: {  	s0 =	sor.u32 s1, s0  }
0xc4: {  	s0 =	sadd.s32 $0x8F2B, s0  }
0xc5: {  	[sflag:s0] =	ssyncadd.remote.s32 $0x1  }
0xc6: {  	_ =	sfence.sel $0xFFFF  }
0xc7: {  	[dreg:$0x0] =	wrdreg $0xFFFFFFFF;
	(pc) =	sbr.abs _section_cstart, $3  }
0xc8: {  	[dreg:$0x1] =	wrdreg $0xFFFFFFFF  }
0xc9: {  	_ =	task.clear_ibuf [dreg:s9], $0x2FFFF;
	_ =	strace $0x9FFFFFFF  }
0xca: {  	(tm) =	ssettm $0x7FFFFFFF  }
0xcb: {  	_ =	shalt  }
tec
execute0_lowered:
.L_overlay_start_1:
0x0: {  	(tag) =	ssettag $0x1  }
0x1: {  	s0 =	rddreg [dreg:$0x0]  }
0x2: {  	s3 =	rddreg [dreg:$0x1]  }
0x3: {  	s7 =	rddreg [dreg:$0x2]  }
0x4: {  	s18 =	rddreg [dreg:$0x3]  }
0x5: {  	s4 =	srdreg.scid;
	s2 =	simm.s32 $0x0;
	s12 =	stileid.u32  }
0x6: {  	s19 =	simm.s32 $0x400;
	s14 =	simm.s32 $0x1;
	s28 =	simm.s32 $0x1000  }
0x7: {  	s29 =	simm.s32 $0x1800;
	s30 =	simm.s32 $0x2000;
	s31 =	simm.s32 $0x2800  }
0x8: {  	s13 =	simm.s32 $0x6000;
	s8 =	sand.u32 $0x1, s4;
	[smem:$0x7FF] =	sst s2  }
0x9: {  	s4 =	sadd.s32 $0x100000, s7;
	s10 =	sshll.u32 s12, $0x8;
	s25 =	smul.u32 $0x30000, s12  }
0xa: {  	s12 =	simm.s32 $0x5800;
	s5 =	ssub.s32 $0x2, s8;
	_ =	strace $0x80000047  }
0xb: {  	s11 =	sshll.u32 s8, $0x7;
	s3 =	sadd.s32 s10, s3;
	s8 =	smul.u32 $0x18000, s8  }
0xc: {  	s6 =	sshrl.u32 s5, $0x1;
	s3 =	sadd.s32 s11, s3;
	s0 =	sadd.s32 s25, s0  }
0xd: {  	s9 =	ssub.s32 s5, s6;
	s5 =	sadd.s32 $0x100100, s7;
	s6 =	sadd.s32 $0x100200, s7  }
0xe: {  	s7 =	sadd.s32 s10, s7;
	[dreg:$0x5] =	wrdreg s3;
	s0 =	sadd.s32 s8, s0  }
0xf: {  	s3 =	simm.s32 $0x800;
	s10 =	simm.s32 $0x2;
	s8 =	simm.s32 $0x4800  }
0x10: {  	v2 =	vlaneseq.u32;
	s9 =	smax.u32 s9, $0x1;
	s26 =	sadd.s32 s11, s7;
	[dreg:$0x8] =	wrdreg s0  }
0x11: {  	vm0 =	vmmov $0xffff;
	v1 =	vshrl.u32 v2, $0x3;
	s0 =	simm.s32 $0x0;
	s7 =	simm.s32 $0x4000;
	[dreg:$0x7] =	wrdreg s9  }
0x12: {  	v0 =	vand.u32 $0x7, v2;
	v2 =	vor.u32 $0x8, v2;
	v1 =	vmul.u32 $0x8, v1;
	s11 =	simm.s32 $0x5000;
	[dreg:$0x6] =	wrdreg s26;
	s9 =	simm.s32 $0x20  }
.LBB2_1:
0x13: {  	[dreg:$0x9] =	wrdreg s0  }
0x14: {  	s15 =	rddreg [dreg:$0x8];
	s16 =	simm.s32 $0x0  }
.LBB2_2:
0x15: {  	[tilespmem:s3], [sflag:$0x2] =	stream.linear.gather [hbm4b:s15+s2], $0x6000, $0x38;
	[tilespmem:$0x6800] =	vst v63  }
0x16: {  	_ =	swait.ge [sflag:s10], $0x6000  }
0x17: {  	s17 =	rddreg [dreg:$0x5];
	[sflag:s10] =	ssyncset.done $0x0  }
0x18: {  	[sflag:s10] =	ssyncadd.s32 $0xFFFFA000;
	s17 =	sadd.s32 s16, s17  }
0x19: {  	[tilespmem:s2], [sflag:$0x2] =	stream.linear.gather [hbm4b:s17+s2], $0x20, $0x38;
	[tilespmem:$0x6800] =	vst v63  }
0x1a: {  	_ =	swait.ge [sflag:s10], $0x20  }
0x1b: {  	s26 =	smov.u32 s18;
	s18 =	rddreg [dreg:$0x6];
	[sflag:s10] =	ssyncset.done $0x0  }
0x1c: {  	[sflag:s10] =	ssyncadd.s32 $0xFFFFFFE0;
	s18 =	sadd.s32 s16, s18  }
0x1d: {  	[tilespmem:s19], [sflag:$0x2] =	stream.linear.gather [hbm4b:s18+s2], $0x20, $0x38;
	[tilespmem:$0x6800] =	vst v63  }
0x1e: {  	_ =	swait.ge [sflag:s10], $0x20  }
0x1f: {  	[sflag:s10] =	ssyncset.done $0x0  }
0x20: {  	s20 =	simm.s32 $0x80;
	s19 =	sadd.s32 $0x1000, s17;
	[sflag:s10] =	ssyncadd.s32 $0xFFFFFFE0  }
0x21: {  	[tilespmem:s20], [sflag:$0x2] =	stream.linear.gather [hbm4b:s19+s2], $0x20, $0x38;
	[tilespmem:$0x6800] =	vst v63  }
0x22: {  	_ =	swait.ge [sflag:s10], $0x20  }
0x23: {  	[sflag:s10] =	ssyncset.done $0x0  }
0x24: {  	s20 =	simm.s32 $0x480;
	s19 =	sadd.s32 $0x1000, s18;
	[sflag:s10] =	ssyncadd.s32 $0xFFFFFFE0  }
0x25: {  	[tilespmem:s20], [sflag:$0x2] =	stream.linear.gather [hbm4b:s19+s2], $0x20, $0x38;
	[tilespmem:$0x6800] =	vst v63  }
0x26: {  	_ =	swait.ge [sflag:s10], $0x20  }
0x27: {  	[sflag:s10] =	ssyncset.done $0x0  }
0x28: {  	s21 =	simm.s32 $0x100;
	s19 =	sadd.s32 $0x2000, s17;
	[sflag:s10] =	ssyncadd.s32 $0xFFFFFFE0  }
0x29: {  	[tilespmem:s21], [sflag:$0x2] =	stream.linear.gather [hbm4b:s19+s2], $0x20, $0x38;
	[tilespmem:$0x6800] =	vst v63  }
0x2a: {  	_ =	swait.ge [sflag:s10], $0x20  }
0x2b: {  	[sflag:s10] =	ssyncset.done $0x0  }
0x2c: {  	s21 =	simm.s32 $0x500;
	s19 =	sadd.s32 $0x2000, s18;
	[sflag:s10] =	ssyncadd.s32 $0xFFFFFFE0  }
0x2d: {  	[tilespmem:s21], [sflag:$0x2] =	stream.linear.gather [hbm4b:s19+s2], $0x20, $0x38;
	[tilespmem:$0x6800] =	vst v63  }
0x2e: {  	_ =	swait.ge [sflag:s10], $0x20  }
0x2f: {  	[sflag:s10] =	ssyncset.done $0x0  }
0x30: {  	s22 =	simm.s32 $0x180;
	s19 =	sadd.s32 $0x3000, s17;
	[sflag:s10] =	ssyncadd.s32 $0xFFFFFFE0  }
0x31: {  	[tilespmem:s22], [sflag:$0x2] =	stream.linear.gather [hbm4b:s19+s2], $0x20, $0x38;
	[tilespmem:$0x6800] =	vst v63  }
0x32: {  	_ =	swait.ge [sflag:s10], $0x20  }
0x33: {  	[sflag:s10] =	ssyncset.done $0x0  }
0x34: {  	s22 =	simm.s32 $0x580;
	s19 =	sadd.s32 $0x3000, s18;
	[sflag:s10] =	ssyncadd.s32 $0xFFFFFFE0  }
0x35: {  	[tilespmem:s22], [sflag:$0x2] =	stream.linear.gather [hbm4b:s19+s2], $0x20, $0x38;
	[tilespmem:$0x6800] =	vst v63  }
0x36: {  	_ =	swait.ge [sflag:s10], $0x20  }
0x37: {  	[sflag:s10] =	ssyncset.done $0x0  }
0x38: {  	s23 =	simm.s32 $0x200;
	s19 =	sadd.s32 $0x4000, s17;
	[sflag:s10] =	ssyncadd.s32 $0xFFFFFFE0  }
0x39: {  	[tilespmem:s23], [sflag:$0x2] =	stream.linear.gather [hbm4b:s19+s2], $0x20, $0x38;
	[tilespmem:$0x6800] =	vst v63  }
0x3a: {  	_ =	swait.ge [sflag:s10], $0x20  }
0x3b: {  	[sflag:s10] =	ssyncset.done $0x0  }
0x3c: {  	s23 =	simm.s32 $0x600;
	s19 =	sadd.s32 $0x4000, s18;
	[sflag:s10] =	ssyncadd.s32 $0xFFFFFFE0  }
0x3d: {  	[tilespmem:s23], [sflag:$0x2] =	stream.linear.gather [hbm4b:s19+s2], $0x20, $0x38;
	[tilespmem:$0x6800] =	vst v63  }
0x3e: {  	_ =	swait.ge [sflag:s10], $0x20  }
0x3f: {  	[sflag:s10] =	ssyncset.done $0x0  }
0x40: {  	s24 =	simm.s32 $0x280;
	s19 =	sadd.s32 $0x5000, s17;
	[sflag:s10] =	ssyncadd.s32 $0xFFFFFFE0  }
0x41: {  	[tilespmem:s24], [sflag:$0x2] =	stream.linear.gather [hbm4b:s19+s2], $0x20, $0x38;
	[tilespmem:$0x6800] =	vst v63  }
0x42: {  	_ =	swait.ge [sflag:s10], $0x20  }
0x43: {  	[sflag:s10] =	ssyncset.done $0x0  }
0x44: {  	s24 =	simm.s32 $0x680;
	s19 =	sadd.s32 $0x5000, s18;
	[sflag:s10] =	ssyncadd.s32 $0xFFFFFFE0  }
0x45: {  	[tilespmem:s24], [sflag:$0x2] =	stream.linear.gather [hbm4b:s19+s2], $0x20, $0x38;
	[tilespmem:$0x6800] =	vst v63  }
0x46: {  	_ =	swait.ge [sflag:s10], $0x20  }
0x47: {  	[sflag:s10] =	ssyncset.done $0x0  }
0x48: {  	s25 =	simm.s32 $0x300;
	s19 =	sadd.s32 $0x6000, s17;
	[sflag:s10] =	ssyncadd.s32 $0xFFFFFFE0  }
0x49: {  	[tilespmem:s25], [sflag:$0x2] =	stream.linear.gather [hbm4b:s19+s2], $0x20, $0x38;
	[tilespmem:$0x6800] =	vst v63  }
0x4a: {  	_ =	swait.ge [sflag:s10], $0x20  }
0x4b: {  	[sflag:s10] =	ssyncset.done $0x0  }
0x4c: {  	s25 =	simm.s32 $0x700;
	s19 =	sadd.s32 $0x6000, s18;
	[sflag:s10] =	ssyncadd.s32 $0xFFFFFFE0  }
0x4d: {  	[tilespmem:s25], [sflag:$0x2] =	stream.linear.gather [hbm4b:s19+s2], $0x20, $0x38;
	[tilespmem:$0x6800] =	vst v63  }
0x4e: {  	_ =	swait.ge [sflag:s10], $0x20  }
0x4f: {  	[sflag:s10] =	ssyncset.done $0x0  }
0x50: {  	s17 =	sadd.s32 $0x7000, s17;
	s25 =	simm.s32 $0x380;
	[sflag:s10] =	ssyncadd.s32 $0xFFFFFFE0  }
0x51: {  	[tilespmem:s25], [sflag:$0x2] =	stream.linear.gather [hbm4b:s17+s2], $0x20, $0x38;
	[tilespmem:$0x6800] =	vst v63  }
0x52: {  	_ =	swait.ge [sflag:s10], $0x20  }
0x53: {  	s25 =	sadd.s32 $0x7000, s18;
	[sflag:s10] =	ssyncset.done $0x0  }
0x54: {  	s18 =	smov.u32 s26;
	s26 =	simm.s32 $0x780;
	[sflag:s10] =	ssyncadd.s32 $0xFFFFFFE0  }
0x55: {  	[tilespmem:s26], [sflag:$0x2] =	stream.linear.gather [hbm4b:s25+s2], $0x20, $0x38;
	[tilespmem:$0x6800] =	vst v63  }
0x56: {  	_ =	swait.ge [sflag:s10], $0x20  }
0x57: {  	[sflag:s10] =	ssyncset.done $0x0  }
0x58: {  	[sflag:s10] =	ssyncadd.s32 $0xFFFFFFE0  }
0x59: {  	v3 =	vld [tilespmem:$0x0];
	_ =	sdelay $0x4  }
0x5a: {  	v4 =	vshrl.u32 v3, $0x3  }
0x5b: {  	v4 =	vmul.u32 $0x30, v4  }
0x5c: {  	v3 =	vand.u32 $0x7, v3  }
0x5d: {  	v3 =	vor.u32 v3, v4  }
0x5e: {  	v4 =	vperm.xlane v3, v0;
	_ =	sdelay $0x1  }
0x5f: {  	v4 =	vadd.s32 v1, v4;
	_ =	sdelay $0x3  }
0x60: {  	s0 =	simm.s32 $0x800;
	v3 =	vperm.xlane v3, v2  }
0x61: {  	[hbm4b:s4+s2] =	stream.indirect_vreg.scatter [tilespmem:s0], [sflag:$0x1], $0x80, v4, vm0, $0xb8;
	[tilespmem:$0x6800] =	vst v63  }
0x62: {  	v3 =	vadd.s32 v1, v3  }
0x63: {  	[hbm4b:s5+s2] =	stream.indirect_vreg.scatter [tilespmem:s28], [sflag:$0x1], $0x80, v4, vm0, $0xb8;
	[tilespmem:$0x6800] =	vst v63  }
0x64: {  	_ = 	snop  }
0x65: {  	[hbm4b:s6+s2] =	stream.indirect_vreg.scatter [tilespmem:s29], [sflag:$0x1], $0x80, v4, vm0, $0xb8;
	[tilespmem:$0x6800] =	vst v63  }
0x66: {  	_ = 	snop  }
0x67: {  	[hbm4b:s4+s2] =	stream.indirect_vreg.scatter [tilespmem:s30], [sflag:$0x1], $0x80, v3, vm0, $0xb8;
	[tilespmem:$0x6800] =	vst v63  }
0x68: {  	_ = 	snop  }
0x69: {  	[hbm4b:s5+s2] =	stream.indirect_vreg.scatter [tilespmem:s31], [sflag:$0x1], $0x80, v3, vm0, $0xb8;
	[tilespmem:$0x6800] =	vst v63  }
0x6a: {  	s1 =	simm.s32 $0x3000  }
0x6b: {  	[hbm4b:s6+s2] =	stream.indirect_vreg.scatter [tilespmem:s1], [sflag:$0x1], $0x80, v3, vm0, $0xb8;
	[tilespmem:$0x6800] =	vst v63  }
0x6c: {  	v3 =	vld [tilespmem:$0x10];
	_ =	sdelay $0x4  }
0x6d: {  	v49 =	vshrl.u32 v3, $0x3  }
0x6e: {  	v4 =	vmul.u32 $0x30, v49  }
0x6f: {  	v3 =	vand.u32 $0x7, v3  }
0x70: {  	v3 =	vor.u32 v3, v4  }
0x71: {  	v4 =	vperm.xlane v3, v0;
	_ =	sdelay $0x1  }
0x72: {  	v4 =	vadd.s32 v1, v4;
	_ =	sdelay $0x3  }
0x73: {  	s3 =	simm.s32 $0x3800;
	v3 =	vperm.xlane v3, v2  }
0x74: {  	[hbm4b:s4+s2] =	stream.indirect_vreg.scatter [tilespmem:s3], [sflag:$0x1], $0x80, v4, vm0, $0xb8;
	[tilespmem:$0x6800] =	vst v63  }
0x75: {  	v3 =	vadd.s32 v1, v3  }
0x76: {  	[hbm4b:s5+s2] =	stream.indirect_vreg.scatter [tilespmem:s7], [sflag:$0x1], $0x80, v4, vm0, $0xb8;
	[tilespmem:$0x6800] =	vst v63  }
0x77: {  	_ = 	snop  }
0x78: {  	[hbm4b:s6+s2] =	stream.indirect_vreg.scatter [tilespmem:s8], [sflag:$0x1], $0x80, v4, vm0, $0xb8;
	[tilespmem:$0x6800] =	vst v63  }
0x79: {  	_ = 	snop  }
0x7a: {  	[hbm4b:s4+s2] =	stream.indirect_vreg.scatter [tilespmem:s11], [sflag:$0x1], $0x80, v3, vm0, $0xb8;
	[tilespmem:$0x6800] =	vst v63  }
0x7b: {  	_ = 	snop  }
0x7c: {  	[hbm4b:s5+s2] =	stream.indirect_vreg.scatter [tilespmem:s12], [sflag:$0x1], $0x80, v3, vm0, $0xb8;
	[tilespmem:$0x6800] =	vst v63  }
0x7d: {  	_ = 	snop  }
0x7e: {  	[hbm4b:s6+s2] =	stream.indirect_vreg.scatter [tilespmem:s13], [sflag:$0x1], $0x80, v3, vm0, $0xb8;
	[tilespmem:$0x6800] =	vst v63  }
0x7f: {  	s19 =	simm.s32 $0x400  }
0x80: {  	[hbm4b:s18+s9] =	stream.indirect.scatter [tilespmem:s19], [sflag:$0x1], $0x1, s2, s9, $0xb8;
	[tilespmem:$0x6800] =	vst v63  }
0x81: {  	v3 =	vld [tilespmem:$0x80];
	_ =	sdelay $0x4  }
0x82: {  	v50 =	vshrl.u32 v3, $0x3  }
0x83: {  	v4 =	vmul.u32 $0x30, v50  }
0x84: {  	v3 =	vand.u32 $0x7, v3  }
0x85: {  	v3 =	vor.u32 v3, v4  }
0x86: {  	v4 =	vperm.xlane v3, v0;
	_ =	sdelay $0x1  }
0x87: {  	v4 =	vadd.s32 v1, v4;
	_ =	sdelay $0x3  }
0x88: {  	v3 =	vperm.xlane v3, v2  }
0x89: {  	[hbm4b:s4+s2] =	stream.indirect_vreg.scatter [tilespmem:s0], [sflag:$0x1], $0x80, v4, vm0, $0xb8;
	[tilespmem:$0x6800] =	vst v63  }
0x8a: {  	v3 =	vadd.s32 v1, v3  }
0x8b: {  	[hbm4b:s5+s2] =	stream.indirect_vreg.scatter [tilespmem:s28], [sflag:$0x1], $0x80, v4, vm0, $0xb8;
	[tilespmem:$0x6800] =	vst v63  }
0x8c: {  	_ = 	snop  }
0x8d: {  	[hbm4b:s6+s2] =	stream.indirect_vreg.scatter [tilespmem:s29], [sflag:$0x1], $0x80, v4, vm0, $0xb8;
	[tilespmem:$0x6800] =	vst v63  }
0x8e: {  	_ = 	snop  }
0x8f: {  	[hbm4b:s4+s2] =	stream.indirect_vreg.scatter [tilespmem:s30], [sflag:$0x1], $0x80, v3, vm0, $0xb8;
	[tilespmem:$0x6800] =	vst v63  }
0x90: {  	_ = 	snop  }
0x91: {  	[hbm4b:s5+s2] =	stream.indirect_vreg.scatter [tilespmem:s31], [sflag:$0x1], $0x80, v3, vm0, $0xb8;
	[tilespmem:$0x6800] =	vst v63  }
0x92: {  	_ = 	snop  }
0x93: {  	[hbm4b:s6+s2] =	stream.indirect_vreg.scatter [tilespmem:s1], [sflag:$0x1], $0x80, v3, vm0, $0xb8;
	[tilespmem:$0x6800] =	vst v63  }
0x94: {  	v3 =	vld [tilespmem:$0x90];
	_ =	sdelay $0x4  }
0x95: {  	v51 =	vshrl.u32 v3, $0x3  }
0x96: {  	v4 =	vmul.u32 $0x30, v51  }
0x97: {  	v3 =	vand.u32 $0x7, v3  }
0x98: {  	v3 =	vor.u32 v3, v4  }
0x99: {  	v4 =	vperm.xlane v3, v0;
	_ =	sdelay $0x1  }
0x9a: {  	v4 =	vadd.s32 v1, v4;
	_ =	sdelay $0x3  }
0x9b: {  	v3 =	vperm.xlane v3, v2  }
0x9c: {  	[hbm4b:s4+s2] =	stream.indirect_vreg.scatter [tilespmem:s3], [sflag:$0x1], $0x80, v4, vm0, $0xb8;
	[tilespmem:$0x6800] =	vst v63  }
0x9d: {  	v3 =	vadd.s32 v1, v3  }
0x9e: {  	[hbm4b:s5+s2] =	stream.indirect_vreg.scatter [tilespmem:s7], [sflag:$0x1], $0x80, v4, vm0, $0xb8;
	[tilespmem:$0x6800] =	vst v63  }
0x9f: {  	_ = 	snop  }
0xa0: {  	[hbm4b:s6+s2] =	stream.indirect_vreg.scatter [tilespmem:s8], [sflag:$0x1], $0x80, v4, vm0, $0xb8;
	[tilespmem:$0x6800] =	vst v63  }
0xa1: {  	_ = 	snop  }
0xa2: {  	[hbm4b:s4+s2] =	stream.indirect_vreg.scatter [tilespmem:s11], [sflag:$0x1], $0x80, v3, vm0, $0xb8;
	[tilespmem:$0x6800] =	vst v63  }
0xa3: {  	_ = 	snop  }
0xa4: {  	[hbm4b:s5+s2] =	stream.indirect_vreg.scatter [tilespmem:s12], [sflag:$0x1], $0x80, v3, vm0, $0xb8;
	[tilespmem:$0x6800] =	vst v63  }
0xa5: {  	_ = 	snop  }
0xa6: {  	[hbm4b:s6+s2] =	stream.indirect_vreg.scatter [tilespmem:s13], [sflag:$0x1], $0x80, v3, vm0, $0xb8;
	[tilespmem:$0x6800] =	vst v63  }
0xa7: {  	s25 =	simm.s32 $0x80  }
0xa8: {  	[hbm4b:s18+s9] =	stream.indirect.scatter [tilespmem:s20], [sflag:$0x1], $0x1, s25, s9, $0xb8;
	[tilespmem:$0x6800] =	vst v63  }
0xa9: {  	v3 =	vld [tilespmem:$0x100];
	_ =	sdelay $0x4  }
0xaa: {  	v52 =	vshrl.u32 v3, $0x3  }
0xab: {  	v4 =	vmul.u32 $0x30, v52  }
0xac: {  	v3 =	vand.u32 $0x7, v3  }
0xad: {  	v3 =	vor.u32 v3, v4  }
0xae: {  	v4 =	vperm.xlane v3, v0;
	_ =	sdelay $0x1  }
0xaf: {  	v4 =	vadd.s32 v1, v4;
	_ =	sdelay $0x3  }
0xb0: {  	v3 =	vperm.xlane v3, v2  }
0xb1: {  	[hbm4b:s4+s2] =	stream.indirect_vreg.scatter [tilespmem:s0], [sflag:$0x1], $0x80, v4, vm0, $0xb8;
	[tilespmem:$0x6800] =	vst v63  }
0xb2: {  	v3 =	vadd.s32 v1, v3  }
0xb3: {  	[hbm4b:s5+s2] =	stream.indirect_vreg.scatter [tilespmem:s28], [sflag:$0x1], $0x80, v4, vm0, $0xb8;
	[tilespmem:$0x6800] =	vst v63  }
0xb4: {  	_ = 	snop  }
0xb5: {  	[hbm4b:s6+s2] =	stream.indirect_vreg.scatter [tilespmem:s29], [sflag:$0x1], $0x80, v4, vm0, $0xb8;
	[tilespmem:$0x6800] =	vst v63  }
0xb6: {  	_ = 	snop  }
0xb7: {  	[hbm4b:s4+s2] =	stream.indirect_vreg.scatter [tilespmem:s30], [sflag:$0x1], $0x80, v3, vm0, $0xb8;
	[tilespmem:$0x6800] =	vst v63  }
0xb8: {  	_ = 	snop  }
0xb9: {  	[hbm4b:s5+s2] =	stream.indirect_vreg.scatter [tilespmem:s31], [sflag:$0x1], $0x80, v3, vm0, $0xb8;
	[tilespmem:$0x6800] =	vst v63  }
0xba: {  	_ = 	snop  }
0xbb: {  	[hbm4b:s6+s2] =	stream.indirect_vreg.scatter [tilespmem:s1], [sflag:$0x1], $0x80, v3, vm0, $0xb8;
	[tilespmem:$0x6800] =	vst v63  }
0xbc: {  	v3 =	vld [tilespmem:$0x110];
	_ =	sdelay $0x4  }
0xbd: {  	v53 =	vshrl.u32 v3, $0x3  }
0xbe: {  	v4 =	vmul.u32 $0x30, v53  }
0xbf: {  	v3 =	vand.u32 $0x7, v3  }
0xc0: {  	v3 =	vor.u32 v3, v4  }
0xc1: {  	v4 =	vperm.xlane v3, v0;
	_ =	sdelay $0x1  }
0xc2: {  	v4 =	vadd.s32 v1, v4;
	_ =	sdelay $0x3  }
0xc3: {  	v3 =	vperm.xlane v3, v2  }
0xc4: {  	[hbm4b:s4+s2] =	stream.indirect_vreg.scatter [tilespmem:s3], [sflag:$0x1], $0x80, v4, vm0, $0xb8;
	[tilespmem:$0x6800] =	vst v63  }
0xc5: {  	v3 =	vadd.s32 v1, v3  }
0xc6: {  	[hbm4b:s5+s2] =	stream.indirect_vreg.scatter [tilespmem:s7], [sflag:$0x1], $0x80, v4, vm0, $0xb8;
	[tilespmem:$0x6800] =	vst v63  }
0xc7: {  	_ = 	snop  }
0xc8: {  	[hbm4b:s6+s2] =	stream.indirect_vreg.scatter [tilespmem:s8], [sflag:$0x1], $0x80, v4, vm0, $0xb8;
	[tilespmem:$0x6800] =	vst v63  }
0xc9: {  	_ = 	snop  }
0xca: {  	[hbm4b:s4+s2] =	stream.indirect_vreg.scatter [tilespmem:s11], [sflag:$0x1], $0x80, v3, vm0, $0xb8;
	[tilespmem:$0x6800] =	vst v63  }
0xcb: {  	_ = 	snop  }
0xcc: {  	[hbm4b:s5+s2] =	stream.indirect_vreg.scatter [tilespmem:s12], [sflag:$0x1], $0x80, v3, vm0, $0xb8;
	[tilespmem:$0x6800] =	vst v63  }
0xcd: {  	_ = 	snop  }
0xce: {  	[hbm4b:s6+s2] =	stream.indirect_vreg.scatter [tilespmem:s13], [sflag:$0x1], $0x80, v3, vm0, $0xb8;
	[tilespmem:$0x6800] =	vst v63  }
0xcf: {  	s20 =	simm.s32 $0x100  }
0xd0: {  	[hbm4b:s18+s9] =	stream.indirect.scatter [tilespmem:s21], [sflag:$0x1], $0x1, s20, s9, $0xb8;
	[tilespmem:$0x6800] =	vst v63  }
0xd1: {  	v3 =	vld [tilespmem:$0x180];
	_ =	sdelay $0x4  }
0xd2: {  	v54 =	vshrl.u32 v3, $0x3  }
0xd3: {  	v4 =	vmul.u32 $0x30, v54  }
0xd4: {  	v3 =	vand.u32 $0x7, v3  }
0xd5: {  	v3 =	vor.u32 v3, v4  }
0xd6: {  	v4 =	vperm.xlane v3, v0;
	_ =	sdelay $0x1  }
0xd7: {  	v4 =	vadd.s32 v1, v4;
	_ =	sdelay $0x3  }
0xd8: {  	v3 =	vperm.xlane v3, v2  }
0xd9: {  	[hbm4b:s4+s2] =	stream.indirect_vreg.scatter [tilespmem:s0], [sflag:$0x1], $0x80, v4, vm0, $0xb8;
	[tilespmem:$0x6800] =	vst v63  }
0xda: {  	v3 =	vadd.s32 v1, v3  }
0xdb: {  	[hbm4b:s5+s2] =	stream.indirect_vreg.scatter [tilespmem:s28], [sflag:$0x1], $0x80, v4, vm0, $0xb8;
	[tilespmem:$0x6800] =	vst v63  }
0xdc: {  	_ = 	snop  }
0xdd: {  	[hbm4b:s6+s2] =	stream.indirect_vreg.scatter [tilespmem:s29], [sflag:$0x1], $0x80, v4, vm0, $0xb8;
	[tilespmem:$0x6800] =	vst v63  }
0xde: {  	_ = 	snop  }
0xdf: {  	[hbm4b:s4+s2] =	stream.indirect_vreg.scatter [tilespmem:s30], [sflag:$0x1], $0x80, v3, vm0, $0xb8;
	[tilespmem:$0x6800] =	vst v63  }
0xe0: {  	_ = 	snop  }
0xe1: {  	[hbm4b:s5+s2] =	stream.indirect_vreg.scatter [tilespmem:s31], [sflag:$0x1], $0x80, v3, vm0, $0xb8;
	[tilespmem:$0x6800] =	vst v63  }
0xe2: {  	_ = 	snop  }
0xe3: {  	[hbm4b:s6+s2] =	stream.indirect_vreg.scatter [tilespmem:s1], [sflag:$0x1], $0x80, v3, vm0, $0xb8;
	[tilespmem:$0x6800] =	vst v63  }
0xe4: {  	v3 =	vld [tilespmem:$0x190];
	_ =	sdelay $0x4  }
0xe5: {  	v55 =	vshrl.u32 v3, $0x3  }
0xe6: {  	v4 =	vmul.u32 $0x30, v55  }
0xe7: {  	v3 =	vand.u32 $0x7, v3  }
0xe8: {  	v3 =	vor.u32 v3, v4  }
0xe9: {  	v4 =	vperm.xlane v3, v0;
	_ =	sdelay $0x1  }
0xea: {  	v4 =	vadd.s32 v1, v4;
	_ =	sdelay $0x3  }
0xeb: {  	v3 =	vperm.xlane v3, v2  }
0xec: {  	[hbm4b:s4+s2] =	stream.indirect_vreg.scatter [tilespmem:s3], [sflag:$0x1], $0x80, v4, vm0, $0xb8;
	[tilespmem:$0x6800] =	vst v63  }
0xed: {  	v3 =	vadd.s32 v1, v3  }
0xee: {  	[hbm4b:s5+s2] =	stream.indirect_vreg.scatter [tilespmem:s7], [sflag:$0x1], $0x80, v4, vm0, $0xb8;
	[tilespmem:$0x6800] =	vst v63  }
0xef: {  	_ = 	snop  }
0xf0: {  	[hbm4b:s6+s2] =	stream.indirect_vreg.scatter [tilespmem:s8], [sflag:$0x1], $0x80, v4, vm0, $0xb8;
	[tilespmem:$0x6800] =	vst v63  }
0xf1: {  	_ = 	snop  }
0xf2: {  	[hbm4b:s4+s2] =	stream.indirect_vreg.scatter [tilespmem:s11], [sflag:$0x1], $0x80, v3, vm0, $0xb8;
	[tilespmem:$0x6800] =	vst v63  }
0xf3: {  	_ = 	snop  }
0xf4: {  	[hbm4b:s5+s2] =	stream.indirect_vreg.scatter [tilespmem:s12], [sflag:$0x1], $0x80, v3, vm0, $0xb8;
	[tilespmem:$0x6800] =	vst v63  }
0xf5: {  	_ = 	snop  }
0xf6: {  	[hbm4b:s6+s2] =	stream.indirect_vreg.scatter [tilespmem:s13], [sflag:$0x1], $0x80, v3, vm0, $0xb8;
	[tilespmem:$0x6800] =	vst v63  }
0xf7: {  	s21 =	simm.s32 $0x180  }
0xf8: {  	[hbm4b:s18+s9] =	stream.indirect.scatter [tilespmem:s22], [sflag:$0x1], $0x1, s21, s9, $0xb8;
	[tilespmem:$0x6800] =	vst v63  }
0xf9: {  	v3 =	vld [tilespmem:$0x200];
	_ =	sdelay $0x4  }
0xfa: {  	v56 =	vshrl.u32 v3, $0x3  }
0xfb: {  	v4 =	vmul.u32 $0x30, v56  }
0xfc: {  	v3 =	vand.u32 $0x7, v3  }
0xfd: {  	v3 =	vor.u32 v3, v4  }
0xfe: {  	v4 =	vperm.xlane v3, v0;
	_ =	sdelay $0x1  }
0xff: {  	v4 =	vadd.s32 v1, v4;
	_ =	sdelay $0x3  }
0x100: {  	v3 =	vperm.xlane v3, v2  }
0x101: {  	[hbm4b:s4+s2] =	stream.indirect_vreg.scatter [tilespmem:s0], [sflag:$0x1], $0x80, v4, vm0, $0xb8;
	[tilespmem:$0x6800] =	vst v63  }
0x102: {  	v3 =	vadd.s32 v1, v3  }
0x103: {  	[hbm4b:s5+s2] =	stream.indirect_vreg.scatter [tilespmem:s28], [sflag:$0x1], $0x80, v4, vm0, $0xb8;
	[tilespmem:$0x6800] =	vst v63  }
0x104: {  	_ = 	snop  }
0x105: {  	[hbm4b:s6+s2] =	stream.indirect_vreg.scatter [tilespmem:s29], [sflag:$0x1], $0x80, v4, vm0, $0xb8;
	[tilespmem:$0x6800] =	vst v63  }
0x106: {  	_ = 	snop  }
0x107: {  	[hbm4b:s4+s2] =	stream.indirect_vreg.scatter [tilespmem:s30], [sflag:$0x1], $0x80, v3, vm0, $0xb8;
	[tilespmem:$0x6800] =	vst v63  }
0x108: {  	_ = 	snop  }
0x109: {  	[hbm4b:s5+s2] =	stream.indirect_vreg.scatter [tilespmem:s31], [sflag:$0x1], $0x80, v3, vm0, $0xb8;
	[tilespmem:$0x6800] =	vst v63  }
0x10a: {  	_ = 	snop  }
0x10b: {  	[hbm4b:s6+s2] =	stream.indirect_vreg.scatter [tilespmem:s1], [sflag:$0x1], $0x80, v3, vm0, $0xb8;
	[tilespmem:$0x6800] =	vst v63  }
0x10c: {  	v3 =	vld [tilespmem:$0x210];
	_ =	sdelay $0x4  }
0x10d: {  	v57 =	vshrl.u32 v3, $0x3  }
0x10e: {  	v4 =	vmul.u32 $0x30, v57  }
0x10f: {  	v3 =	vand.u32 $0x7, v3  }
0x110: {  	v3 =	vor.u32 v3, v4  }
0x111: {  	v4 =	vperm.xlane v3, v0;
	_ =	sdelay $0x1  }
0x112: {  	v4 =	vadd.s32 v1, v4;
	_ =	sdelay $0x3  }
0x113: {  	v3 =	vperm.xlane v3, v2  }
0x114: {  	[hbm4b:s4+s2] =	stream.indirect_vreg.scatter [tilespmem:s3], [sflag:$0x1], $0x80, v4, vm0, $0xb8;
	[tilespmem:$0x6800] =	vst v63  }
0x115: {  	v3 =	vadd.s32 v1, v3  }
0x116: {  	[hbm4b:s5+s2] =	stream.indirect_vreg.scatter [tilespmem:s7], [sflag:$0x1], $0x80, v4, vm0, $0xb8;
	[tilespmem:$0x6800] =	vst v63  }
0x117: {  	_ = 	snop  }
0x118: {  	[hbm4b:s6+s2] =	stream.indirect_vreg.scatter [tilespmem:s8], [sflag:$0x1], $0x80, v4, vm0, $0xb8;
	[tilespmem:$0x6800] =	vst v63  }
0x119: {  	_ = 	snop  }
0x11a: {  	[hbm4b:s4+s2] =	stream.indirect_vreg.scatter [tilespmem:s11], [sflag:$0x1], $0x80, v3, vm0, $0xb8;
	[tilespmem:$0x6800] =	vst v63  }
0x11b: {  	_ = 	snop  }
0x11c: {  	[hbm4b:s5+s2] =	stream.indirect_vreg.scatter [tilespmem:s12], [sflag:$0x1], $0x80, v3, vm0, $0xb8;
	[tilespmem:$0x6800] =	vst v63  }
0x11d: {  	_ = 	snop  }
0x11e: {  	[hbm4b:s6+s2] =	stream.indirect_vreg.scatter [tilespmem:s13], [sflag:$0x1], $0x80, v3, vm0, $0xb8;
	[tilespmem:$0x6800] =	vst v63  }
0x11f: {  	s22 =	simm.s32 $0x200  }
0x120: {  	[hbm4b:s18+s9] =	stream.indirect.scatter [tilespmem:s23], [sflag:$0x1], $0x1, s22, s9, $0xb8;
	[tilespmem:$0x6800] =	vst v63  }
0x121: {  	v3 =	vld [tilespmem:$0x280];
	_ =	sdelay $0x4  }
0x122: {  	v58 =	vshrl.u32 v3, $0x3  }
0x123: {  	v4 =	vmul.u32 $0x30, v58  }
0x124: {  	v3 =	vand.u32 $0x7, v3  }
0x125: {  	v3 =	vor.u32 v3, v4  }
0x126: {  	v4 =	vperm.xlane v3, v0;
	_ =	sdelay $0x1  }
0x127: {  	v4 =	vadd.s32 v1, v4;
	_ =	sdelay $0x3  }
0x128: {  	v3 =	vperm.xlane v3, v2  }
0x129: {  	[hbm4b:s4+s2] =	stream.indirect_vreg.scatter [tilespmem:s0], [sflag:$0x1], $0x80, v4, vm0, $0xb8;
	[tilespmem:$0x6800] =	vst v63  }
0x12a: {  	v3 =	vadd.s32 v1, v3  }
0x12b: {  	[hbm4b:s5+s2] =	stream.indirect_vreg.scatter [tilespmem:s28], [sflag:$0x1], $0x80, v4, vm0, $0xb8;
	[tilespmem:$0x6800] =	vst v63  }
0x12c: {  	_ = 	snop  }
0x12d: {  	[hbm4b:s6+s2] =	stream.indirect_vreg.scatter [tilespmem:s29], [sflag:$0x1], $0x80, v4, vm0, $0xb8;
	[tilespmem:$0x6800] =	vst v63  }
0x12e: {  	_ = 	snop  }
0x12f: {  	[hbm4b:s4+s2] =	stream.indirect_vreg.scatter [tilespmem:s30], [sflag:$0x1], $0x80, v3, vm0, $0xb8;
	[tilespmem:$0x6800] =	vst v63  }
0x130: {  	_ = 	snop  }
0x131: {  	[hbm4b:s5+s2] =	stream.indirect_vreg.scatter [tilespmem:s31], [sflag:$0x1], $0x80, v3, vm0, $0xb8;
	[tilespmem:$0x6800] =	vst v63  }
0x132: {  	_ = 	snop  }
0x133: {  	[hbm4b:s6+s2] =	stream.indirect_vreg.scatter [tilespmem:s1], [sflag:$0x1], $0x80, v3, vm0, $0xb8;
	[tilespmem:$0x6800] =	vst v63  }
0x134: {  	v3 =	vld [tilespmem:$0x290];
	_ =	sdelay $0x4  }
0x135: {  	v59 =	vshrl.u32 v3, $0x3  }
0x136: {  	v4 =	vmul.u32 $0x30, v59  }
0x137: {  	v3 =	vand.u32 $0x7, v3  }
0x138: {  	v3 =	vor.u32 v3, v4  }
0x139: {  	v4 =	vperm.xlane v3, v0;
	_ =	sdelay $0x1  }
0x13a: {  	v4 =	vadd.s32 v1, v4;
	_ =	sdelay $0x3  }
0x13b: {  	v3 =	vperm.xlane v3, v2  }
0x13c: {  	[hbm4b:s4+s2] =	stream.indirect_vreg.scatter [tilespmem:s3], [sflag:$0x1], $0x80, v4, vm0, $0xb8;
	[tilespmem:$0x6800] =	vst v63  }
0x13d: {  	v3 =	vadd.s32 v1, v3  }
0x13e: {  	[hbm4b:s5+s2] =	stream.indirect_vreg.scatter [tilespmem:s7], [sflag:$0x1], $0x80, v4, vm0, $0xb8;
	[tilespmem:$0x6800] =	vst v63  }
0x13f: {  	_ = 	snop  }
0x140: {  	[hbm4b:s6+s2] =	stream.indirect_vreg.scatter [tilespmem:s8], [sflag:$0x1], $0x80, v4, vm0, $0xb8;
	[tilespmem:$0x6800] =	vst v63  }
0x141: {  	_ = 	snop  }
0x142: {  	[hbm4b:s4+s2] =	stream.indirect_vreg.scatter [tilespmem:s11], [sflag:$0x1], $0x80, v3, vm0, $0xb8;
	[tilespmem:$0x6800] =	vst v63  }
0x143: {  	_ = 	snop  }
0x144: {  	[hbm4b:s5+s2] =	stream.indirect_vreg.scatter [tilespmem:s12], [sflag:$0x1], $0x80, v3, vm0, $0xb8;
	[tilespmem:$0x6800] =	vst v63  }
0x145: {  	_ = 	snop  }
0x146: {  	[hbm4b:s6+s2] =	stream.indirect_vreg.scatter [tilespmem:s13], [sflag:$0x1], $0x80, v3, vm0, $0xb8;
	[tilespmem:$0x6800] =	vst v63  }
0x147: {  	s23 =	simm.s32 $0x280  }
0x148: {  	[hbm4b:s18+s9] =	stream.indirect.scatter [tilespmem:s24], [sflag:$0x1], $0x1, s23, s9, $0xb8;
	[tilespmem:$0x6800] =	vst v63  }
0x149: {  	v3 =	vld [tilespmem:$0x300];
	_ =	sdelay $0x4  }
0x14a: {  	v60 =	vshrl.u32 v3, $0x3  }
0x14b: {  	v4 =	vmul.u32 $0x30, v60  }
0x14c: {  	v3 =	vand.u32 $0x7, v3  }
0x14d: {  	v3 =	vor.u32 v3, v4  }
0x14e: {  	v4 =	vperm.xlane v3, v0;
	_ =	sdelay $0x1  }
0x14f: {  	v4 =	vadd.s32 v1, v4;
	_ =	sdelay $0x3  }
0x150: {  	v3 =	vperm.xlane v3, v2  }
0x151: {  	[hbm4b:s4+s2] =	stream.indirect_vreg.scatter [tilespmem:s0], [sflag:$0x1], $0x80, v4, vm0, $0xb8;
	[tilespmem:$0x6800] =	vst v63  }
0x152: {  	v3 =	vadd.s32 v1, v3  }
0x153: {  	[hbm4b:s5+s2] =	stream.indirect_vreg.scatter [tilespmem:s28], [sflag:$0x1], $0x80, v4, vm0, $0xb8;
	[tilespmem:$0x6800] =	vst v63  }
0x154: {  	_ = 	snop  }
0x155: {  	[hbm4b:s6+s2] =	stream.indirect_vreg.scatter [tilespmem:s29], [sflag:$0x1], $0x80, v4, vm0, $0xb8;
	[tilespmem:$0x6800] =	vst v63  }
0x156: {  	_ = 	snop  }
0x157: {  	[hbm4b:s4+s2] =	stream.indirect_vreg.scatter [tilespmem:s30], [sflag:$0x1], $0x80, v3, vm0, $0xb8;
	[tilespmem:$0x6800] =	vst v63  }
0x158: {  	_ = 	snop  }
0x159: {  	[hbm4b:s5+s2] =	stream.indirect_vreg.scatter [tilespmem:s31], [sflag:$0x1], $0x80, v3, vm0, $0xb8;
	[tilespmem:$0x6800] =	vst v63  }
0x15a: {  	_ = 	snop  }
0x15b: {  	[hbm4b:s6+s2] =	stream.indirect_vreg.scatter [tilespmem:s1], [sflag:$0x1], $0x80, v3, vm0, $0xb8;
	[tilespmem:$0x6800] =	vst v63  }
0x15c: {  	v3 =	vld [tilespmem:$0x310];
	_ =	sdelay $0x4  }
0x15d: {  	v61 =	vshrl.u32 v3, $0x3  }
0x15e: {  	v4 =	vmul.u32 $0x30, v61  }
0x15f: {  	v3 =	vand.u32 $0x7, v3  }
0x160: {  	v3 =	vor.u32 v3, v4  }
0x161: {  	v4 =	vperm.xlane v3, v0;
	_ =	sdelay $0x1  }
0x162: {  	v4 =	vadd.s32 v1, v4;
	_ =	sdelay $0x3  }
0x163: {  	v3 =	vperm.xlane v3, v2  }
0x164: {  	[hbm4b:s4+s2] =	stream.indirect_vreg.scatter [tilespmem:s3], [sflag:$0x1], $0x80, v4, vm0, $0xb8;
	[tilespmem:$0x6800] =	vst v63  }
0x165: {  	v3 =	vadd.s32 v1, v3  }
0x166: {  	[hbm4b:s5+s2] =	stream.indirect_vreg.scatter [tilespmem:s7], [sflag:$0x1], $0x80, v4, vm0, $0xb8;
	[tilespmem:$0x6800] =	vst v63  }
0x167: {  	_ = 	snop  }
0x168: {  	[hbm4b:s6+s2] =	stream.indirect_vreg.scatter [tilespmem:s8], [sflag:$0x1], $0x80, v4, vm0, $0xb8;
	[tilespmem:$0x6800] =	vst v63  }
0x169: {  	_ = 	snop  }
0x16a: {  	[hbm4b:s4+s2] =	stream.indirect_vreg.scatter [tilespmem:s11], [sflag:$0x1], $0x80, v3, vm0, $0xb8;
	[tilespmem:$0x6800] =	vst v63  }
0x16b: {  	_ = 	snop  }
0x16c: {  	[hbm4b:s5+s2] =	stream.indirect_vreg.scatter [tilespmem:s12], [sflag:$0x1], $0x80, v3, vm0, $0xb8;
	[tilespmem:$0x6800] =	vst v63  }
0x16d: {  	_ = 	snop  }
0x16e: {  	[hbm4b:s6+s2] =	stream.indirect_vreg.scatter [tilespmem:s13], [sflag:$0x1], $0x80, v3, vm0, $0xb8;
	[tilespmem:$0x6800] =	vst v63  }
0x16f: {  	s25 =	simm.s32 $0x300;
	s20 =	simm.s32 $0x700  }
0x170: {  	[hbm4b:s18+s9] =	stream.indirect.scatter [tilespmem:s20], [sflag:$0x1], $0x1, s25, s9, $0xb8;
	[tilespmem:$0x6800] =	vst v63  }
0x171: {  	v3 =	vld [tilespmem:$0x380];
	_ =	sdelay $0x4  }
0x172: {  	v62 =	vshrl.u32 v3, $0x3  }
0x173: {  	v4 =	vmul.u32 $0x30, v62  }
0x174: {  	v3 =	vand.u32 $0x7, v3  }
0x175: {  	v3 =	vor.u32 v3, v4  }
0x176: {  	v4 =	vperm.xlane v3, v0;
	_ =	sdelay $0x1  }
0x177: {  	v4 =	vadd.s32 v1, v4;
	_ =	sdelay $0x3  }
0x178: {  	s3 =	simm.s32 $0x800;
	v3 =	vperm.xlane v3, v2  }
0x179: {  	[hbm4b:s4+s2] =	stream.indirect_vreg.scatter [tilespmem:s3], [sflag:$0x1], $0x80, v4, vm0, $0xb8;
	[tilespmem:$0x6800] =	vst v63  }
0x17a: {  	s21 =	simm.s32 $0x1000;
	v3 =	vadd.s32 v1, v3  }
0x17b: {  	[hbm4b:s5+s2] =	stream.indirect_vreg.scatter [tilespmem:s21], [sflag:$0x1], $0x80, v4, vm0, $0xb8;
	[tilespmem:$0x6800] =	vst v63  }
0x17c: {  	s22 =	simm.s32 $0x1800  }
0x17d: {  	[hbm4b:s6+s2] =	stream.indirect_vreg.scatter [tilespmem:s22], [sflag:$0x1], $0x80, v4, vm0, $0xb8;
	[tilespmem:$0x6800] =	vst v63  }
0x17e: {  	s23 =	simm.s32 $0x2000  }
0x17f: {  	[hbm4b:s4+s2] =	stream.indirect_vreg.scatter [tilespmem:s23], [sflag:$0x1], $0x80, v3, vm0, $0xb8;
	[tilespmem:$0x6800] =	vst v63  }
0x180: {  	s24 =	simm.s32 $0x2800  }
0x181: {  	[hbm4b:s5+s2] =	stream.indirect_vreg.scatter [tilespmem:s24], [sflag:$0x1], $0x80, v3, vm0, $0xb8;
	[tilespmem:$0x6800] =	vst v63  }
0x182: {  	s25 =	simm.s32 $0x3000  }
0x183: {  	[hbm4b:s6+s2] =	stream.indirect_vreg.scatter [tilespmem:s25], [sflag:$0x1], $0x80, v3, vm0, $0xb8;
	[tilespmem:$0x6800] =	vst v63  }
0x184: {  	v3 =	vld [tilespmem:$0x390];
	_ =	sdelay $0x4  }
0x185: {  	v63 =	vshrl.u32 v3, $0x3  }
0x186: {  	v4 =	vmul.u32 $0x30, v63  }
0x187: {  	v3 =	vand.u32 $0x7, v3  }
0x188: {  	v3 =	vor.u32 v3, v4  }
0x189: {  	v4 =	vperm.xlane v3, v0;
	_ =	sdelay $0x1  }
0x18a: {  	v4 =	vadd.s32 v1, v4;
	_ =	sdelay $0x3  }
0x18b: {  	s17 =	simm.s32 $0x3800;
	v3 =	vperm.xlane v3, v2  }
0x18c: {  	[hbm4b:s4+s2] =	stream.indirect_vreg.scatter [tilespmem:s17], [sflag:$0x1], $0x80, v4, vm0, $0xb8;
	[tilespmem:$0x6800] =	vst v63  }
0x18d: {  	s20 =	simm.s32 $0x4000;
	v3 =	vadd.s32 v1, v3  }
0x18e: {  	[hbm4b:s5+s2] =	stream.indirect_vreg.scatter [tilespmem:s20], [sflag:$0x1], $0x80, v4, vm0, $0xb8;
	[tilespmem:$0x6800] =	vst v63  }
0x18f: {  	s21 =	simm.s32 $0x4800  }
0x190: {  	[hbm4b:s6+s2] =	stream.indirect_vreg.scatter [tilespmem:s21], [sflag:$0x1], $0x80, v4, vm0, $0xb8;
	[tilespmem:$0x6800] =	vst v63  }
0x191: {  	s22 =	simm.s32 $0x5000  }
0x192: {  	[hbm4b:s4+s2] =	stream.indirect_vreg.scatter [tilespmem:s22], [sflag:$0x1], $0x80, v3, vm0, $0xb8;
	[tilespmem:$0x6800] =	vst v63  }
0x193: {  	s23 =	simm.s32 $0x5800  }
0x194: {  	[hbm4b:s5+s2] =	stream.indirect_vreg.scatter [tilespmem:s23], [sflag:$0x1], $0x80, v3, vm0, $0xb8;
	[tilespmem:$0x6800] =	vst v63  }
0x195: {  	s24 =	simm.s32 $0x6000  }
0x196: {  	[hbm4b:s6+s2] =	stream.indirect_vreg.scatter [tilespmem:s24], [sflag:$0x1], $0x80, v3, vm0, $0xb8;
	[tilespmem:$0x6800] =	vst v63  }
0x197: {  	s1 =	simm.s32 $0x380;
	s25 =	simm.s32 $0x20  }
0x198: {  	[hbm4b:s18+s25] =	stream.indirect.scatter [tilespmem:s26], [sflag:$0x1], $0x1, s1, s25, $0xb8;
	[tilespmem:$0x6800] =	vst v63  }
0x199: {  	_ =	swait.ge [sflag:s14], $0x6000  }
0x19a: {  	[sflag:s14] =	ssyncset.done $0x0  }
0x19b: {  	[sflag:s14] =	ssyncadd.s32 $0xFFFFA000  }
0x19c: {  	_ =	swait.ge [sflag:s14], $0x20  }
0x19d: {  	[sflag:s14] =	ssyncset.done $0x0  }
0x19e: {  	[sflag:s14] =	ssyncadd.s32 $0xFFFFFFE0  }
0x19f: {  	_ =	swait.ge [sflag:s14], $0x6000  }
0x1a0: {  	[sflag:s14] =	ssyncset.done $0x0  }
0x1a1: {  	[sflag:s14] =	ssyncadd.s32 $0xFFFFA000  }
0x1a2: {  	_ =	swait.ge [sflag:s14], $0x20  }
0x1a3: {  	[sflag:s14] =	ssyncset.done $0x0  }
0x1a4: {  	[sflag:s14] =	ssyncadd.s32 $0xFFFFFFE0  }
0x1a5: {  	_ =	swait.ge [sflag:s14], $0x6000  }
0x1a6: {  	[sflag:s14] =	ssyncset.done $0x0  }
0x1a7: {  	[sflag:s14] =	ssyncadd.s32 $0xFFFFA000  }
0x1a8: {  	_ =	swait.ge [sflag:s14], $0x20  }
0x1a9: {  	[sflag:s14] =	ssyncset.done $0x0  }
0x1aa: {  	[sflag:s14] =	ssyncadd.s32 $0xFFFFFFE0  }
0x1ab: {  	_ =	swait.ge [sflag:s14], $0x6000  }
0x1ac: {  	[sflag:s14] =	ssyncset.done $0x0  }
0x1ad: {  	[sflag:s14] =	ssyncadd.s32 $0xFFFFA000  }
0x1ae: {  	_ =	swait.ge [sflag:s14], $0x20  }
0x1af: {  	[sflag:s14] =	ssyncset.done $0x0  }
0x1b0: {  	[sflag:s14] =	ssyncadd.s32 $0xFFFFFFE0  }
0x1b1: {  	_ =	swait.ge [sflag:s14], $0x6000  }
0x1b2: {  	[sflag:s14] =	ssyncset.done $0x0  }
0x1b3: {  	[sflag:s14] =	ssyncadd.s32 $0xFFFFA000  }
0x1b4: {  	_ =	swait.ge [sflag:s14], $0x20  }
0x1b5: {  	[sflag:s14] =	ssyncset.done $0x0  }
0x1b6: {  	[sflag:s14] =	ssyncadd.s32 $0xFFFFFFE0  }
0x1b7: {  	_ =	swait.ge [sflag:s14], $0x6000  }
0x1b8: {  	[sflag:s14] =	ssyncset.done $0x0  }
0x1b9: {  	[sflag:s14] =	ssyncadd.s32 $0xFFFFA000  }
0x1ba: {  	_ =	swait.ge [sflag:s14], $0x20  }
0x1bb: {  	[sflag:s14] =	ssyncset.done $0x0  }
0x1bc: {  	[sflag:s14] =	ssyncadd.s32 $0xFFFFFFE0  }
0x1bd: {  	_ =	swait.ge [sflag:s14], $0x6000  }
0x1be: {  	[sflag:s14] =	ssyncset.done $0x0  }
0x1bf: {  	[sflag:s14] =	ssyncadd.s32 $0xFFFFA000  }
0x1c0: {  	_ =	swait.ge [sflag:s14], $0x20  }
0x1c1: {  	[sflag:s14] =	ssyncset.done $0x0  }
0x1c2: {  	[sflag:s14] =	ssyncadd.s32 $0xFFFFFFE0  }
0x1c3: {  	p0 =	sne.s32 s16, $0x7C;
	_ =	swait.ge [sflag:s14], $0x6000  }
.Ltmp0:
0x1c4: {  	[sflag:s14] =	ssyncset.done $0x0;
	(pc) =	sbr.rel @p0 .LBB2_2-.Ltmp0, $4  }
0x1c5: {  	[sflag:s14] =	ssyncadd.s32 $0xFFFFA000  }
0x1c6: {  	_ =	swait.ge [sflag:s14], $0x20  }
0x1c7: {  	[sflag:s14] =	ssyncset.done $0x0  }
0x1c8: {  	s15 =	sadd.s32 $0xC00, s15;
	s16 =	sadd.s32 $0x4, s16;
	[sflag:s14] =	ssyncadd.s32 $0xFFFFFFE0  }
0x1c9: {  	s0 =	rddreg [dreg:$0x9]  }
0x1ca: {  	s15 =	rddreg [dreg:$0x7];
	s0 =	sadd.s32 $0x1, s0  }
0x1cb: {  	p0 =	sne.s32 s0, s15  }
.Ltmp1:
0x1cc: {  	_ = 	snop;
	(pc) =	sbr.rel @p0 .LBB2_1-.Ltmp1, $1  }
0x1cd: {  	_ =	sdelay $0x3  }
0x1ce: {  	_ =	sfence.sel $0x180000  }
0x1cf: {  	[bflag:$0x0] =	sbarrier.arrive $0xFFFF  }
0x1d0: {  	_ =	strace $0x90000047  }
0x1d1: {  	s0 =	stileid.u32;
	[bflag:$0x2] =	sbarrier.arrive $0xFFFF  }
0x1d2: {  	p0 =	sne.s32 s0, $0x0;
	s0 =	rddreg [dreg:$0x4]  }
0x1d3: {  	s0 =	sadd.s32 @!p0 $0x100000, s0  }
0x1d4: {  	[sflag:s0] =	ssyncadd.tile.s32 @!p0 $0x1;
	_ =	shalt  }
.Lfunc_end2:
_tile_overlayer_lowered:
.L_overlay_start_2:
0x1d5: {  	(tag) =	ssettag $0x2  }
0x1d6: {  	s0 =	rddreg [dreg:$0x0];
	s2 =	stileid.u32  }
0x1d7: {  	s1 =	rddreg [dreg:$0x1];
	p0 =	sne.s32 s2, $0x0  }
0x1d8: {  	s3 =	rddreg [dreg:$0x2];
	[bflag:$0x3] =	sbarrier.arrive $0xFFFF;
	s2 =	simm.s32 @!p0 $0x1C02  }
0x1d9: {  	[timem:s3], [sflag:s2] =	dma.local @!p0 [hbm:s0], s1  }
0x1da: {  	s0 =	simm.s32 @!p0 $0x2  }
0x1db: {  	_ =	swait.ge @!p0 [sflag:s0], s1  }
0x1dc: {  	s1 =	ssub.s32 @!p0 $0x0, s1;
	[sflag:s0] =	ssyncset.done @!p0 $0x0  }
0x1dd: {  	[sflag:s0] =	ssyncadd.s32 @!p0 s1  }
0x1de: {  	[bflag:$0x3] =	sbarrier.arrive $0xFFFF  }
0x1df: {  	_ =	shalt  }

// kernel: kernel.9.cloned.1.call-start
scs
__scs_entry_jumppad:
0x0: {  	(pc) =	sbr.rel $0x88, $3  }
0x1: {  	(tag) =	ssettag $0x0;
	lr =	simm.s32 $0x1  }
0x2: {  	[smem:$0x3F9C] =	sst lr;
	_ =	strace $0xD0000000  }
0x3: {  	_ = 	snop  }
0x4: {  	_ = 	snop  }
0x5: {  	_ = 	snop  }
0x6: {  	_ = 	snop  }
0x7: {  	_ = 	snop  }
__scs_overlays_trampoline_lowered:
0x8: {  	[smem:$0x3FAB] =	sst s0  }
0x9: {  	[smem:$0x3FAC] =	sst s1  }
0xa: {  	[smem:$0x3FAD] =	sst s2  }
0xb: {  	[smem:$0x3FAE] =	sst s3  }
0xc: {  	[smem:$0x3FAF] =	sst s4  }
0xd: {  	[smem:$0x3FB0] =	sst s5  }
0xe: {  	[smem:$0x3FB1] =	sst s6  }
0xf: {  	[smem:$0x3FB2] =	sst s7  }
0x10: {  	[smem:$0x3FB3] =	sst s8  }
0x11: {  	[smem:$0x3FB4] =	sst s9;
	s0 =	simm.s32 @!p0 $0x0  }
0x12: {  	s1 =	sld [smem:$0x3F9A];
	s0 =	simm.s32 @p0 $0x1  }
0x13: {  	[smem:$0x3FB5] =	sst s0;
	s0 =	simm.s32 @!p1 $0x0  }
0x14: {  	s2 =	sld [smem:$0x3F99];
	s0 =	simm.s32 @p1 $0x1  }
0x15: {  	[smem:$0x3FB6] =	sst s0;
	s0 =	simm.s32 @!p2 $0x0  }
0x16: {  	s3 =	sld [smem:$0x3FDB];
	s0 =	simm.s32 @p2 $0x1  }
0x17: {  	s4 =	simm.s32 $0x1BF5;
	[smem:$0x3FB8] =	sst s0  }
0x18: {  	s0 =	sld [smem:$0x3F9B];
	_ =	swait.ge [sflag:s4], $0x0  }
0x19: {  	s7 =	sld [smem:$0x3F9C]  }
0x1a: {  	s8 =	sadd.s32 $0xFFFFE003, lr  }
0x1b: {  	s9 =	sadd.s32 $0xFFFFFEF7, lr;
	s5 =	simm.s32 $0xFFFFFFFF;
	p2 =	slt.u32 s8, $0xFFFFF086  }
0x1c: {  	p1 =	slt.u32 s9, $0xF7A;
	s5 =	simm.s32 @!p2 $0x0  }
0x1d: {  	s5 =	simm.s32 @p1 $0x1;
	p0 =	seq.s32 s7, s2  }
0x1e: {  	s7 =	smul.u32 @!p0 $0xF7A, s2;
	p2 =	seq.s32 @!p0 s5, $0x0  }
0x1f: {  	s9 =	smul.u32 $0xF7A, s1;
	s8 =	simm.s32 @!p0 $0x1BF5;
	p2 =	por !p2, p0  }
0x20: {  	[sflag:s8] =	ssyncset.s32 @!p0 $0xFFFFF086;
	s6 =	sadd.s32 @!p0 s3, s7;
	s7 =	simm.s32 @!p0 $0x108  }
0x21: {  	s3 =	sadd.s32 s3, s9;
	s6 =	sadd.s32 @!p0 $0x88, s6;
	s7 =	simm.s32 @p2 $0x1082  }
0x22: {  	[simem:s7], [sflag:s8] =	dma.local @!p0 [hbm:s6], $0xF7A  }
0x23: {  	s9 =	sor.u32 $0xD0000000, s2;
	s6 =	simm.s32 $0x108;
	_ =	swait.ge @!p0 [sflag:s8], $0x0  }
0x24: {  	s3 =	sadd.s32 $0x88, s3;
	s6 =	simm.s32 @!p1 $0x1082;
	[sflag:s4] =	ssyncset.s32 $0xFFFFF086  }
0x25: {  	[simem:s6], [sflag:s4] =	dma.local [hbm:s3], $0xF7A  }
0x26: {  	[smem:$0x3F9C] =	sst s1;
	(tag) =	ssettag s2;
	_ =	strace s9  }
0x27: {  	s1 =	sld [smem:$0x3FAC]  }
0x28: {  	s2 =	sld [smem:$0x3FAD]  }
0x29: {  	s4 =	sld [smem:$0x3FAF]  }
0x2a: {  	p0 =	seq.s32 s5, $0x0;
	s5 =	sld [smem:$0x3FB0]  }
0x2b: {  	s6 =	sld [smem:$0x3FB1]  }
0x2c: {  	s7 =	sld [smem:$0x3FB2]  }
0x2d: {  	s3 =	simm.s32 $0x108;
	s8 =	sld [smem:$0x3FB3]  }
0x2e: {  	s3 =	simm.s32 @!p0 $0x1082;
	s9 =	sld [smem:$0x3FB4]  }
0x2f: {  	lr =	sadd.s32 s0, s3;
	s0 =	sld [smem:$0x3FAB]  }
0x30: {  	s3 =	sld [smem:$0x3FAE]  }
0x31: {  	[smem:$0x3FB7] =	sst s10  }
0x32: {  	s10 =	sld [smem:$0x3FB5];
	_ =	sdelay $0x3  }
0x33: {  	p0 =	seq.s32 s10, $0x1;
	s10 =	sld [smem:$0x3FB7];
	_ =	sdelay $0x3  }
0x34: {  	[smem:$0x3FB7] =	sst s10  }
0x35: {  	s10 =	sld [smem:$0x3FB6];
	_ =	sdelay $0x3  }
0x36: {  	p1 =	seq.s32 s10, $0x1;
	s10 =	sld [smem:$0x3FB7];
	_ =	sdelay $0x3  }
0x37: {  	[smem:$0x3FB7] =	sst s10  }
0x38: {  	s10 =	sld [smem:$0x3FB8]  }
0x39: {  	_ = 	snop;
	(pc) =	sbr.ind lr, $3  }
0x3a: {  	_ = 	snop  }
0x3b: {  	_ = 	snop  }
0x3c: {  	p2 =	seq.s32 s10, $0x1;
	s10 =	sld [smem:$0x3FB7]  }
0x3d: {  	_ =	shalt  }
0x3e: {  	_ =	shalt  }
0x3f: {  	_ =	shalt  }
0x40: {  	_ =	shalt  }
0x41: {  	_ =	shalt  }
0x42: {  	_ =	shalt  }
0x43: {  	_ =	shalt  }
0x44: {  	_ =	shalt  }
0x45: {  	_ =	shalt  }
0x46: {  	_ =	shalt  }
0x47: {  	_ =	shalt  }
0x48: {  	_ =	shalt  }
0x49: {  	_ =	shalt  }
0x4a: {  	_ =	shalt  }
0x4b: {  	_ =	shalt  }
0x4c: {  	_ =	shalt  }
0x4d: {  	_ =	shalt  }
0x4e: {  	_ =	shalt  }
0x4f: {  	_ =	shalt  }
0x50: {  	_ =	shalt  }
0x51: {  	_ =	shalt  }
0x52: {  	_ =	shalt  }
0x53: {  	_ =	shalt  }
0x54: {  	_ =	shalt  }
0x55: {  	_ =	shalt  }
0x56: {  	_ =	shalt  }
0x57: {  	_ =	shalt  }
0x58: {  	_ =	shalt  }
0x59: {  	_ =	shalt  }
0x5a: {  	_ =	shalt  }
0x5b: {  	_ =	shalt  }
0x5c: {  	_ =	shalt  }
0x5d: {  	_ =	shalt  }
0x5e: {  	_ =	shalt  }
0x5f: {  	_ =	shalt  }
0x60: {  	_ =	shalt  }
0x61: {  	_ =	shalt  }
0x62: {  	_ =	shalt  }
0x63: {  	_ =	shalt  }
0x64: {  	_ =	shalt  }
0x65: {  	_ =	shalt  }
0x66: {  	_ =	shalt  }
0x67: {  	_ =	shalt  }
0x68: {  	_ =	shalt  }
0x69: {  	_ =	shalt  }
0x6a: {  	_ =	shalt  }
0x6b: {  	_ =	shalt  }
0x6c: {  	_ =	shalt  }
0x6d: {  	_ =	shalt  }
0x6e: {  	_ =	shalt  }
0x6f: {  	_ =	shalt  }
0x70: {  	_ =	shalt  }
0x71: {  	_ =	shalt  }
0x72: {  	_ =	shalt  }
0x73: {  	_ =	shalt  }
0x74: {  	_ =	shalt  }
0x75: {  	_ =	shalt  }
0x76: {  	_ =	shalt  }
0x77: {  	_ =	shalt  }
0x78: {  	_ =	shalt  }
0x79: {  	_ =	shalt  }
0x7a: {  	_ =	shalt  }
0x7b: {  	_ =	shalt  }
0x7c: {  	_ =	shalt  }
0x7d: {  	_ =	shalt  }
0x7e: {  	_ =	shalt  }
0x7f: {  	_ =	shalt  }
0x80: {  	_ =	shalt  }
0x81: {  	_ =	shalt  }
0x82: {  	_ =	shalt  }
0x83: {  	_ =	shalt  }
0x84: {  	_ =	shalt  }
0x85: {  	_ =	shalt  }
0x86: {  	_ =	shalt  }
0x87: {  	_ =	shalt  }
.Lfunc_end0:
.L_simem_size_0:
called_computation.1_lowered:
.L_overlay_start_0:
0x88: {  	s2 =	sld [smem:$0x3FD9]  }
0x89: {  	s3 =	sld [smem:$0x3FFE];
	_ =	sdelay $0x1  }
0x8a: {  	s1 =	srdreg.scid  }
0x8b: {  	s0 =	sand.u32 $0x1, s1  }
0x8c: {  	s14 =	sshll.u32 s0, $0xA;
	s2 =	sadd.s32 s3, s2  }
0x8d: {  	s2 =	sadd.s32 s2, s14  }
0x8e: {  	[smem:$0x3FC3] =	sst s2  }
0x8f: {  	_ = 	snop  }
0x90: {  	s2 =	sld [smem:$0x3FD0];
	_ =	sdelay $0x2  }
0x91: {  	s15 =	simm.s32 $0xA;
	s4 =	simm.s32 $0x10  }
0x92: {  	[smem:s4], [sflag:s15] =	dma.local [hbm:s2], $0x1  }
0x93: {  	_ =	swait.eq [sflag:s15], $0x1  }
0x94: {  	[sflag:s15] =	ssyncset.done $0x0  }
0x95: {  	[sflag:s15] =	ssyncadd.s32 $0xFFFFFFFF  }
0x96: {  	s16 =	sld [smem:$0x10];
	(tm) =	ssettm $0x1  }
0x97: {  	s17 =	sld [smem:$0x3FFB];
	_ =	sdelay $0x3  }
0x98: {  	_ =	strace s17  }
0x99: {  	s3 =	sld [smem:$0x3FFC];
	_ =	sdelay $0x3  }
0x9a: {  	_ =	strace s3  }
0x9b: {  	s3 =	sld [smem:$0x3FFD];
	_ =	sdelay $0x3  }
0x9c: {  	_ =	strace s3  }
0x9d: {  	_ =	strace $0x8FFFFFFF  }
0x9e: {  	s18 =	sld [smem:$0x3FDB];
	_ =	sdelay $0x1  }
0x9f: {  	s19 =	simm.s32 $_scs_section_size  }
0xa0: {  	s5 =	simm.s32 $_size__tile_overlayer_lowered;
	s6 =	simm.s32 $_tile_overlayer_lowered  }
0xa1: {  	s22 =	simm.s32 $0x1BFF;
	s21 =	sshll.u32 s6, $0x1;
	s3 =	sadd.s32 s19, s18  }
0xa2: {  	s7 =	simm.s32 $0x0;
	s20 =	sshll.u32 s5, $0x1;
	s5 =	sadd.s32 s21, s3  }
0xa3: {  	[timem:s7], [sflag:s22] =	dma.local [hbm:s5], s20  }
0xa4: {  	_ =	swait.ge [sflag:s22], s20  }
0xa5: {  	s4 =	ssub.s32 $0x0, s20;
	[sflag:s22] =	ssyncset.done $0x0  }
0xa6: {  	[sflag:s22] =	ssyncadd.s32 s4;
	_ =	sdelay $0x1  }
0xa7: {  	s23 =	simm.s32 $0x1B8B  }
0xa8: {  	_ =	swait.ge [sflag:s23], $0x1  }
0xa9: {  	[sflag:s23] =	ssyncset.done $0x0  }
0xaa: {  	s25 =	simm.s32 $0x1B8E;
	s24 =	sld [smem:$0x3FFE];
	[sflag:s23] =	ssyncadd.s32 $0xFFFFFFFF  }
0xab: {  	s26 =	simm.s32 $execute0_lowered;
	[smem:$0x3FD2] =	sst s25  }
0xac: {  	s5 =	sshll.u32 s26, $0x1;
	_ =	strace $0x80000049;
	[dreg:$0x1] =	wrdreg $0xFFFFFFFF  }
0xad: {  	s28 =	simm.s32 $_size_execute0_lowered;
	s3 =	sadd.s32 s3, s5;
	[dreg:$0x0] =	wrdreg $0x0  }
0xae: {  	s5 =	sshll.u32 s28, $0x1;
	[dreg:$0x2] =	wrdreg s3  }
0xaf: {  	[dreg:$0x3] =	wrdreg s5  }
0xb0: {  	[dreg:$0x4] =	wrdreg $0xC0  }
0xb1: {  	_ =	task [dreg:s7], $0x5FFFF  }
0xb2: {  	[dreg:$0x1] =	wrdreg $0xFFFFFFFF  }
0xb3: {  	[dreg:$0x0] =	wrdreg $0x60  }
0xb4: {  	[dreg:$0x2] =	wrdreg s24  }
0xb5: {  	[dreg:$0x3] =	wrdreg s16  }
0xb6: {  	[dreg:$0x4] =	wrdreg $0x9  }
0xb7: {  	_ =	task.clear_ibuf [dreg:s7], $0x5FFFF;
	_ =	strace $0x90000049  }
0xb8: {  	s29 =	simm.s32 $0x9;
	_ =	strace $0x8000004B  }
0xb9: {  	_ =	swait.ge [sflag:s29], $0x1  }
0xba: {  	[sflag:s29] =	ssyncadd.s32 $0xFFFFFFFF  }
0xbb: {  	_ =	strace $0x9000004B  }
0xbc: {  	_ =	sfence  }
0xbd: {  	s30 =	sld [smem:$0x0];
	_ =	sdelay $0x2  }
0xbe: {  	s31 =	sshll.u32 s1, $0xD;
	s1 =	sshrl.u32 s1, $0x2  }
0xbf: {  	s3 =	sand.u32 $0x4000, s31;
	s1 =	sadd.s32 s1, s30  }
0xc0: {  	s0 =	sor.u32 s3, s0;
	s1 =	sshll.u32 s1, $0x11  }
0xc1: {  	s0 =	sor.u32 s1, s0  }
0xc2: {  	s0 =	sadd.s32 $0x8F2B, s0  }
0xc3: {  	[sflag:s0] =	ssyncadd.remote.s32 $0x1  }
0xc4: {  	_ =	sfence.sel $0xFFFF  }
0xc5: {  	[dreg:$0x0] =	wrdreg $0xFFFFFFFF;
	(pc) =	sbr.abs _section_cstart, $3  }
0xc6: {  	[dreg:$0x1] =	wrdreg $0xFFFFFFFF  }
0xc7: {  	_ =	task.clear_ibuf [dreg:s7], $0x2FFFF;
	_ =	strace $0x9FFFFFFF  }
0xc8: {  	(tm) =	ssettm $0x7FFFFFFF  }
0xc9: {  	_ =	shalt  }
tec
execute0_lowered:
.L_overlay_start_1:
0x0: {  	(tag) =	ssettag $0x1  }
0x1: {  	s0 =	rddreg [dreg:$0x0]  }
0x2: {  	s1 =	simm.s32 $0x0;
	s25 =	srdreg.scid;
	s6 =	stileid.u32  }
0x3: {  	s10 =	simm.s32 $0x2;
	s18 =	simm.s32 $0x3880;
	s19 =	simm.s32 $0x4080  }
0x4: {  	s20 =	simm.s32 $0x4880;
	s21 =	simm.s32 $0x5080;
	s22 =	simm.s32 $0x5880  }
0x5: {  	s23 =	simm.s32 $0x6080;
	s24 =	simm.s32 $0x6880;
	s28 =	simm.s32 $0x8080  }
0x6: {  	s29 =	simm.s32 $0x8880;
	s30 =	simm.s32 $0x9080;
	s31 =	simm.s32 $0x9880  }
0x7: {  	s9 =	simm.s32 $0xB080;
	s11 =	simm.s32 $0xC080;
	s13 =	simm.s32 $0x0  }
0x8: {  	[smem:$0x7FF] =	sst s1;
	s4 =	sadd.s32 $0x1EC0000, s0;
	s1 =	sand.u32 $0x1, s25  }
0x9: {  	s5 =	sadd.s32 $0x8200, s0;
	s6 =	sshll.u32 s6, $0xB;
	s7 =	sadd.s32 $0x1EC0100, s0  }
0xa: {  	s8 =	sadd.s32 $0x1EC0200, s0;
	s25 =	simm.s32 $0x7080;
	s2 =	ssub.s32 $0x2, s1  }
0xb: {  	s0 =	simm.s32 $0xA080;
	s1 =	sshll.u32 s1, $0xA;
	s3 =	sshrl.u32 s2, $0x1  }
0xc: {  	v2 =	vlaneseq.u32;
	_ =	strace $0x8000004A;
	s6 =	sor.u32 s1, s6;
	s2 =	ssub.s32 s2, s3  }
0xd: {  	vm0 =	vmmov $0xffff;
	v1 =	vshrl.u32 v2, $0x3;
	s1 =	simm.s32 $0xB880;
	s3 =	simm.s32 $0xA880;
	s26 =	smax.u32 s2, $0x1  }
0xe: {  	v0 =	vand.u32 $0x7, v2;
	v2 =	vor.u32 $0x8, v2;
	v1 =	vmul.u32 $0x8, v1;
	s2 =	simm.s32 $0x1;
	[dreg:$0x3] =	wrdreg s26;
	s26 =	simm.s32 $0x7880  }
.LBB2_1:
0xf: {  	[dreg:$0x4] =	wrdreg s13;
	s12 =	simm.s32 $0x0  }
.LBB2_2:
0x10: {  	s13 =	sshll.u32 s12, $0x3  }
0x11: {  	s13 =	sadd.s32 s6, s13  }
0x12: {  	s14 =	simm.s32 $0x0;
	s15 =	sadd.s32 s5, s13  }
0x13: {  	[tilespmem:s14], [sflag:$0x2] =	stream.linear.gather [hbm4b:s15+s14], $0x40, $0x38;
	[tilespmem:$0xD880] =	vst v63  }
0x14: {  	_ =	swait.ge [sflag:s10], $0x40  }
0x15: {  	[sflag:s10] =	ssyncset.done $0x0  }
0x16: {  	[sflag:s10] =	ssyncadd.s32 $0xFFFFFFC0  }
0x17: {  	v3 =	vld [tilespmem:$0x0];
	_ =	sdelay $0x4  }
0x18: {  	v4 =	vshrl.u32 v3, $0x3  }
0x19: {  	v4 =	vmul.u32 $0x30, v4  }
0x1a: {  	v3 =	vand.u32 $0x7, v3  }
0x1b: {  	v3 =	vor.u32 v3, v4  }
0x1c: {  	v4 =	vperm.xlane v3, v0;
	_ =	sdelay $0x1  }
0x1d: {  	v4 =	vadd.s32 v1, v4;
	_ =	sdelay $0x3  }
0x1e: {  	s17 =	simm.s32 $0x80;
	v3 =	vperm.xlane v3, v2  }
0x1f: {  	[tilespmem:s17], [sflag:$0x1] =	stream.indirect_vreg.gather [hbm4b:s4+s14], $0x80, v4, vm0, $0xb8;
	[tilespmem:$0xD880] =	vst v63  }
0x20: {  	s16 =	simm.s32 $0x880;
	v3 =	vadd.s32 v1, v3  }
0x21: {  	[tilespmem:s16], [sflag:$0x1] =	stream.indirect_vreg.gather [hbm4b:s7+s14], $0x80, v4, vm0, $0xb8;
	[tilespmem:$0xD880] =	vst v63  }
0x22: {  	s17 =	simm.s32 $0x1080  }
0x23: {  	[tilespmem:s17], [sflag:$0x1] =	stream.indirect_vreg.gather [hbm4b:s8+s14], $0x80, v4, vm0, $0xb8;
	[tilespmem:$0xD880] =	vst v63  }
0x24: {  	s16 =	simm.s32 $0x1880  }
0x25: {  	[tilespmem:s16], [sflag:$0x1] =	stream.indirect_vreg.gather [hbm4b:s4+s14], $0x80, v3, vm0, $0xb8;
	[tilespmem:$0xD880] =	vst v63  }
0x26: {  	s17 =	simm.s32 $0x2080  }
0x27: {  	[tilespmem:s17], [sflag:$0x1] =	stream.indirect_vreg.gather [hbm4b:s7+s14], $0x80, v3, vm0, $0xb8;
	[tilespmem:$0xD880] =	vst v63  }
0x28: {  	s16 =	simm.s32 $0x2880  }
0x29: {  	[tilespmem:s16], [sflag:$0x1] =	stream.indirect_vreg.gather [hbm4b:s8+s14], $0x80, v3, vm0, $0xb8;
	[tilespmem:$0xD880] =	vst v63  }
0x2a: {  	v3 =	vld [tilespmem:$0x10];
	_ =	sdelay $0x4  }
0x2b: {  	v61 =	vshrl.u32 v3, $0x3  }
0x2c: {  	v4 =	vmul.u32 $0x30, v61  }
0x2d: {  	v3 =	vand.u32 $0x7, v3  }
0x2e: {  	v3 =	vor.u32 v3, v4  }
0x2f: {  	v4 =	vperm.xlane v3, v0;
	_ =	sdelay $0x1  }
0x30: {  	v4 =	vadd.s32 v1, v4;
	_ =	sdelay $0x3  }
0x31: {  	s17 =	simm.s32 $0x3080;
	v3 =	vperm.xlane v3, v2  }
0x32: {  	[tilespmem:s17], [sflag:$0x1] =	stream.indirect_vreg.gather [hbm4b:s4+s14], $0x80, v4, vm0, $0xb8;
	[tilespmem:$0xD880] =	vst v63  }
0x33: {  	v3 =	vadd.s32 v1, v3  }
0x34: {  	[tilespmem:s18], [sflag:$0x1] =	stream.indirect_vreg.gather [hbm4b:s7+s14], $0x80, v4, vm0, $0xb8;
	[tilespmem:$0xD880] =	vst v63  }
0x35: {  	_ = 	snop  }
0x36: {  	[tilespmem:s19], [sflag:$0x1] =	stream.indirect_vreg.gather [hbm4b:s8+s14], $0x80, v4, vm0, $0xb8;
	[tilespmem:$0xD880] =	vst v63  }
0x37: {  	_ = 	snop  }
0x38: {  	[tilespmem:s20], [sflag:$0x1] =	stream.indirect_vreg.gather [hbm4b:s4+s14], $0x80, v3, vm0, $0xb8;
	[tilespmem:$0xD880] =	vst v63  }
0x39: {  	_ = 	snop  }
0x3a: {  	[tilespmem:s21], [sflag:$0x1] =	stream.indirect_vreg.gather [hbm4b:s7+s14], $0x80, v3, vm0, $0xb8;
	[tilespmem:$0xD880] =	vst v63  }
0x3b: {  	_ = 	snop  }
0x3c: {  	[tilespmem:s22], [sflag:$0x1] =	stream.indirect_vreg.gather [hbm4b:s8+s14], $0x80, v3, vm0, $0xb8;
	[tilespmem:$0xD880] =	vst v63  }
0x3d: {  	v3 =	vld [tilespmem:$0x20];
	_ =	sdelay $0x4  }
0x3e: {  	v62 =	vshrl.u32 v3, $0x3  }
0x3f: {  	v4 =	vmul.u32 $0x30, v62  }
0x40: {  	v3 =	vand.u32 $0x7, v3  }
0x41: {  	v3 =	vor.u32 v3, v4  }
0x42: {  	v4 =	vperm.xlane v3, v0;
	_ =	sdelay $0x1  }
0x43: {  	v4 =	vadd.s32 v1, v4;
	_ =	sdelay $0x3  }
0x44: {  	v3 =	vperm.xlane v3, v2  }
0x45: {  	[tilespmem:s23], [sflag:$0x1] =	stream.indirect_vreg.gather [hbm4b:s4+s14], $0x80, v4, vm0, $0xb8;
	[tilespmem:$0xD880] =	vst v63  }
0x46: {  	v3 =	vadd.s32 v1, v3  }
0x47: {  	[tilespmem:s24], [sflag:$0x1] =	stream.indirect_vreg.gather [hbm4b:s7+s14], $0x80, v4, vm0, $0xb8;
	[tilespmem:$0xD880] =	vst v63  }
0x48: {  	_ = 	snop  }
0x49: {  	[tilespmem:s25], [sflag:$0x1] =	stream.indirect_vreg.gather [hbm4b:s8+s14], $0x80, v4, vm0, $0xb8;
	[tilespmem:$0xD880] =	vst v63  }
0x4a: {  	_ = 	snop  }
0x4b: {  	[tilespmem:s26], [sflag:$0x1] =	stream.indirect_vreg.gather [hbm4b:s4+s14], $0x80, v3, vm0, $0xb8;
	[tilespmem:$0xD880] =	vst v63  }
0x4c: {  	_ = 	snop  }
0x4d: {  	[tilespmem:s28], [sflag:$0x1] =	stream.indirect_vreg.gather [hbm4b:s7+s14], $0x80, v3, vm0, $0xb8;
	[tilespmem:$0xD880] =	vst v63  }
0x4e: {  	_ = 	snop  }
0x4f: {  	[tilespmem:s29], [sflag:$0x1] =	stream.indirect_vreg.gather [hbm4b:s8+s14], $0x80, v3, vm0, $0xb8;
	[tilespmem:$0xD880] =	vst v63  }
0x50: {  	v3 =	vld [tilespmem:$0x30];
	_ =	sdelay $0x4  }
0x51: {  	v63 =	vshrl.u32 v3, $0x3  }
0x52: {  	v4 =	vmul.u32 $0x30, v63  }
0x53: {  	v3 =	vand.u32 $0x7, v3  }
0x54: {  	v3 =	vor.u32 v3, v4  }
0x55: {  	v4 =	vperm.xlane v3, v0;
	_ =	sdelay $0x1  }
0x56: {  	v4 =	vadd.s32 v1, v4;
	_ =	sdelay $0x3  }
0x57: {  	v3 =	vperm.xlane v3, v2  }
0x58: {  	[tilespmem:s30], [sflag:$0x1] =	stream.indirect_vreg.gather [hbm4b:s4+s14], $0x80, v4, vm0, $0xb8;
	[tilespmem:$0xD880] =	vst v63  }
0x59: {  	v3 =	vadd.s32 v1, v3  }
0x5a: {  	[tilespmem:s31], [sflag:$0x1] =	stream.indirect_vreg.gather [hbm4b:s7+s14], $0x80, v4, vm0, $0xb8;
	[tilespmem:$0xD880] =	vst v63  }
0x5b: {  	_ = 	snop  }
0x5c: {  	[tilespmem:s0], [sflag:$0x1] =	stream.indirect_vreg.gather [hbm4b:s8+s14], $0x80, v4, vm0, $0xb8;
	[tilespmem:$0xD880] =	vst v63  }
0x5d: {  	_ = 	snop  }
0x5e: {  	[tilespmem:s3], [sflag:$0x1] =	stream.indirect_vreg.gather [hbm4b:s4+s14], $0x80, v3, vm0, $0xb8;
	[tilespmem:$0xD880] =	vst v63  }
0x5f: {  	_ = 	snop  }
0x60: {  	[tilespmem:s9], [sflag:$0x1] =	stream.indirect_vreg.gather [hbm4b:s7+s14], $0x80, v3, vm0, $0xb8;
	[tilespmem:$0xD880] =	vst v63  }
0x61: {  	_ = 	snop  }
0x62: {  	[tilespmem:s1], [sflag:$0x1] =	stream.indirect_vreg.gather [hbm4b:s8+s14], $0x80, v3, vm0, $0xb8;
	[tilespmem:$0xD880] =	vst v63  }
0x63: {  	_ =	swait.ge [sflag:s2], $0xC000  }
0x64: {  	[sflag:s2] =	ssyncset.done $0x0  }
0x65: {  	s15 =	simm.s32 $0x0;
	[sflag:s2] =	ssyncadd.s32 $0xFFFF4000  }
.LBB2_3:
0x66: {  	s16 =	sand.u32 $0x70, s15;
	s17 =	sand.u32 $0x1C00, s14  }
0x67: {  	s16 =	sor.u32 s16, s17  }
0x68: {  	v3 =	vld [tilespmem:s16+$0x80]  }
0x69: {  	v4 =	vld [tilespmem:s16+$0x100]  }
0x6a: {  	v5 =	vld [tilespmem:s16+$0x180]  }
0x6b: {  	v6 =	vld [tilespmem:s16+$0x200]  }
0x6c: {  	v7 =	vld [tilespmem:s16+$0x280]  }
0x6d: {  	v8 =	vld [tilespmem:s16+$0x300]  }
0x6e: {  	v9 =	vld [tilespmem:s16+$0x380]  }
0x6f: {  	v11 =	vld [tilespmem:s16+$0x1880]  }
0x70: {  	v12 =	vld [tilespmem:s16+$0x1900]  }
0x71: {  	v13 =	vld [tilespmem:s16+$0x1980]  }
0x72: {  	v14 =	vld [tilespmem:s16+$0x1A00]  }
0x73: {  	v15 =	vld [tilespmem:s16+$0x1A80]  }
0x74: {  	v16 =	vld [tilespmem:s16+$0x1B00]  }
0x75: {  	v17 =	vld [tilespmem:s16+$0x1B80]  }
0x76: {  	v18 =	vld [tilespmem:s16+$0x1C00]  }
0x77: {  	v19 =	vld [tilespmem:s16+$0x3080]  }
0x78: {  	v20 =	vld [tilespmem:s16+$0x3100]  }
0x79: {  	v21 =	vld [tilespmem:s16+$0x3180]  }
0x7a: {  	v22 =	vld [tilespmem:s16+$0x3200]  }
0x7b: {  	v23 =	vld [tilespmem:s16+$0x3280]  }
0x7c: {  	v24 =	vld [tilespmem:s16+$0x3300]  }
0x7d: {  	v25 =	vld [tilespmem:s16+$0x3380]  }
0x7e: {  	v26 =	vld [tilespmem:s16+$0x3400]  }
0x7f: {  	v27 =	vld [tilespmem:s16+$0x4880]  }
0x80: {  	v28 =	vld [tilespmem:s16+$0x4900]  }
0x81: {  	v29 =	vld [tilespmem:s16+$0x4980]  }
0x82: {  	v30 =	vld [tilespmem:s16+$0x4A00]  }
0x83: {  	v31 =	vld [tilespmem:s16+$0x4A80]  }
0x84: {  	v32 =	vld [tilespmem:s16+$0x4B00]  }
0x85: {  	v33 =	vld [tilespmem:s16+$0x4B80]  }
0x86: {  	v34 =	vld [tilespmem:s16+$0x4C00]  }
0x87: {  	v35 =	vld [tilespmem:s16+$0x6080]  }
0x88: {  	v36 =	vld [tilespmem:s16+$0x6100]  }
0x89: {  	v37 =	vld [tilespmem:s16+$0x6180]  }
0x8a: {  	v38 =	vld [tilespmem:s16+$0x6200]  }
0x8b: {  	v39 =	vld [tilespmem:s16+$0x6280]  }
0x8c: {  	v57 =	vld [tilespmem:s16+$0x7880]  }
0x8d: {  	v59 =	vld [tilespmem:s16+$0x7900]  }
0x8e: {  	v40 =	vld [tilespmem:s16+$0x6300]  }
0x8f: {  	v41 =	vld [tilespmem:s16+$0x6380]  }
0x90: {  	v61 =	vld [tilespmem:s16+$0x7980];
	v3 =	vadd.f32 v4, v3;
	v11 =	vadd.f32 v12, v11  }
0x91: {  	v62 =	vld [tilespmem:s16+$0x7A00];
	v58 =	vadd.f32 v20, v19;
	v60 =	vadd.f32 v28, v27  }
0x92: {  	v63 =	vld [tilespmem:s16+$0x7A80];
	v45 =	vadd.f32 v36, v35;
	v12 =	vadd.f32 v59, v57  }
0x93: {  	v42 =	vld [tilespmem:s16+$0xA880];
	v3 =	vadd.f32 v5, v3;
	v11 =	vadd.f32 v13, v11  }
0x94: {  	v43 =	vld [tilespmem:s16+$0xA900];
	v5 =	vadd.f32 v21, v58;
	v13 =	vadd.f32 v29, v60  }
0x95: {  	v44 =	vld [tilespmem:s16+$0x9180];
	v21 =	vadd.f32 v37, v45;
	v12 =	vadd.f32 v61, v12  }
0x96: {  	v46 =	vld [tilespmem:s16+$0xA980];
	v3 =	vadd.f32 v6, v3;
	v11 =	vadd.f32 v14, v11  }
0x97: {  	v47 =	vld [tilespmem:s16+$0x9200];
	v5 =	vadd.f32 v22, v5;
	v13 =	vadd.f32 v30, v13  }
0x98: {  	v27 =	vld [tilespmem:s16+$0x7B00];
	v50 =	vadd.f32 v38, v21;
	v6 =	vadd.f32 v62, v12  }
0x99: {  	s17 =	sor.u32 s14, s15;
	v30 =	vld [tilespmem:s16+$0x9080];
	v3 =	vadd.f32 v7, v3;
	v11 =	vadd.f32 v15, v11  }
0x9a: {  	s17 =	sor.u32 $0x380, s17;
	v5 =	vadd.f32 v23, v5;
	v13 =	vadd.f32 v31, v13;
	v31 =	vld [tilespmem:s16+$0x9100]  }
0x9b: {  	v10 =	vld [tilespmem:s17+$0x80];
	v20 =	vadd.f32 v39, v50;
	v6 =	vadd.f32 v63, v6  }
0x9c: {  	v48 =	vld [tilespmem:s16+$0xAA00];
	v3 =	vadd.f32 v8, v3;
	v11 =	vadd.f32 v16, v11  }
0x9d: {  	v49 =	vld [tilespmem:s16+$0x9280];
	v5 =	vadd.f32 v24, v5;
	v13 =	vadd.f32 v32, v13  }
0x9e: {  	v51 =	vld [tilespmem:s16+$0xAA80];
	v55 =	vadd.f32 v40, v20;
	v3 =	vadd.f32 v9, v3  }
0x9f: {  	v28 =	vld [tilespmem:s16+$0x7B80];
	v6 =	vadd.f32 v27, v6;
	v9 =	vadd.f32 v31, v30  }
0xa0: {  	v52 =	vld [tilespmem:s16+$0x9300];
	v3 =	vadd.f32 v10, v3;
	v10 =	vadd.f32 v43, v42  }
0xa1: {  	v53 =	vld [tilespmem:s16+$0xAB00];
	v11 =	vadd.f32 v17, v11;
	v9 =	vadd.f32 v44, v9  }
0xa2: {  	v54 =	vld [tilespmem:s16+$0x9380];
	v5 =	vadd.f32 v25, v5;
	v10 =	vadd.f32 v46, v10  }
0xa3: {  	v56 =	vld [tilespmem:s16+$0xAB80];
	v13 =	vadd.f32 v33, v13;
	v9 =	vadd.f32 v47, v9  }
0xa4: {  	v4 =	vld [tilespmem:s16+$0x6400];
	v6 =	vadd.f32 v28, v6;
	v10 =	vadd.f32 v48, v10  }
0xa5: {  	v29 =	vld [tilespmem:s16+$0x7C00];
	v11 =	vadd.f32 v18, v11;
	v9 =	vadd.f32 v49, v9  }
0xa6: {  	v58 =	vld [tilespmem:s16+$0x9400];
	v5 =	vadd.f32 v26, v5;
	v57 =	vadd.f32 v51, v10  }
0xa7: {  	v59 =	vld [tilespmem:s16+$0xAC00];
	[tilespmem:s16+$0xC080] =	vst v3;
	v3 =	vadd.f32 v41, v55;
	v9 =	vadd.f32 v52, v9  }
0xa8: {  	v13 =	vadd.f32 v34, v13;
	[tilespmem:s16+$0xC100] =	vst v11;
	v7 =	vadd.f32 v53, v57  }
0xa9: {  	p0 =	sne.s32 s15, $0x2F0;
	[tilespmem:s16+$0xC180] =	vst v5;
	v3 =	vadd.f32 v4, v3;
	v60 =	vadd.f32 v54, v9  }
.Ltmp0:
0xaa: {  	v61 =	vadd.f32 v29, v6;
	[tilespmem:s16+$0xC200] =	vst v13;
	v62 =	vadd.f32 v56, v7;
	(pc) =	sbr.rel @p0 .LBB2_3-.Ltmp0, $4  }
0xab: {  	[tilespmem:s16+$0xC280] =	vst v3;
	v3 =	vadd.f32 v58, v60  }
0xac: {  	[tilespmem:s16+$0xC300] =	vst v61;
	v63 =	vadd.f32 v59, v62  }
0xad: {  	[tilespmem:s16+$0xC380] =	vst v3  }
0xae: {  	s14 =	sadd.s32 $0x80, s14;
	s15 =	sadd.s32 $0x10, s15;
	[tilespmem:s17+$0xC080] =	vst v63  }
0xaf: {  	s13 =	sshrl.u32 s13, $0x3  }
0xb0: {  	s12 =	sadd.s32 $0x1, s12;
	s13 =	smul.u32 $0x300, s13  }
0xb1: {  	s14 =	rddreg [dreg:$0x1];
	p0 =	sne.s32 s12, $0x80  }
.Ltmp1:
0xb2: {  	s17 =	simm.s32 $0x0;
	s13 =	sadd.s32 s14, s13;
	(pc) =	sbr.rel @p0 .LBB2_2-.Ltmp1, $4  }
0xb3: {  	[hbm4b:s13+s17] =	stream.linear.scatter [tilespmem:s11], [sflag:$0x2], $0x1800, $0x38;
	[tilespmem:$0xD880] =	vst v63  }
0xb4: {  	_ =	swait.ge [sflag:s10], $0x1800  }
0xb5: {  	[sflag:s10] =	ssyncset.done $0x0  }
0xb6: {  	[sflag:s10] =	ssyncadd.s32 $0xFFFFE800  }
0xb7: {  	s13 =	rddreg [dreg:$0x4]  }
0xb8: {  	s12 =	rddreg [dreg:$0x3];
	s13 =	sadd.s32 $0x1, s13  }
0xb9: {  	p0 =	sne.s32 s13, s12  }
.Ltmp2:
0xba: {  	_ = 	snop;
	(pc) =	sbr.rel @p0 .LBB2_1-.Ltmp2, $1  }
0xbb: {  	_ =	sdelay $0x3  }
0xbc: {  	_ =	sfence.sel $0x180000  }
0xbd: {  	[bflag:$0x0] =	sbarrier.arrive $0xFFFF  }
0xbe: {  	_ =	strace $0x9000004A  }
0xbf: {  	s0 =	stileid.u32;
	[bflag:$0x2] =	sbarrier.arrive $0xFFFF  }
0xc0: {  	p0 =	sne.s32 s0, $0x0;
	s0 =	rddreg [dreg:$0x2]  }
0xc1: {  	s0 =	sadd.s32 @!p0 $0x100000, s0  }
0xc2: {  	[sflag:s0] =	ssyncadd.tile.s32 @!p0 $0x1;
	_ =	shalt  }
.Lfunc_end2:
_tile_overlayer_lowered:
.L_overlay_start_2:
0xc3: {  	(tag) =	ssettag $0x2  }
0xc4: {  	s0 =	rddreg [dreg:$0x0];
	s2 =	stileid.u32  }
0xc5: {  	s1 =	rddreg [dreg:$0x1];
	p0 =	sne.s32 s2, $0x0  }
0xc6: {  	s3 =	rddreg [dreg:$0x2];
	[bflag:$0x3] =	sbarrier.arrive $0xFFFF;
	s2 =	simm.s32 @!p0 $0x1C02  }
0xc7: {  	[timem:s3], [sflag:s2] =	dma.local @!p0 [hbm:s0], s1  }
0xc8: {  	s0 =	simm.s32 @!p0 $0x2  }
0xc9: {  	_ =	swait.ge @!p0 [sflag:s0], s1  }
0xca: {  	s1 =	ssub.s32 @!p0 $0x0, s1;
	[sflag:s0] =	ssyncset.done @!p0 $0x0  }
0xcb: {  	[sflag:s0] =	ssyncadd.s32 @!p0 s1  }
0xcc: {  	[bflag:$0x3] =	sbarrier.arrive $0xFFFF  }
0xcd: {  	_ =	shalt  }

</sc_bundles>
